<compile_context>
chip_gen: v7x
topology: tpu7x:2x2x1
jax: 0.10.2.dev20260603
libtpu: 0.0.44.dev20260713+nightly
codegen_flags: <defaults>
</compile_context>

<pallas_src>
import functools

import jax
import jax.numpy as jnp
from jax import lax
from jax.experimental import pallas as pl
from jax.experimental.pallas import tpu as pltpu
from jax.experimental.pallas import tpu_sc as plsc

_NPAD = 10112
_K = 128
_EPAD = 163840


def _sc_aggregate(pf0, pf1, src, dst, zeros2d, ones2d, n_pad):
    mesh = plsc.VectorSubcoreMesh(core_axis_name="c", subcore_axis_name="s")
    e_per_tile = _EPAD // 16
    nc1 = e_per_tile // _K
    e_per_w = _EPAD // 32
    nc2 = e_per_w // _K
    rows_per_tile = n_pad // 16
    tail = rows_per_tile - 4 * _K

    @functools.partial(
        pl.kernel,
        out_type=(
            jax.ShapeDtypeStruct((2 * n_pad, 128), jnp.float32),
            jax.ShapeDtypeStruct((2 * n_pad, 128), jnp.float32),
        ),
        mesh=mesh,
        scratch_types=[
            pltpu.VMEM((_K,), jnp.int32),
            pltpu.VMEM((_K,), jnp.int32),
            pltpu.VMEM((_K,), jnp.int32),
            pltpu.VMEM((_K,), jnp.int32),
            pltpu.VMEM((_K, 128), jnp.float32),
            pltpu.VMEM((_K, 128), jnp.float32),
            pltpu.VMEM((_EPAD // 32,), jnp.int32),
            pltpu.VMEM((_EPAD // 32,), jnp.int32),
            pltpu.VMEM_SHARED((n_pad, 128), jnp.float32),
            pltpu.SemaphoreType.DMA,
            pltpu.SemaphoreType.DMA,
            pltpu.SemaphoreType.DMA,
            pltpu.SemaphoreType.DMA,
        ],
    )
    def agg(pf0_hbm, pf1_hbm, src_hbm, dst_hbm, z2_hbm, o2_hbm,
            sum_hbm, deg_hbm,
            isa, ida, isb, idb, rowsa, rowsb, src_all, dst_all,
            acc, sga, sgb, ssa, ssb):
        c = lax.axis_index("c")
        s = lax.axis_index("s")
        r0 = s * rows_per_tile
        base = s * e_per_tile

        pltpu.sync_copy(z2_hbm.at[pl.ds(0, _K), :], rowsa)

        def zbody(t, carry):
            pltpu.sync_copy(rowsa, acc.at[pl.ds(r0 + t * _K, _K), :])
            return carry
        lax.fori_loop(0, 4, zbody, 0)
        pltpu.sync_copy(rowsa.at[pl.ds(0, tail), :],
                        acc.at[pl.ds(r0 + 4 * _K, tail), :])
        plsc.subcore_barrier()

        def vcopy(dst_ref, src_ref, off):
            def cb(j, carry):
                dst_ref[pl.ds(j * 16, 16)] = src_ref[pl.ds(off + j * 16, 16)]
                return carry
            lax.fori_loop(0, _K // 16, cb, 0)

        def ld_idx(isx, idx, k):
            vcopy(isx, src_all, k * _K)
            vcopy(idx, dst_all, k * _K)

        half = e_per_tile // 2

        def pass1(tbl_hbm):
            for h in range(2):
                pltpu.sync_copy(src_hbm.at[pl.ds(base + h * half, half)],
                                src_all)
                pltpu.sync_copy(dst_hbm.at[pl.ds(base + h * half, half)],
                                dst_all)
                nch = half // _K
                ld_idx(isa, ida, 0)
                pltpu.async_copy(tbl_hbm.at[isa], rowsa, sga)

                def body(i, carry):
                    @pl.when(i > 0)
                    def _():
                        pltpu.make_async_copy(rowsb, acc.at[idb], ssb).wait()
                    ld_idx(isb, idb, 2 * i + 1)
                    pltpu.async_copy(tbl_hbm.at[isb], rowsb, sgb)
                    pltpu.make_async_copy(tbl_hbm.at[isa], rowsa, sga).wait()
                    pltpu.async_copy(rowsa, acc.at[ida], ssa, add=True)

                    @pl.when(i < nch // 2 - 1)
                    def _():
                        pltpu.make_async_copy(rowsa, acc.at[ida], ssa).wait()
                        ld_idx(isa, ida, 2 * i + 2)
                        pltpu.async_copy(tbl_hbm.at[isa], rowsa, sga)
                    pltpu.make_async_copy(tbl_hbm.at[isb], rowsb, sgb).wait()
                    pltpu.async_copy(rowsb, acc.at[idb], ssb, add=True)
                    return carry
                lax.fori_loop(0, nch // 2, body, 0)
                pltpu.make_async_copy(rowsa, acc.at[ida], ssa).wait()
                pltpu.make_async_copy(rowsb, acc.at[idb], ssb).wait()

        @pl.when(c == 0)
        def _():
            pass1(pf0_hbm)

        @pl.when(c == 1)
        def _():
            pass1(pf1_hbm)
        plsc.subcore_barrier()

        def obody(t, carry):
            pltpu.sync_copy(acc.at[pl.ds(r0 + t * _K, _K), :], rowsa)
            pltpu.sync_copy(
                rowsa, sum_hbm.at[pl.ds(c * n_pad + r0 + t * _K, _K), :])
            return carry
        lax.fori_loop(0, 4, obody, 0)
        pltpu.sync_copy(acc.at[pl.ds(r0 + 4 * _K, tail), :],
                        rowsa.at[pl.ds(0, tail), :])
        pltpu.sync_copy(
            rowsa.at[pl.ds(0, tail), :],
            sum_hbm.at[pl.ds(c * n_pad + r0 + 4 * _K, tail), :])
        plsc.subcore_barrier()

        pltpu.sync_copy(z2_hbm.at[pl.ds(0, _K), :], rowsa)

        def zbody2(t, carry):
            pltpu.sync_copy(rowsa, acc.at[pl.ds(r0 + t * _K, _K), :])
            return carry
        lax.fori_loop(0, 4, zbody2, 0)
        pltpu.sync_copy(rowsa.at[pl.ds(0, tail), :],
                        acc.at[pl.ds(r0 + 4 * _K, tail), :])
        plsc.subcore_barrier()

        pltpu.sync_copy(dst_hbm.at[pl.ds(base + c * half, half)], dst_all)
        pltpu.sync_copy(o2_hbm, rowsa)

        def dbody(i, carry):
            @pl.when(i > 0)
            def _():
                pltpu.make_async_copy(rowsa, acc.at[ida], ssa).wait()
            vcopy(ida, dst_all, (2 * i) * _K)
            pltpu.async_copy(rowsa, acc.at[ida], ssa, add=True)

            @pl.when(i > 0)
            def _():
                pltpu.make_async_copy(rowsa, acc.at[idb], ssb).wait()
            vcopy(idb, dst_all, (2 * i + 1) * _K)
            pltpu.async_copy(rowsa, acc.at[idb], ssb, add=True)
            return carry
        lax.fori_loop(0, nc2 // 2, dbody, 0)
        pltpu.make_async_copy(rowsa, acc.at[ida], ssa).wait()
        pltpu.make_async_copy(rowsa, acc.at[idb], ssb).wait()
        plsc.subcore_barrier()

        def dout(t, carry):
            pltpu.sync_copy(acc.at[pl.ds(r0 + t * _K, _K), :], rowsa)
            pltpu.sync_copy(
                rowsa, deg_hbm.at[pl.ds(c * n_pad + r0 + t * _K, _K), :])
            return carry
        lax.fori_loop(0, 4, dout, 0)
        pltpu.sync_copy(acc.at[pl.ds(r0 + 4 * _K, tail), :],
                        rowsa.at[pl.ds(0, tail), :])
        pltpu.sync_copy(
            rowsa.at[pl.ds(0, tail), :],
            deg_hbm.at[pl.ds(c * n_pad + r0 + 4 * _K, tail), :])

    return agg(pf0, pf1, src, dst, zeros2d, ones2d)


def _tc_finish(s0, s1, d0, d1, w0, w1):
    n = s0.shape[0]
    bn = 1000

    def body(s0_r, s1_r, d0_r, d1_r, w0_r, w1_r, o_r):
        d = d0_r[...][:, 0:1] + d1_r[...][:, 0:1]
        inv = 1.0 / jnp.maximum(d, 1.0)
        a = jnp.dot(s0_r[...] * inv, w0_r[...],
                    preferred_element_type=jnp.float32)
        a = a + jnp.dot(s1_r[...] * inv, w1_r[...],
                        preferred_element_type=jnp.float32)
        un = jnp.sqrt(jnp.sum(a * a, axis=1, keepdims=True))
        un_safe = jnp.maximum(un, 1e-8)
        ex = jnp.exp(un_safe)
        sinh = 0.5 * (ex - 1.0 / ex)
        xs = (sinh / un_safe) * a
        x0 = jnp.sqrt(1.0 + jnp.sum(xs * xs, axis=1, keepdims=True))
        o_r[...] = jnp.concatenate([x0, xs], axis=1)

    return pl.pallas_call(
        body,
        grid=(n // bn,),
        in_specs=[
            pl.BlockSpec((bn, 128), lambda i: (i, 0)),
            pl.BlockSpec((bn, 128), lambda i: (i, 0)),
            pl.BlockSpec((bn, 128), lambda i: (i, 0)),
            pl.BlockSpec((bn, 128), lambda i: (i, 0)),
            pl.BlockSpec((128, 256), lambda i: (0, 0)),
            pl.BlockSpec((128, 256), lambda i: (0, 0)),
        ],
        out_specs=pl.BlockSpec((bn, 257), lambda i: (i, 0)),
        out_shape=jax.ShapeDtypeStruct((n, 257), jnp.float32),
    )(s0, s1, d0, d1, w0, w1)


def kernel(protein_feat, edge_index, W):
    n = protein_feat.shape[0]
    e = edge_index.shape[1]
    n_pad = _NPAD
    src = edge_index[0].astype(jnp.int32)
    dst = edge_index[1].astype(jnp.int32)

    pad = _EPAD - e
    src_p = jnp.concatenate([src, jnp.zeros((pad,), jnp.int32)])
    dst_p = jnp.concatenate([dst, jnp.full((pad,), n_pad - 1, jnp.int32)])

    pf0 = protein_feat[:, :128]
    pf1 = protein_feat[:, 128:]
    zeros2d = jnp.zeros((n_pad, 128), jnp.float32)
    ones2d = jnp.ones((_K, 128), jnp.float32)

    sum_cat, deg2d = _sc_aggregate(pf0, pf1, src_p, dst_p, zeros2d,
                                   ones2d, n_pad)

    s0 = sum_cat[:n]
    s1 = sum_cat[n_pad:n_pad + n]
    d0 = deg2d[:n]
    d1 = deg2d[n_pad:n_pad + n]
    w0 = W[1:129, 1:]
    w1 = W[129:257, 1:]
    return _tc_finish(s0, s1, d0, d1, w0, w1)

# --- scband reference (transcript-rebuilt; emitter-appended) ---
"""Pipeline reference for scband-fully-hyperbolic-nn-65266323030309 (READ-ONLY COPY).

The authoritative reference and input builder live on the scoring server;
editing this copy changes nothing except your own understanding.
"""

import jax, jax.numpy as jnp
import numpy as np

N = 10000
E = 160000
D = 256  # feat_dim before Lorentz time-dim concat; working dim = D + 1 = 257
EPS = 1e-8


def expmap0(u):
    # Lorentz exponential map at the origin, k=1. u has time component at col 0 (ignored/zero).
    us = u[:, 1:]
    un = jnp.sqrt(jnp.sum(us * us, axis=-1, keepdims=True))
    un_safe = jnp.maximum(un, EPS)
    x0 = jnp.cosh(un)
    xs = (jnp.sinh(un_safe) / un_safe) * us
    return jnp.concatenate([x0, xs], axis=-1)


def logmap0(x):
    # Lorentz log map at origin, k=1. Returns tangent vector with time component 0.
    x0 = jnp.clip(x[:, 0:1], 1.0 + 1e-7, None)
    d = jnp.arccosh(x0)
    xs = x[:, 1:]
    xs_norm = jnp.maximum(jnp.sqrt(jnp.sum(xs * xs, axis=-1, keepdims=True)), EPS)
    us = d * xs / xs_norm
    return jnp.concatenate([jnp.zeros_like(x0), us], axis=-1)


def projx(x):
    # Project onto the Lorentz hyperboloid (k=1): x0 = sqrt(1 + ||x_s||^2)
    xs = x[:, 1:]
    x0 = jnp.sqrt(1.0 + jnp.sum(xs * xs, axis=-1, keepdims=True))
    return jnp.concatenate([x0, xs], axis=-1)


def setup_inputs(seed: int = 0) -> dict:
    key = jax.random.key(seed)
    k1, k2, k3, k4 = jax.random.split(key, 4)
    protein_feat = jax.random.normal(k1, (N, D), dtype=jnp.float32) * 0.05
    src = jax.random.randint(k2, (E,), 0, N)
    dst = jax.random.randint(k3, (E,), 0, N)
    edge_index = jnp.stack([src, dst], axis=0)
    # Learned weight of the single hyperbolic graph-conv layer (tangent-space linear)
    W = jax.random.normal(k4, (D + 1, D + 1), dtype=jnp.float32) * (1.0 / np.sqrt(D + 1))
    return {"protein_feat": protein_feat, "edge_index": edge_index, "W": W}


def reference(protein_feat, edge_index, W):
    # BaseModel.encode: prepend zero time column, Lorentz expmap0
    o = jnp.zeros((protein_feat.shape[0], 1), dtype=protein_feat.dtype)
    x = jnp.concatenate([o, protein_feat], axis=1)
    x = expmap0(x)
    # Encoder (HGCN-style layer): logmap0 -> linear -> mean neighbor aggregation -> expmap0
    u = logmap0(x)
    m = u @ W
    src = edge_index[0]
    dst = edge_index[1]
    msgs = jnp.take(m, src, axis=0)
    agg = jax.ops.segment_sum(msgs, dst, num_segments=N)
    deg = jax.ops.segment_sum(jnp.ones((E,), dtype=m.dtype), dst, num_segments=N)
    agg = agg / jnp.maximum(deg, 1.0)[:, None]
    # re-project to tangent at origin (zero time component) then exp back
    agg = jnp.concatenate([jnp.zeros((N, 1), dtype=agg.dtype), agg[:, 1:]], axis=1)
    h = expmap0(agg)
    # manifold.projx (Lorentz)
    h = projx(h)
    return h

if __name__ == "__main__":
    import jax
    _d = setup_inputs()
    print(jax.jit(kernel)(*tuple(_d.values())))

</pallas_src>

<mosaic_0001>
#map = affine_map<(d0, d1) -> (0, 0)>
#map1 = affine_map<(d0, d1) -> (0)>
module attributes {stable_mosaic.version = 14 : i64} {
  func.func @agg(%arg0: i32, %arg1: i32, %arg2: memref<10000x128xf32, #tpu.memory_space<hbm>>, %arg3: memref<10000x128xf32, #tpu.memory_space<hbm>>, %arg4: memref<163840xi32, #tpu.memory_space<hbm>>, %arg5: memref<163840xi32, #tpu.memory_space<hbm>>, %arg6: memref<10112x128xf32, #tpu.memory_space<hbm>>, %arg7: memref<128x128xf32, #tpu.memory_space<hbm>>, %arg8: memref<20224x128xf32, #tpu.memory_space<hbm>>, %arg9: memref<20224x128xf32, #tpu.memory_space<hbm>>, %arg10: memref<128xi32, #tpu.memory_space<vmem>>, %arg11: memref<128xi32, #tpu.memory_space<vmem>>, %arg12: memref<128xi32, #tpu.memory_space<vmem>>, %arg13: memref<128xi32, #tpu.memory_space<vmem>>, %arg14: memref<128x128xf32, #tpu.memory_space<vmem>>, %arg15: memref<128x128xf32, #tpu.memory_space<vmem>>, %arg16: memref<5120xi32, #tpu.memory_space<vmem>>, %arg17: memref<5120xi32, #tpu.memory_space<vmem>>, %arg18: memref<10112x128xf32, #tpu.memory_space<vmem_shared>>, %arg19: memref<!tpu.dma_semaphore, #tpu.memory_space<semaphore_mem>>, %arg20: memref<!tpu.dma_semaphore, #tpu.memory_space<semaphore_mem>>, %arg21: memref<!tpu.dma_semaphore, #tpu.memory_space<semaphore_mem>>, %arg22: memref<!tpu.dma_semaphore, #tpu.memory_space<semaphore_mem>>) attributes {dimension_semantics = [#tpu.dimension_semantics<core_parallel>, #tpu.dimension_semantics<subcore_parallel>], iteration_bounds = array<i64: 2, 16>, scalar_prefetch = 0 : i64, scratch_operands = 13 : i64, tpu.core_type = #tpu.core_type<sc_vector_subcore>, window_params = [{transform_indices = #map}, {transform_indices = #map}, {transform_indices = #map1}, {transform_indices = #map1}, {transform_indices = #map}, {transform_indices = #map}, {transform_indices = #map}, {transform_indices = #map}]} {
    %mul3A = arith.constant 632 : i32
    %mul3A_0 = arith.muli %arg1, %mul3A : i32
    %mul3A_1 = arith.constant 10240 : i32
    %mul3A_2 = arith.muli %arg1, %mul3A_1 : i32
    "tpu.region"() ({
      %run_scoped3A = tpu.sem_alloc : memref<!tpu.dma_semaphore, #tpu.memory_space<semaphore_mem>>
      %dma_start3A = arith.constant 0 : i32
      %dma_start3A_68 = arith.constant 0 : i32
      %dma_start3A_69 = tpu.memref_slice %arg6[%dma_start3A, %dma_start3A_68] : memref<10112x128xf32, #tpu.memory_space<hbm>> -> memref<128x128xf32, #tpu.memory_space<hbm>>
      %dma_start3A_70 = arith.constant 0 : i32
      %dma_start3A_71 = arith.constant 0 : i32
      %dma_start3A_72 = tpu.memref_slice %arg6[%dma_start3A_70, %dma_start3A_71] : memref<10112x128xf32, #tpu.memory_space<hbm>> -> memref<128x128xf32, #tpu.memory_space<hbm>>
      tpu.enqueue_dma source(%dma_start3A_72 : memref<128x128xf32, #tpu.memory_space<hbm>>) target(%arg14 : memref<128x128xf32, #tpu.memory_space<vmem>>) target_semaphore(%run_scoped3A : memref<!tpu.dma_semaphore, #tpu.memory_space<semaphore_mem>>)
      %dma_wait3A_73 = arith.constant 0 : i32
      %dma_wait3A_74 = arith.constant 0 : i32
      %dma_wait3A_75 = tpu.memref_slice %arg6[%dma_wait3A_73, %dma_wait3A_74] : memref<10112x128xf32, #tpu.memory_space<hbm>> -> memref<128x128xf32, #tpu.memory_space<hbm>>
      %dma_wait3A_76 = arith.constant 0 : i32
      %dma_wait3A_77 = arith.constant 0 : i32
      %dma_wait3A_78 = tpu.memref_slice %arg6[%dma_wait3A_76, %dma_wait3A_77] : memref<10112x128xf32, #tpu.memory_space<hbm>> -> memref<128x128xf32, #tpu.memory_space<hbm>>
      tpu.wait_dma2 semaphore(%run_scoped3A : memref<!tpu.dma_semaphore, #tpu.memory_space<semaphore_mem>>) src(%dma_wait3A_78 : memref<128x128xf32, #tpu.memory_space<hbm>>) dst(%arg14 : memref<128x128xf32, #tpu.memory_space<vmem>>)
      tpu.yield
    }) : () -> ()
    %scan3A = arith.constant 0 : i32
    %scan3A_3 = arith.constant 0 : i32
    %scan3A_4 = arith.constant 4 : i32
    %scan3A_5 = arith.addi %scan3A_3, %scan3A_4 : i32
    %scan3A_6 = arith.constant 1 : i32
    scf.for %scan3A_68 = %scan3A_3 to %scan3A_5 step %scan3A_6  : i32 {
      %mul3A_69 = arith.constant 128 : i32
      %mul3A_70 = arith.muli %scan3A_68, %mul3A_69 : i32
      %add3A_71 = arith.addi %mul3A_0, %mul3A_70 : i32
      "tpu.region"() ({
        %run_scoped3A = tpu.sem_alloc : memref<!tpu.dma_semaphore, #tpu.memory_space<semaphore_mem>>
        %dma_start3A = arith.constant 0 : i32
        %dma_start3A_72 = tpu.memref_slice %arg18[%add3A_71, %dma_start3A] : memref<10112x128xf32, #tpu.memory_space<vmem_shared>> -> memref<128x128xf32, #tpu.memory_space<vmem_shared>>
        %dma_start3A_73 = arith.constant 0 : i32
        %dma_start3A_74 = tpu.memref_slice %arg18[%add3A_71, %dma_start3A_73] : memref<10112x128xf32, #tpu.memory_space<vmem_shared>> -> memref<128x128xf32, #tpu.memory_space<vmem_shared>>
        tpu.enqueue_dma source(%arg14 : memref<128x128xf32, #tpu.memory_space<vmem>>) target(%dma_start3A_74 : memref<128x128xf32, #tpu.memory_space<vmem_shared>>) target_semaphore(%run_scoped3A : memref<!tpu.dma_semaphore, #tpu.memory_space<semaphore_mem>>)
        %dma_wait3A_75 = arith.constant 0 : i32
        %dma_wait3A_76 = tpu.memref_slice %arg18[%add3A_71, %dma_wait3A_75] : memref<10112x128xf32, #tpu.memory_space<vmem_shared>> -> memref<128x128xf32, #tpu.memory_space<vmem_shared>>
        %dma_wait3A_77 = arith.constant 0 : i32
        %dma_wait3A_78 = tpu.memref_slice %arg18[%add3A_71, %dma_wait3A_77] : memref<10112x128xf32, #tpu.memory_space<vmem_shared>> -> memref<128x128xf32, #tpu.memory_space<vmem_shared>>
        tpu.wait_dma2 semaphore(%run_scoped3A : memref<!tpu.dma_semaphore, #tpu.memory_space<semaphore_mem>>) src(%arg14 : memref<128x128xf32, #tpu.memory_space<vmem>>) dst(%dma_wait3A_78 : memref<128x128xf32, #tpu.memory_space<vmem_shared>>)
        tpu.yield
      }) : () -> ()
    }
    %scan3A_7 = arith.constant 4 : i32
    %add3A = arith.constant 512 : i32
    %add3A_8 = arith.addi %mul3A_0, %add3A : i32
    "tpu.region"() ({
      %run_scoped3A = tpu.sem_alloc : memref<!tpu.dma_semaphore, #tpu.memory_space<semaphore_mem>>
      %dma_start3A = arith.constant 0 : i32
      %dma_start3A_68 = arith.constant 0 : i32
      %dma_start3A_69 = tpu.memref_slice %arg14[%dma_start3A, %dma_start3A_68] : memref<128x128xf32, #tpu.memory_space<vmem>> -> memref<120x128xf32, #tpu.memory_space<vmem>>
      %dma_start3A_70 = arith.constant 0 : i32
      %dma_start3A_71 = tpu.memref_slice %arg18[%add3A_8, %dma_start3A_70] : memref<10112x128xf32, #tpu.memory_space<vmem_shared>> -> memref<120x128xf32, #tpu.memory_space<vmem_shared>>
      %dma_start3A_72 = arith.constant 0 : i32
      %dma_start3A_73 = tpu.memref_slice %arg18[%add3A_8, %dma_start3A_72] : memref<10112x128xf32, #tpu.memory_space<vmem_shared>> -> memref<120x128xf32, #tpu.memory_space<vmem_shared>>
      %dma_start3A_74 = arith.constant 0 : i32
      %dma_start3A_75 = arith.constant 0 : i32
      %dma_start3A_76 = tpu.memref_slice %arg14[%dma_start3A_74, %dma_start3A_75] : memref<128x128xf32, #tpu.memory_space<vmem>> -> memref<120x128xf32, #tpu.memory_space<vmem>>
      tpu.enqueue_dma source(%dma_start3A_76 : memref<120x128xf32, #tpu.memory_space<vmem>>) target(%dma_start3A_73 : memref<120x128xf32, #tpu.memory_space<vmem_shared>>) target_semaphore(%run_scoped3A : memref<!tpu.dma_semaphore, #tpu.memory_space<semaphore_mem>>)
      %dma_wait3A_77 = arith.constant 0 : i32
      %dma_wait3A_78 = arith.constant 0 : i32
      %dma_wait3A_79 = tpu.memref_slice %arg14[%dma_wait3A_77, %dma_wait3A_78] : memref<128x128xf32, #tpu.memory_space<vmem>> -> memref<120x128xf32, #tpu.memory_space<vmem>>
      %dma_wait3A_80 = arith.constant 0 : i32
      %dma_wait3A_81 = tpu.memref_slice %arg18[%add3A_8, %dma_wait3A_80] : memref<10112x128xf32, #tpu.memory_space<vmem_shared>> -> memref<120x128xf32, #tpu.memory_space<vmem_shared>>
      %dma_wait3A_82 = arith.constant 0 : i32
      %dma_wait3A_83 = tpu.memref_slice %arg18[%add3A_8, %dma_wait3A_82] : memref<10112x128xf32, #tpu.memory_space<vmem_shared>> -> memref<120x128xf32, #tpu.memory_space<vmem_shared>>
      %dma_wait3A_84 = arith.constant 0 : i32
      %dma_wait3A_85 = arith.constant 0 : i32
      %dma_wait3A_86 = tpu.memref_slice %arg14[%dma_wait3A_84, %dma_wait3A_85] : memref<128x128xf32, #tpu.memory_space<vmem>> -> memref<120x128xf32, #tpu.memory_space<vmem>>
      tpu.wait_dma2 semaphore(%run_scoped3A : memref<!tpu.dma_semaphore, #tpu.memory_space<semaphore_mem>>) src(%dma_wait3A_86 : memref<120x128xf32, #tpu.memory_space<vmem>>) dst(%dma_wait3A_83 : memref<120x128xf32, #tpu.memory_space<vmem_shared>>)
      tpu.yield
    }) : () -> ()
    %barrier3A = arith.constant 0 : index
    tpu.barrier barrier_id(%barrier3A)
    %eq3A = arith.constant 0 : i32
    %eq3A_9 = arith.cmpi eq, %arg0, %eq3A : i32
    %convert_element_type3A = arith.extui %eq3A_9 : i1 to i32
    %cond3A = arith.constant 0 : i32
    %cond3A_10 = arith.cmpi ne, %convert_element_type3A, %cond3A : i32
    scf.if %cond3A_10 {
      %add3A_68 = arith.constant 0 : i32
      %add3A_69 = arith.addi %mul3A_2, %add3A_68 : i32
      "tpu.region"() ({
        %run_scoped3A = tpu.sem_alloc : memref<!tpu.dma_semaphore, #tpu.memory_space<semaphore_mem>>
        %dma_start3A_129 = tpu.memref_slice %arg4[%add3A_69] : memref<163840xi32, #tpu.memory_space<hbm>> -> memref<5120xi32, #tpu.memory_space<hbm>>
        %dma_start3A_130 = tpu.memref_slice %arg4[%add3A_69] : memref<163840xi32, #tpu.memory_space<hbm>> -> memref<5120xi32, #tpu.memory_space<hbm>>
        tpu.enqueue_dma source(%dma_start3A_130 : memref<5120xi32, #tpu.memory_space<hbm>>) target(%arg16 : memref<5120xi32, #tpu.memory_space<vmem>>) target_semaphore(%run_scoped3A : memref<!tpu.dma_semaphore, #tpu.memory_space<semaphore_mem>>)
        %dma_wait3A_131 = tpu.memref_slice %arg4[%add3A_69] : memref<163840xi32, #tpu.memory_space<hbm>> -> memref<5120xi32, #tpu.memory_space<hbm>>
        %dma_wait3A_132 = tpu.memref_slice %arg4[%add3A_69] : memref<163840xi32, #tpu.memory_space<hbm>> -> memref<5120xi32, #tpu.memory_space<hbm>>
        tpu.wait_dma2 semaphore(%run_scoped3A : memref<!tpu.dma_semaphore, #tpu.memory_space<semaphore_mem>>) src(%dma_wait3A_132 : memref<5120xi32, #tpu.memory_space<hbm>>) dst(%arg16 : memref<5120xi32, #tpu.memory_space<vmem>>)
        tpu.yield
      }) : () -> ()
      %add3A_70 = arith.constant 0 : i32
      %add3A_71 = arith.addi %mul3A_2, %add3A_70 : i32
      "tpu.region"() ({
        %run_scoped3A = tpu.sem_alloc : memref<!tpu.dma_semaphore, #tpu.memory_space<semaphore_mem>>
        %dma_start3A_129 = tpu.memref_slice %arg5[%add3A_71] : memref<163840xi32, #tpu.memory_space<hbm>> -> memref<5120xi32, #tpu.memory_space<hbm>>
        %dma_start3A_130 = tpu.memref_slice %arg5[%add3A_71] : memref<163840xi32, #tpu.memory_space<hbm>> -> memref<5120xi32, #tpu.memory_space<hbm>>
        tpu.enqueue_dma source(%dma_start3A_130 : memref<5120xi32, #tpu.memory_space<hbm>>) target(%arg17 : memref<5120xi32, #tpu.memory_space<vmem>>) target_semaphore(%run_scoped3A : memref<!tpu.dma_semaphore, #tpu.memory_space<semaphore_mem>>)
        %dma_wait3A_131 = tpu.memref_slice %arg5[%add3A_71] : memref<163840xi32, #tpu.memory_space<hbm>> -> memref<5120xi32, #tpu.memory_space<hbm>>
        %dma_wait3A_132 = tpu.memref_slice %arg5[%add3A_71] : memref<163840xi32, #tpu.memory_space<hbm>> -> memref<5120xi32, #tpu.memory_space<hbm>>
        tpu.wait_dma2 semaphore(%run_scoped3A : memref<!tpu.dma_semaphore, #tpu.memory_space<semaphore_mem>>) src(%dma_wait3A_132 : memref<5120xi32, #tpu.memory_space<hbm>>) dst(%arg17 : memref<5120xi32, #tpu.memory_space<vmem>>)
        tpu.yield
      }) : () -> ()
      %scan3A_72 = arith.constant 0 : i32
      %scan3A_73 = arith.constant 0 : i32
      %scan3A_74 = arith.constant 8 : i32
      %scan3A_75 = arith.addi %scan3A_73, %scan3A_74 : i32
      %scan3A_76 = arith.constant 1 : i32
      scf.for %scan3A_129 = %scan3A_73 to %scan3A_75 step %scan3A_76  : i32 {
        %mul3A_130 = arith.constant 16 : i32
        %mul3A_131 = arith.muli %scan3A_129, %mul3A_130 : i32
        %add3A_132 = arith.constant 0 : i32
        %add3A_133 = arith.addi %add3A_132, %mul3A_131 : i32
        %get3A = arith.index_cast %add3A_133 : i32 to index
        %get3A_134 = tpu.vector_load %arg16[%get3A] {strides = array<i32>} : memref<5120xi32, #tpu.memory_space<vmem>>, vector<16xi32>,
        %get3A_135 = vector.shape_cast %get3A_134 : vector<16xi32> to vector<16xi32>
        %mul3A_136 = arith.constant 16 : i32
        %mul3A_137 = arith.muli %scan3A_129, %mul3A_136 : i32
        %swap3A = arith.index_cast %mul3A_137 : i32 to index
        %swap3A_138 = tpu.vector_load %arg10[%swap3A] {strides = array<i32>} : memref<128xi32, #tpu.memory_space<vmem>>, vector<16xi32>,
        %swap3A_139 = vector.shape_cast %swap3A_138 : vector<16xi32> to vector<16xi32>
        %swap3A_140 = vector.shape_cast %get3A_135 : vector<16xi32> to vector<16xi32>
        tpu.vector_store %arg10[%swap3A], %swap3A_140 {strides = array<i32>} : memref<128xi32, #tpu.memory_space<vmem>>, vector<16xi32>,
      }
      %scan3A_77 = arith.constant 8 : i32
      %scan3A_78 = arith.constant 0 : i32
      %scan3A_79 = arith.constant 0 : i32
      %scan3A_80 = arith.constant 8 : i32
      %scan3A_81 = arith.addi %scan3A_79, %scan3A_80 : i32
      %scan3A_82 = arith.constant 1 : i32
      scf.for %scan3A_129 = %scan3A_79 to %scan3A_81 step %scan3A_82  : i32 {
        %mul3A_130 = arith.constant 16 : i32
        %mul3A_131 = arith.muli %scan3A_129, %mul3A_130 : i32
        %add3A_132 = arith.constant 0 : i32
        %add3A_133 = arith.addi %add3A_132, %mul3A_131 : i32
        %get3A = arith.index_cast %add3A_133 : i32 to index
        %get3A_134 = tpu.vector_load %arg17[%get3A] {strides = array<i32>} : memref<5120xi32, #tpu.memory_space<vmem>>, vector<16xi32>,
        %get3A_135 = vector.shape_cast %get3A_134 : vector<16xi32> to vector<16xi32>
        %mul3A_136 = arith.constant 16 : i32
        %mul3A_137 = arith.muli %scan3A_129, %mul3A_136 : i32
        %swap3A = arith.index_cast %mul3A_137 : i32 to index
        %swap3A_138 = tpu.vector_load %arg11[%swap3A] {strides = array<i32>} : memref<128xi32, #tpu.memory_space<vmem>>, vector<16xi32>,
        %swap3A_139 = vector.shape_cast %swap3A_138 : vector<16xi32> to vector<16xi32>
        %swap3A_140 = vector.shape_cast %get3A_135 : vector<16xi32> to vector<16xi32>
        tpu.vector_store %arg11[%swap3A], %swap3A_140 {strides = array<i32>} : memref<128xi32, #tpu.memory_space<vmem>>, vector<16xi32>,
      }
      %scan3A_83 = arith.constant 8 : i32
      %dma_start3A = arith.constant 0 : i32
      %dma_start3A_84 = arith.constant 0 : i32
      %dma_start3A_85 = tpu.memref_slice %arg2[%dma_start3A, %dma_start3A_84] : memref<10000x128xf32, #tpu.memory_space<hbm>> -> memref<10000x128xf32, #tpu.memory_space<hbm>>
      tpu.enqueue_indirect_dma source(%dma_start3A_85 : memref<10000x128xf32, #tpu.memory_space<hbm>>) target(%arg14 : memref<128x128xf32, #tpu.memory_space<vmem>>) offsets(%arg10 : memref<128xi32, #tpu.memory_space<vmem>>) semaphore(%arg19 : memref<!tpu.dma_semaphore, #tpu.memory_space<semaphore_mem>>)
      %scan3A_86 = arith.constant 0 : i32
      %scan3A_87 = arith.constant 0 : i32
      %scan3A_88 = arith.constant 20 : i32
      %scan3A_89 = arith.addi %scan3A_87, %scan3A_88 : i32
      %scan3A_90 = arith.constant 1 : i32
      scf.for %scan3A_129 = %scan3A_87 to %scan3A_89 step %scan3A_90  : i32 {
        %gt3A = arith.constant 0 : i32
        %gt3A_130 = arith.cmpi sgt, %scan3A_129, %gt3A : i32
        %convert_element_type3A_131 = arith.extui %gt3A_130 : i1 to i32
        %cond3A_132 = arith.constant 0 : i32
        %cond3A_133 = arith.cmpi ne, %convert_element_type3A_131, %cond3A_132 : i32
        scf.if %cond3A_133 {
          %dma_wait3A_173 = arith.constant 0 : i32
          %dma_wait3A_174 = arith.constant 0 : i32
          %dma_wait3A_175 = tpu.memref_slice %arg18[%dma_wait3A_173, %dma_wait3A_174] : memref<10112x128xf32, #tpu.memory_space<vmem_shared>> -> memref<10112x128xf32, #tpu.memory_space<vmem_shared>>
          tpu.wait_indirect_dma semaphore(%arg22 : memref<!tpu.dma_semaphore, #tpu.memory_space<semaphore_mem>>) src(%arg15 : memref<128x128xf32, #tpu.memory_space<vmem>>) dst(%dma_wait3A_175 : memref<10112x128xf32, #tpu.memory_space<vmem_shared>>)
        } else {
        }
        %mul3A_134 = arith.constant 2 : i32
        %mul3A_135 = arith.muli %mul3A_134, %scan3A_129 : i32
        %add3A_136 = arith.constant 1 : i32
        %add3A_137 = arith.addi %mul3A_135, %add3A_136 : i32
        %mul3A_138 = arith.constant 128 : i32
        %mul3A_139 = arith.muli %add3A_137, %mul3A_138 : i32
        %scan3A_140 = arith.constant 0 : i32
        %scan3A_141 = arith.constant 0 : i32
        %scan3A_142 = arith.constant 8 : i32
        %scan3A_143 = arith.addi %scan3A_141, %scan3A_142 : i32
        %scan3A_144 = arith.constant 1 : i32
        scf.for %scan3A_173 = %scan3A_141 to %scan3A_143 step %scan3A_144  : i32 {
          %mul3A_174 = arith.constant 16 : i32
          %mul3A_175 = arith.muli %scan3A_173, %mul3A_174 : i32
          %add3A_176 = arith.addi %mul3A_139, %mul3A_175 : i32
          %get3A = arith.index_cast %add3A_176 : i32 to index
          %get3A_177 = tpu.vector_load %arg16[%get3A] {strides = array<i32>} : memref<5120xi32, #tpu.memory_space<vmem>>, vector<16xi32>,
          %get3A_178 = vector.shape_cast %get3A_177 : vector<16xi32> to vector<16xi32>
          %mul3A_179 = arith.constant 16 : i32
          %mul3A_180 = arith.muli %scan3A_173, %mul3A_179 : i32
          %swap3A = arith.index_cast %mul3A_180 : i32 to index
          %swap3A_181 = tpu.vector_load %arg12[%swap3A] {strides = array<i32>} : memref<128xi32, #tpu.memory_space<vmem>>, vector<16xi32>,
          %swap3A_182 = vector.shape_cast %swap3A_181 : vector<16xi32> to vector<16xi32>
          %swap3A_183 = vector.shape_cast %get3A_178 : vector<16xi32> to vector<16xi32>
          tpu.vector_store %arg12[%swap3A], %swap3A_183 {strides = array<i32>} : memref<128xi32, #tpu.memory_space<vmem>>, vector<16xi32>,
        }
        %scan3A_145 = arith.constant 8 : i32
        %mul3A_146 = arith.constant 128 : i32
        %mul3A_147 = arith.muli %add3A_137, %mul3A_146 : i32
        %scan3A_148 = arith.constant 0 : i32
        %scan3A_149 = arith.constant 0 : i32
        %scan3A_150 = arith.constant 8 : i32
        %scan3A_151 = arith.addi %scan3A_149, %scan3A_150 : i32
        %scan3A_152 = arith.constant 1 : i32
        scf.for %scan3A_173 = %scan3A_149 to %scan3A_151 step %scan3A_152  : i32 {
          %mul3A_174 = arith.constant 16 : i32
          %mul3A_175 = arith.muli %scan3A_173, %mul3A_174 : i32
          %add3A_176 = arith.addi %mul3A_147, %mul3A_175 : i32
          %get3A = arith.index_cast %add3A_176 : i32 to index
          %get3A_177 = tpu.vector_load %arg17[%get3A] {strides = array<i32>} : memref<5120xi32, #tpu.memory_space<vmem>>, vector<16xi32>,
          %get3A_178 = vector.shape_cast %get3A_177 : vector<16xi32> to vector<16xi32>
          %mul3A_179 = arith.constant 16 : i32
          %mul3A_180 = arith.muli %scan3A_173, %mul3A_179 : i32
          %swap3A = arith.index_cast %mul3A_180 : i32 to index
          %swap3A_181 = tpu.vector_load %arg13[%swap3A] {strides = array<i32>} : memref<128xi32, #tpu.memory_space<vmem>>, vector<16xi32>,
          %swap3A_182 = vector.shape_cast %swap3A_181 : vector<16xi32> to vector<16xi32>
          %swap3A_183 = vector.shape_cast %get3A_178 : vector<16xi32> to vector<16xi32>
          tpu.vector_store %arg13[%swap3A], %swap3A_183 {strides = array<i32>} : memref<128xi32, #tpu.memory_space<vmem>>, vector<16xi32>,
        }
        %scan3A_153 = arith.constant 8 : i32
        %dma_start3A_154 = arith.constant 0 : i32
        %dma_start3A_155 = arith.constant 0 : i32
        %dma_start3A_156 = tpu.memref_slice %arg2[%dma_start3A_154, %dma_start3A_155] : memref<10000x128xf32, #tpu.memory_space<hbm>> -> memref<10000x128xf32, #tpu.memory_space<hbm>>
        tpu.enqueue_indirect_dma source(%dma_start3A_156 : memref<10000x128xf32, #tpu.memory_space<hbm>>) target(%arg15 : memref<128x128xf32, #tpu.memory_space<vmem>>) offsets(%arg12 : memref<128xi32, #tpu.memory_space<vmem>>) semaphore(%arg20 : memref<!tpu.dma_semaphore, #tpu.memory_space<semaphore_mem>>)
        %dma_wait3A_157 = arith.constant 0 : i32
        %dma_wait3A_158 = arith.constant 0 : i32
        %dma_wait3A_159 = tpu.memref_slice %arg2[%dma_wait3A_157, %dma_wait3A_158] : memref<10000x128xf32, #tpu.memory_space<hbm>> -> memref<10000x128xf32, #tpu.memory_space<hbm>>
        tpu.wait_indirect_dma semaphore(%arg19 : memref<!tpu.dma_semaphore, #tpu.memory_space<semaphore_mem>>) src(%dma_wait3A_159 : memref<10000x128xf32, #tpu.memory_space<hbm>>) dst(%arg14 : memref<128x128xf32, #tpu.memory_space<vmem>>)
        %dma_start3A_160 = arith.constant 0 : i32
        %dma_start3A_161 = arith.constant 0 : i32
        %dma_start3A_162 = tpu.memref_slice %arg18[%dma_start3A_160, %dma_start3A_161] : memref<10112x128xf32, #tpu.memory_space<vmem_shared>> -> memref<10112x128xf32, #tpu.memory_space<vmem_shared>>
        tpu.enqueue_indirect_dma source(%arg14 : memref<128x128xf32, #tpu.memory_space<vmem>>) target(%dma_start3A_162 : memref<10112x128xf32, #tpu.memory_space<vmem_shared>>) offsets(%arg11 : memref<128xi32, #tpu.memory_space<vmem>>) semaphore(%arg21 : memref<!tpu.dma_semaphore, #tpu.memory_space<semaphore_mem>>) {add = true}
        %lt3A = arith.constant 19 : i32
        %lt3A_163 = arith.cmpi slt, %scan3A_129, %lt3A : i32
        %convert_element_type3A_164 = arith.extui %lt3A_163 : i1 to i32
        %cond3A_165 = arith.constant 0 : i32
        %cond3A_166 = arith.cmpi ne, %convert_element_type3A_164, %cond3A_165 : i32
        scf.if %cond3A_166 {
          %dma_wait3A_173 = arith.constant 0 : i32
          %dma_wait3A_174 = arith.constant 0 : i32
          %dma_wait3A_175 = tpu.memref_slice %arg18[%dma_wait3A_173, %dma_wait3A_174] : memref<10112x128xf32, #tpu.memory_space<vmem_shared>> -> memref<10112x128xf32, #tpu.memory_space<vmem_shared>>
          tpu.wait_indirect_dma semaphore(%arg21 : memref<!tpu.dma_semaphore, #tpu.memory_space<semaphore_mem>>) src(%arg14 : memref<128x128xf32, #tpu.memory_space<vmem>>) dst(%dma_wait3A_175 : memref<10112x128xf32, #tpu.memory_space<vmem_shared>>)
          %mul3A_176 = arith.constant 2 : i32
          %mul3A_177 = arith.muli %mul3A_176, %scan3A_129 : i32
          %add3A_178 = arith.constant 2 : i32
          %add3A_179 = arith.addi %mul3A_177, %add3A_178 : i32
          %mul3A_180 = arith.constant 128 : i32
          %mul3A_181 = arith.muli %add3A_179, %mul3A_180 : i32
          %scan3A_182 = arith.constant 0 : i32
          %scan3A_183 = arith.constant 0 : i32
          %scan3A_184 = arith.constant 8 : i32
          %scan3A_185 = arith.addi %scan3A_183, %scan3A_184 : i32
          %scan3A_186 = arith.constant 1 : i32
          scf.for %scan3A_199 = %scan3A_183 to %scan3A_185 step %scan3A_186  : i32 {
            %mul3A_200 = arith.constant 16 : i32
            %mul3A_201 = arith.muli %scan3A_199, %mul3A_200 : i32
            %add3A_202 = arith.addi %mul3A_181, %mul3A_201 : i32
            %get3A = arith.index_cast %add3A_202 : i32 to index
            %get3A_203 = tpu.vector_load %arg16[%get3A] {strides = array<i32>} : memref<5120xi32, #tpu.memory_space<vmem>>, vector<16xi32>,
            %get3A_204 = vector.shape_cast %get3A_203 : vector<16xi32> to vector<16xi32>
            %mul3A_205 = arith.constant 16 : i32
            %mul3A_206 = arith.muli %scan3A_199, %mul3A_205 : i32
            %swap3A = arith.index_cast %mul3A_206 : i32 to index
            %swap3A_207 = tpu.vector_load %arg10[%swap3A] {strides = array<i32>} : memref<128xi32, #tpu.memory_space<vmem>>, vector<16xi32>,
            %swap3A_208 = vector.shape_cast %swap3A_207 : vector<16xi32> to vector<16xi32>
            %swap3A_209 = vector.shape_cast %get3A_204 : vector<16xi32> to vector<16xi32>
            tpu.vector_store %arg10[%swap3A], %swap3A_209 {strides = array<i32>} : memref<128xi32, #tpu.memory_space<vmem>>, vector<16xi32>,
          }
          %scan3A_187 = arith.constant 8 : i32
          %mul3A_188 = arith.constant 128 : i32
          %mul3A_189 = arith.muli %add3A_179, %mul3A_188 : i32
          %scan3A_190 = arith.constant 0 : i32
          %scan3A_191 = arith.constant 0 : i32
          %scan3A_192 = arith.constant 8 : i32
          %scan3A_193 = arith.addi %scan3A_191, %scan3A_192 : i32
          %scan3A_194 = arith.constant 1 : i32
          scf.for %scan3A_199 = %scan3A_191 to %scan3A_193 step %scan3A_194  : i32 {
            %mul3A_200 = arith.constant 16 : i32
            %mul3A_201 = arith.muli %scan3A_199, %mul3A_200 : i32
            %add3A_202 = arith.addi %mul3A_189, %mul3A_201 : i32
            %get3A = arith.index_cast %add3A_202 : i32 to index
            %get3A_203 = tpu.vector_load %arg17[%get3A] {strides = array<i32>} : memref<5120xi32, #tpu.memory_space<vmem>>, vector<16xi32>,
            %get3A_204 = vector.shape_cast %get3A_203 : vector<16xi32> to vector<16xi32>
            %mul3A_205 = arith.constant 16 : i32
            %mul3A_206 = arith.muli %scan3A_199, %mul3A_205 : i32
            %swap3A = arith.index_cast %mul3A_206 : i32 to index
            %swap3A_207 = tpu.vector_load %arg11[%swap3A] {strides = array<i32>} : memref<128xi32, #tpu.memory_space<vmem>>, vector<16xi32>,
            %swap3A_208 = vector.shape_cast %swap3A_207 : vector<16xi32> to vector<16xi32>
            %swap3A_209 = vector.shape_cast %get3A_204 : vector<16xi32> to vector<16xi32>
            tpu.vector_store %arg11[%swap3A], %swap3A_209 {strides = array<i32>} : memref<128xi32, #tpu.memory_space<vmem>>, vector<16xi32>,
          }
          %scan3A_195 = arith.constant 8 : i32
          %dma_start3A_196 = arith.constant 0 : i32
          %dma_start3A_197 = arith.constant 0 : i32
          %dma_start3A_198 = tpu.memref_slice %arg2[%dma_start3A_196, %dma_start3A_197] : memref<10000x128xf32, #tpu.memory_space<hbm>> -> memref<10000x128xf32, #tpu.memory_space<hbm>>
          tpu.enqueue_indirect_dma source(%dma_start3A_198 : memref<10000x128xf32, #tpu.memory_space<hbm>>) target(%arg14 : memref<128x128xf32, #tpu.memory_space<vmem>>) offsets(%arg10 : memref<128xi32, #tpu.memory_space<vmem>>) semaphore(%arg19 : memref<!tpu.dma_semaphore, #tpu.memory_space<semaphore_mem>>)
        } else {
        }
        %dma_wait3A_167 = arith.constant 0 : i32
        %dma_wait3A_168 = arith.constant 0 : i32
        %dma_wait3A_169 = tpu.memref_slice %arg2[%dma_wait3A_167, %dma_wait3A_168] : memref<10000x128xf32, #tpu.memory_space<hbm>> -> memref<10000x128xf32, #tpu.memory_space<hbm>>
        tpu.wait_indirect_dma semaphore(%arg20 : memref<!tpu.dma_semaphore, #tpu.memory_space<semaphore_mem>>) src(%dma_wait3A_169 : memref<10000x128xf32, #tpu.memory_space<hbm>>) dst(%arg15 : memref<128x128xf32, #tpu.memory_space<vmem>>)
        %dma_start3A_170 = arith.constant 0 : i32
        %dma_start3A_171 = arith.constant 0 : i32
        %dma_start3A_172 = tpu.memref_slice %arg18[%dma_start3A_170, %dma_start3A_171] : memref<10112x128xf32, #tpu.memory_space<vmem_shared>> -> memref<10112x128xf32, #tpu.memory_space<vmem_shared>>
        tpu.enqueue_indirect_dma source(%arg15 : memref<128x128xf32, #tpu.memory_space<vmem>>) target(%dma_start3A_172 : memref<10112x128xf32, #tpu.memory_space<vmem_shared>>) offsets(%arg13 : memref<128xi32, #tpu.memory_space<vmem>>) semaphore(%arg22 : memref<!tpu.dma_semaphore, #tpu.memory_space<semaphore_mem>>) {add = true}
      }
      %scan3A_91 = arith.constant 20 : i32
      %dma_wait3A_92 = arith.constant 0 : i32
      %dma_wait3A_93 = arith.constant 0 : i32
      %dma_wait3A_94 = tpu.memref_slice %arg18[%dma_wait3A_92, %dma_wait3A_93] : memref<10112x128xf32, #tpu.memory_space<vmem_shared>> -> memref<10112x128xf32, #tpu.memory_space<vmem_shared>>
      tpu.wait_indirect_dma semaphore(%arg21 : memref<!tpu.dma_semaphore, #tpu.memory_space<semaphore_mem>>) src(%arg14 : memref<128x128xf32, #tpu.memory_space<vmem>>) dst(%dma_wait3A_94 : memref<10112x128xf32, #tpu.memory_space<vmem_shared>>)
      %dma_wait3A_95 = arith.constant 0 : i32
      %dma_wait3A_96 = arith.constant 0 : i32
      %dma_wait3A_97 = tpu.memref_slice %arg18[%dma_wait3A_95, %dma_wait3A_96] : memref<10112x128xf32, #tpu.memory_space<vmem_shared>> -> memref<10112x128xf32, #tpu.memory_space<vmem_shared>>
      tpu.wait_indirect_dma semaphore(%arg22 : memref<!tpu.dma_semaphore, #tpu.memory_space<semaphore_mem>>) src(%arg15 : memref<128x128xf32, #tpu.memory_space<vmem>>) dst(%dma_wait3A_97 : memref<10112x128xf32, #tpu.memory_space<vmem_shared>>)
      %add3A_98 = arith.constant 5120 : i32
      %add3A_99 = arith.addi %mul3A_2, %add3A_98 : i32
      "tpu.region"() ({
        %run_scoped3A = tpu.sem_alloc : memref<!tpu.dma_semaphore, #tpu.memory_space<semaphore_mem>>
        %dma_start3A_129 = tpu.memref_slice %arg4[%add3A_99] : memref<163840xi32, #tpu.memory_space<hbm>> -> memref<5120xi32, #tpu.memory_space<hbm>>
        %dma_start3A_130 = tpu.memref_slice %arg4[%add3A_99] : memref<163840xi32, #tpu.memory_space<hbm>> -> memref<5120xi32, #tpu.memory_space<hbm>>
        tpu.enqueue_dma source(%dma_start3A_130 : memref<5120xi32, #tpu.memory_space<hbm>>) target(%arg16 : memref<5120xi32, #tpu.memory_space<vmem>>) target_semaphore(%run_scoped3A : memref<!tpu.dma_semaphore, #tpu.memory_space<semaphore_mem>>)
        %dma_wait3A_131 = tpu.memref_slice %arg4[%add3A_99] : memref<163840xi32, #tpu.memory_space<hbm>> -> memref<5120xi32, #tpu.memory_space<hbm>>
        %dma_wait3A_132 = tpu.memref_slice %arg4[%add3A_99] : memref<163840xi32, #tpu.memory_space<hbm>> -> memref<5120xi32, #tpu.memory_space<hbm>>
        tpu.wait_dma2 semaphore(%run_scoped3A : memref<!tpu.dma_semaphore, #tpu.memory_space<semaphore_mem>>) src(%dma_wait3A_132 : memref<5120xi32, #tpu.memory_space<hbm>>) dst(%arg16 : memref<5120xi32, #tpu.memory_space<vmem>>)
        tpu.yield
      }) : () -> ()
      %add3A_100 = arith.constant 5120 : i32
      %add3A_101 = arith.addi %mul3A_2, %add3A_100 : i32
      "tpu.region"() ({
        %run_scoped3A = tpu.sem_alloc : memref<!tpu.dma_semaphore, #tpu.memory_space<semaphore_mem>>
        %dma_start3A_129 = tpu.memref_slice %arg5[%add3A_101] : memref<163840xi32, #tpu.memory_space<hbm>> -> memref<5120xi32, #tpu.memory_space<hbm>>
        %dma_start3A_130 = tpu.memref_slice %arg5[%add3A_101] : memref<163840xi32, #tpu.memory_space<hbm>> -> memref<5120xi32, #tpu.memory_space<hbm>>
        tpu.enqueue_dma source(%dma_start3A_130 : memref<5120xi32, #tpu.memory_space<hbm>>) target(%arg17 : memref<5120xi32, #tpu.memory_space<vmem>>) target_semaphore(%run_scoped3A : memref<!tpu.dma_semaphore, #tpu.memory_space<semaphore_mem>>)
        %dma_wait3A_131 = tpu.memref_slice %arg5[%add3A_101] : memref<163840xi32, #tpu.memory_space<hbm>> -> memref<5120xi32, #tpu.memory_space<hbm>>
        %dma_wait3A_132 = tpu.memref_slice %arg5[%add3A_101] : memref<163840xi32, #tpu.memory_space<hbm>> -> memref<5120xi32, #tpu.memory_space<hbm>>
        tpu.wait_dma2 semaphore(%run_scoped3A : memref<!tpu.dma_semaphore, #tpu.memory_space<semaphore_mem>>) src(%dma_wait3A_132 : memref<5120xi32, #tpu.memory_space<hbm>>) dst(%arg17 : memref<5120xi32, #tpu.memory_space<vmem>>)
        tpu.yield
      }) : () -> ()
      %scan3A_102 = arith.constant 0 : i32
      %scan3A_103 = arith.constant 0 : i32
      %scan3A_104 = arith.constant 8 : i32
      %scan3A_105 = arith.addi %scan3A_103, %scan3A_104 : i32
      %scan3A_106 = arith.constant 1 : i32
      scf.for %scan3A_129 = %scan3A_103 to %scan3A_105 step %scan3A_106  : i32 {
        %mul3A_130 = arith.constant 16 : i32
        %mul3A_131 = arith.muli %scan3A_129, %mul3A_130 : i32
        %add3A_132 = arith.constant 0 : i32
        %add3A_133 = arith.addi %add3A_132, %mul3A_131 : i32
        %get3A = arith.index_cast %add3A_133 : i32 to index
        %get3A_134 = tpu.vector_load %arg16[%get3A] {strides = array<i32>} : memref<5120xi32, #tpu.memory_space<vmem>>, vector<16xi32>,
        %get3A_135 = vector.shape_cast %get3A_134 : vector<16xi32> to vector<16xi32>
        %mul3A_136 = arith.constant 16 : i32
        %mul3A_137 = arith.muli %scan3A_129, %mul3A_136 : i32
        %swap3A = arith.index_cast %mul3A_137 : i32 to index
        %swap3A_138 = tpu.vector_load %arg10[%swap3A] {strides = array<i32>} : memref<128xi32, #tpu.memory_space<vmem>>, vector<16xi32>,
        %swap3A_139 = vector.shape_cast %swap3A_138 : vector<16xi32> to vector<16xi32>
        %swap3A_140 = vector.shape_cast %get3A_135 : vector<16xi32> to vector<16xi32>
        tpu.vector_store %arg10[%swap3A], %swap3A_140 {strides = array<i32>} : memref<128xi32, #tpu.memory_space<vmem>>, vector<16xi32>,
      }
      %scan3A_107 = arith.constant 8 : i32
      %scan3A_108 = arith.constant 0 : i32
      %scan3A_109 = arith.constant 0 : i32
      %scan3A_110 = arith.constant 8 : i32
      %scan3A_111 = arith.addi %scan3A_109, %scan3A_110 : i32
      %scan3A_112 = arith.constant 1 : i32
      scf.for %scan3A_129 = %scan3A_109 to %scan3A_111 step %scan3A_112  : i32 {
        %mul3A_130 = arith.constant 16 : i32
        %mul3A_131 = arith.muli %scan3A_129, %mul3A_130 : i32
        %add3A_132 = arith.constant 0 : i32
        %add3A_133 = arith.addi %add3A_132, %mul3A_131 : i32
        %get3A = arith.index_cast %add3A_133 : i32 to index
        %get3A_134 = tpu.vector_load %arg17[%get3A] {strides = array<i32>} : memref<5120xi32, #tpu.memory_space<vmem>>, vector<16xi32>,
        %get3A_135 = vector.shape_cast %get3A_134 : vector<16xi32> to vector<16xi32>
        %mul3A_136 = arith.constant 16 : i32
        %mul3A_137 = arith.muli %scan3A_129, %mul3A_136 : i32
        %swap3A = arith.index_cast %mul3A_137 : i32 to index
        %swap3A_138 = tpu.vector_load %arg11[%swap3A] {strides = array<i32>} : memref<128xi32, #tpu.memory_space<vmem>>, vector<16xi32>,
        %swap3A_139 = vector.shape_cast %swap3A_138 : vector<16xi32> to vector<16xi32>
        %swap3A_140 = vector.shape_cast %get3A_135 : vector<16xi32> to vector<16xi32>
        tpu.vector_store %arg11[%swap3A], %swap3A_140 {strides = array<i32>} : memref<128xi32, #tpu.memory_space<vmem>>, vector<16xi32>,
      }
      %scan3A_113 = arith.constant 8 : i32
      %dma_start3A_114 = arith.constant 0 : i32
      %dma_start3A_115 = arith.constant 0 : i32
      %dma_start3A_116 = tpu.memref_slice %arg2[%dma_start3A_114, %dma_start3A_115] : memref<10000x128xf32, #tpu.memory_space<hbm>> -> memref<10000x128xf32, #tpu.memory_space<hbm>>
      tpu.enqueue_indirect_dma source(%dma_start3A_116 : memref<10000x128xf32, #tpu.memory_space<hbm>>) target(%arg14 : memref<128x128xf32, #tpu.memory_space<vmem>>) offsets(%arg10 : memref<128xi32, #tpu.memory_space<vmem>>) semaphore(%arg19 : memref<!tpu.dma_semaphore, #tpu.memory_space<semaphore_mem>>)
      %scan3A_117 = arith.constant 0 : i32
      %scan3A_118 = arith.constant 0 : i32
      %scan3A_119 = arith.constant 20 : i32
      %scan3A_120 = arith.addi %scan3A_118, %scan3A_119 : i32
      %scan3A_121 = arith.constant 1 : i32
      scf.for %scan3A_129 = %scan3A_118 to %scan3A_120 step %scan3A_121  : i32 {
        %gt3A = arith.constant 0 : i32
        %gt3A_130 = arith.cmpi sgt, %scan3A_129, %gt3A : i32
        %convert_element_type3A_131 = arith.extui %gt3A_130 : i1 to i32
        %cond3A_132 = arith.constant 0 : i32
        %cond3A_133 = arith.cmpi ne, %convert_element_type3A_131, %cond3A_132 : i32
        scf.if %cond3A_133 {
          %dma_wait3A_173 = arith.constant 0 : i32
          %dma_wait3A_174 = arith.constant 0 : i32
          %dma_wait3A_175 = tpu.memref_slice %arg18[%dma_wait3A_173, %dma_wait3A_174] : memref<10112x128xf32, #tpu.memory_space<vmem_shared>> -> memref<10112x128xf32, #tpu.memory_space<vmem_shared>>
          tpu.wait_indirect_dma semaphore(%arg22 : memref<!tpu.dma_semaphore, #tpu.memory_space<semaphore_mem>>) src(%arg15 : memref<128x128xf32, #tpu.memory_space<vmem>>) dst(%dma_wait3A_175 : memref<10112x128xf32, #tpu.memory_space<vmem_shared>>)
        } else {
        }
        %mul3A_134 = arith.constant 2 : i32
        %mul3A_135 = arith.muli %mul3A_134, %scan3A_129 : i32
        %add3A_136 = arith.constant 1 : i32
        %add3A_137 = arith.addi %mul3A_135, %add3A_136 : i32
        %mul3A_138 = arith.constant 128 : i32
        %mul3A_139 = arith.muli %add3A_137, %mul3A_138 : i32
        %scan3A_140 = arith.constant 0 : i32
        %scan3A_141 = arith.constant 0 : i32
        %scan3A_142 = arith.constant 8 : i32
        %scan3A_143 = arith.addi %scan3A_141, %scan3A_142 : i32
        %scan3A_144 = arith.constant 1 : i32
        scf.for %scan3A_173 = %scan3A_141 to %scan3A_143 step %scan3A_144  : i32 {
          %mul3A_174 = arith.constant 16 : i32
          %mul3A_175 = arith.muli %scan3A_173, %mul3A_174 : i32
          %add3A_176 = arith.addi %mul3A_139, %mul3A_175 : i32
          %get3A = arith.index_cast %add3A_176 : i32 to index
          %get3A_177 = tpu.vector_load %arg16[%get3A] {strides = array<i32>} : memref<5120xi32, #tpu.memory_space<vmem>>, vector<16xi32>,
          %get3A_178 = vector.shape_cast %get3A_177 : vector<16xi32> to vector<16xi32>
          %mul3A_179 = arith.constant 16 : i32
          %mul3A_180 = arith.muli %scan3A_173, %mul3A_179 : i32
          %swap3A = arith.index_cast %mul3A_180 : i32 to index
          %swap3A_181 = tpu.vector_load %arg12[%swap3A] {strides = array<i32>} : memref<128xi32, #tpu.memory_space<vmem>>, vector<16xi32>,
          %swap3A_182 = vector.shape_cast %swap3A_181 : vector<16xi32> to vector<16xi32>
          %swap3A_183 = vector.shape_cast %get3A_178 : vector<16xi32> to vector<16xi32>
          tpu.vector_store %arg12[%swap3A], %swap3A_183 {strides = array<i32>} : memref<128xi32, #tpu.memory_space<vmem>>, vector<16xi32>,
        }
        %scan3A_145 = arith.constant 8 : i32
        %mul3A_146 = arith.constant 128 : i32
        %mul3A_147 = arith.muli %add3A_137, %mul3A_146 : i32
        %scan3A_148 = arith.constant 0 : i32
        %scan3A_149 = arith.constant 0 : i32
        %scan3A_150 = arith.constant 8 : i32
        %scan3A_151 = arith.addi %scan3A_149, %scan3A_150 : i32
        %scan3A_152 = arith.constant 1 : i32
        scf.for %scan3A_173 = %scan3A_149 to %scan3A_151 step %scan3A_152  : i32 {
          %mul3A_174 = arith.constant 16 : i32
          %mul3A_175 = arith.muli %scan3A_173, %mul3A_174 : i32
          %add3A_176 = arith.addi %mul3A_147, %mul3A_175 : i32
          %get3A = arith.index_cast %add3A_176 : i32 to index
          %get3A_177 = tpu.vector_load %arg17[%get3A] {strides = array<i32>} : memref<5120xi32, #tpu.memory_space<vmem>>, vector<16xi32>,
          %get3A_178 = vector.shape_cast %get3A_177 : vector<16xi32> to vector<16xi32>
          %mul3A_179 = arith.constant 16 : i32
          %mul3A_180 = arith.muli %scan3A_173, %mul3A_179 : i32
          %swap3A = arith.index_cast %mul3A_180 : i32 to index
          %swap3A_181 = tpu.vector_load %arg13[%swap3A] {strides = array<i32>} : memref<128xi32, #tpu.memory_space<vmem>>, vector<16xi32>,
          %swap3A_182 = vector.shape_cast %swap3A_181 : vector<16xi32> to vector<16xi32>
          %swap3A_183 = vector.shape_cast %get3A_178 : vector<16xi32> to vector<16xi32>
          tpu.vector_store %arg13[%swap3A], %swap3A_183 {strides = array<i32>} : memref<128xi32, #tpu.memory_space<vmem>>, vector<16xi32>,
        }
        %scan3A_153 = arith.constant 8 : i32
        %dma_start3A_154 = arith.constant 0 : i32
        %dma_start3A_155 = arith.constant 0 : i32
        %dma_start3A_156 = tpu.memref_slice %arg2[%dma_start3A_154, %dma_start3A_155] : memref<10000x128xf32, #tpu.memory_space<hbm>> -> memref<10000x128xf32, #tpu.memory_space<hbm>>
        tpu.enqueue_indirect_dma source(%dma_start3A_156 : memref<10000x128xf32, #tpu.memory_space<hbm>>) target(%arg15 : memref<128x128xf32, #tpu.memory_space<vmem>>) offsets(%arg12 : memref<128xi32, #tpu.memory_space<vmem>>) semaphore(%arg20 : memref<!tpu.dma_semaphore, #tpu.memory_space<semaphore_mem>>)
        %dma_wait3A_157 = arith.constant 0 : i32
        %dma_wait3A_158 = arith.constant 0 : i32
        %dma_wait3A_159 = tpu.memref_slice %arg2[%dma_wait3A_157, %dma_wait3A_158] : memref<10000x128xf32, #tpu.memory_space<hbm>> -> memref<10000x128xf32, #tpu.memory_space<hbm>>
        tpu.wait_indirect_dma semaphore(%arg19 : memref<!tpu.dma_semaphore, #tpu.memory_space<semaphore_mem>>) src(%dma_wait3A_159 : memref<10000x128xf32, #tpu.memory_space<hbm>>) dst(%arg14 : memref<128x128xf32, #tpu.memory_space<vmem>>)
        %dma_start3A_160 = arith.constant 0 : i32
        %dma_start3A_161 = arith.constant 0 : i32
        %dma_start3A_162 = tpu.memref_slice %arg18[%dma_start3A_160, %dma_start3A_161] : memref<10112x128xf32, #tpu.memory_space<vmem_shared>> -> memref<10112x128xf32, #tpu.memory_space<vmem_shared>>
        tpu.enqueue_indirect_dma source(%arg14 : memref<128x128xf32, #tpu.memory_space<vmem>>) target(%dma_start3A_162 : memref<10112x128xf32, #tpu.memory_space<vmem_shared>>) offsets(%arg11 : memref<128xi32, #tpu.memory_space<vmem>>) semaphore(%arg21 : memref<!tpu.dma_semaphore, #tpu.memory_space<semaphore_mem>>) {add = true}
        %lt3A = arith.constant 19 : i32
        %lt3A_163 = arith.cmpi slt, %scan3A_129, %lt3A : i32
        %convert_element_type3A_164 = arith.extui %lt3A_163 : i1 to i32
        %cond3A_165 = arith.constant 0 : i32
        %cond3A_166 = arith.cmpi ne, %convert_element_type3A_164, %cond3A_165 : i32
        scf.if %cond3A_166 {
          %dma_wait3A_173 = arith.constant 0 : i32
          %dma_wait3A_174 = arith.constant 0 : i32
          %dma_wait3A_175 = tpu.memref_slice %arg18[%dma_wait3A_173, %dma_wait3A_174] : memref<10112x128xf32, #tpu.memory_space<vmem_shared>> -> memref<10112x128xf32, #tpu.memory_space<vmem_shared>>
          tpu.wait_indirect_dma semaphore(%arg21 : memref<!tpu.dma_semaphore, #tpu.memory_space<semaphore_mem>>) src(%arg14 : memref<128x128xf32, #tpu.memory_space<vmem>>) dst(%dma_wait3A_175 : memref<10112x128xf32, #tpu.memory_space<vmem_shared>>)
          %mul3A_176 = arith.constant 2 : i32
          %mul3A_177 = arith.muli %mul3A_176, %scan3A_129 : i32
          %add3A_178 = arith.constant 2 : i32
          %add3A_179 = arith.addi %mul3A_177, %add3A_178 : i32
          %mul3A_180 = arith.constant 128 : i32
          %mul3A_181 = arith.muli %add3A_179, %mul3A_180 : i32
          %scan3A_182 = arith.constant 0 : i32
          %scan3A_183 = arith.constant 0 : i32
          %scan3A_184 = arith.constant 8 : i32
          %scan3A_185 = arith.addi %scan3A_183, %scan3A_184 : i32
          %scan3A_186 = arith.constant 1 : i32
          scf.for %scan3A_199 = %scan3A_183 to %scan3A_185 step %scan3A_186  : i32 {
            %mul3A_200 = arith.constant 16 : i32
            %mul3A_201 = arith.muli %scan3A_199, %mul3A_200 : i32
            %add3A_202 = arith.addi %mul3A_181, %mul3A_201 : i32
            %get3A = arith.index_cast %add3A_202 : i32 to index
            %get3A_203 = tpu.vector_load %arg16[%get3A] {strides = array<i32>} : memref<5120xi32, #tpu.memory_space<vmem>>, vector<16xi32>,
            %get3A_204 = vector.shape_cast %get3A_203 : vector<16xi32> to vector<16xi32>
            %mul3A_205 = arith.constant 16 : i32
            %mul3A_206 = arith.muli %scan3A_199, %mul3A_205 : i32
            %swap3A = arith.index_cast %mul3A_206 : i32 to index
            %swap3A_207 = tpu.vector_load %arg10[%swap3A] {strides = array<i32>} : memref<128xi32, #tpu.memory_space<vmem>>, vector<16xi32>,
            %swap3A_208 = vector.shape_cast %swap3A_207 : vector<16xi32> to vector<16xi32>
            %swap3A_209 = vector.shape_cast %get3A_204 : vector<16xi32> to vector<16xi32>
            tpu.vector_store %arg10[%swap3A], %swap3A_209 {strides = array<i32>} : memref<128xi32, #tpu.memory_space<vmem>>, vector<16xi32>,
          }
          %scan3A_187 = arith.constant 8 : i32
          %mul3A_188 = arith.constant 128 : i32
          %mul3A_189 = arith.muli %add3A_179, %mul3A_188 : i32
          %scan3A_190 = arith.constant 0 : i32
          %scan3A_191 = arith.constant 0 : i32
          %scan3A_192 = arith.constant 8 : i32
          %scan3A_193 = arith.addi %scan3A_191, %scan3A_192 : i32
          %scan3A_194 = arith.constant 1 : i32
          scf.for %scan3A_199 = %scan3A_191 to %scan3A_193 step %scan3A_194  : i32 {
            %mul3A_200 = arith.constant 16 : i32
            %mul3A_201 = arith.muli %scan3A_199, %mul3A_200 : i32
            %add3A_202 = arith.addi %mul3A_189, %mul3A_201 : i32
            %get3A = arith.index_cast %add3A_202 : i32 to index
            %get3A_203 = tpu.vector_load %arg17[%get3A] {strides = array<i32>} : memref<5120xi32, #tpu.memory_space<vmem>>, vector<16xi32>,
            %get3A_204 = vector.shape_cast %get3A_203 : vector<16xi32> to vector<16xi32>
            %mul3A_205 = arith.constant 16 : i32
            %mul3A_206 = arith.muli %scan3A_199, %mul3A_205 : i32
            %swap3A = arith.index_cast %mul3A_206 : i32 to index
            %swap3A_207 = tpu.vector_load %arg11[%swap3A] {strides = array<i32>} : memref<128xi32, #tpu.memory_space<vmem>>, vector<16xi32>,
            %swap3A_208 = vector.shape_cast %swap3A_207 : vector<16xi32> to vector<16xi32>
            %swap3A_209 = vector.shape_cast %get3A_204 : vector<16xi32> to vector<16xi32>
            tpu.vector_store %arg11[%swap3A], %swap3A_209 {strides = array<i32>} : memref<128xi32, #tpu.memory_space<vmem>>, vector<16xi32>,
          }
          %scan3A_195 = arith.constant 8 : i32
          %dma_start3A_196 = arith.constant 0 : i32
          %dma_start3A_197 = arith.constant 0 : i32
          %dma_start3A_198 = tpu.memref_slice %arg2[%dma_start3A_196, %dma_start3A_197] : memref<10000x128xf32, #tpu.memory_space<hbm>> -> memref<10000x128xf32, #tpu.memory_space<hbm>>
          tpu.enqueue_indirect_dma source(%dma_start3A_198 : memref<10000x128xf32, #tpu.memory_space<hbm>>) target(%arg14 : memref<128x128xf32, #tpu.memory_space<vmem>>) offsets(%arg10 : memref<128xi32, #tpu.memory_space<vmem>>) semaphore(%arg19 : memref<!tpu.dma_semaphore, #tpu.memory_space<semaphore_mem>>)
        } else {
        }
        %dma_wait3A_167 = arith.constant 0 : i32
        %dma_wait3A_168 = arith.constant 0 : i32
        %dma_wait3A_169 = tpu.memref_slice %arg2[%dma_wait3A_167, %dma_wait3A_168] : memref<10000x128xf32, #tpu.memory_space<hbm>> -> memref<10000x128xf32, #tpu.memory_space<hbm>>
        tpu.wait_indirect_dma semaphore(%arg20 : memref<!tpu.dma_semaphore, #tpu.memory_space<semaphore_mem>>) src(%dma_wait3A_169 : memref<10000x128xf32, #tpu.memory_space<hbm>>) dst(%arg15 : memref<128x128xf32, #tpu.memory_space<vmem>>)
        %dma_start3A_170 = arith.constant 0 : i32
        %dma_start3A_171 = arith.constant 0 : i32
        %dma_start3A_172 = tpu.memref_slice %arg18[%dma_start3A_170, %dma_start3A_171] : memref<10112x128xf32, #tpu.memory_space<vmem_shared>> -> memref<10112x128xf32, #tpu.memory_space<vmem_shared>>
        tpu.enqueue_indirect_dma source(%arg15 : memref<128x128xf32, #tpu.memory_space<vmem>>) target(%dma_start3A_172 : memref<10112x128xf32, #tpu.memory_space<vmem_shared>>) offsets(%arg13 : memref<128xi32, #tpu.memory_space<vmem>>) semaphore(%arg22 : memref<!tpu.dma_semaphore, #tpu.memory_space<semaphore_mem>>) {add = true}
      }
      %scan3A_122 = arith.constant 20 : i32
      %dma_wait3A_123 = arith.constant 0 : i32
      %dma_wait3A_124 = arith.constant 0 : i32
      %dma_wait3A_125 = tpu.memref_slice %arg18[%dma_wait3A_123, %dma_wait3A_124] : memref<10112x128xf32, #tpu.memory_space<vmem_shared>> -> memref<10112x128xf32, #tpu.memory_space<vmem_shared>>
      tpu.wait_indirect_dma semaphore(%arg21 : memref<!tpu.dma_semaphore, #tpu.memory_space<semaphore_mem>>) src(%arg14 : memref<128x128xf32, #tpu.memory_space<vmem>>) dst(%dma_wait3A_125 : memref<10112x128xf32, #tpu.memory_space<vmem_shared>>)
      %dma_wait3A_126 = arith.constant 0 : i32
      %dma_wait3A_127 = arith.constant 0 : i32
      %dma_wait3A_128 = tpu.memref_slice %arg18[%dma_wait3A_126, %dma_wait3A_127] : memref<10112x128xf32, #tpu.memory_space<vmem_shared>> -> memref<10112x128xf32, #tpu.memory_space<vmem_shared>>
      tpu.wait_indirect_dma semaphore(%arg22 : memref<!tpu.dma_semaphore, #tpu.memory_space<semaphore_mem>>) src(%arg15 : memref<128x128xf32, #tpu.memory_space<vmem>>) dst(%dma_wait3A_128 : memref<10112x128xf32, #tpu.memory_space<vmem_shared>>)
    } else {
    }
    %eq3A_11 = arith.constant 1 : i32
    %eq3A_12 = arith.cmpi eq, %arg0, %eq3A_11 : i32
    %convert_element_type3A_13 = arith.extui %eq3A_12 : i1 to i32
    %cond3A_14 = arith.constant 0 : i32
    %cond3A_15 = arith.cmpi ne, %convert_element_type3A_13, %cond3A_14 : i32
    scf.if %cond3A_15 {
      %add3A_68 = arith.constant 0 : i32
      %add3A_69 = arith.addi %mul3A_2, %add3A_68 : i32
      "tpu.region"() ({
        %run_scoped3A = tpu.sem_alloc : memref<!tpu.dma_semaphore, #tpu.memory_space<semaphore_mem>>
        %dma_start3A_129 = tpu.memref_slice %arg4[%add3A_69] : memref<163840xi32, #tpu.memory_space<hbm>> -> memref<5120xi32, #tpu.memory_space<hbm>>
        %dma_start3A_130 = tpu.memref_slice %arg4[%add3A_69] : memref<163840xi32, #tpu.memory_space<hbm>> -> memref<5120xi32, #tpu.memory_space<hbm>>
        tpu.enqueue_dma source(%dma_start3A_130 : memref<5120xi32, #tpu.memory_space<hbm>>) target(%arg16 : memref<5120xi32, #tpu.memory_space<vmem>>) target_semaphore(%run_scoped3A : memref<!tpu.dma_semaphore, #tpu.memory_space<semaphore_mem>>)
        %dma_wait3A_131 = tpu.memref_slice %arg4[%add3A_69] : memref<163840xi32, #tpu.memory_space<hbm>> -> memref<5120xi32, #tpu.memory_space<hbm>>
        %dma_wait3A_132 = tpu.memref_slice %arg4[%add3A_69] : memref<163840xi32, #tpu.memory_space<hbm>> -> memref<5120xi32, #tpu.memory_space<hbm>>
        tpu.wait_dma2 semaphore(%run_scoped3A : memref<!tpu.dma_semaphore, #tpu.memory_space<semaphore_mem>>) src(%dma_wait3A_132 : memref<5120xi32, #tpu.memory_space<hbm>>) dst(%arg16 : memref<5120xi32, #tpu.memory_space<vmem>>)
        tpu.yield
      }) : () -> ()
      %add3A_70 = arith.constant 0 : i32
      %add3A_71 = arith.addi %mul3A_2, %add3A_70 : i32
      "tpu.region"() ({
        %run_scoped3A = tpu.sem_alloc : memref<!tpu.dma_semaphore, #tpu.memory_space<semaphore_mem>>
        %dma_start3A_129 = tpu.memref_slice %arg5[%add3A_71] : memref<163840xi32, #tpu.memory_space<hbm>> -> memref<5120xi32, #tpu.memory_space<hbm>>
        %dma_start3A_130 = tpu.memref_slice %arg5[%add3A_71] : memref<163840xi32, #tpu.memory_space<hbm>> -> memref<5120xi32, #tpu.memory_space<hbm>>
        tpu.enqueue_dma source(%dma_start3A_130 : memref<5120xi32, #tpu.memory_space<hbm>>) target(%arg17 : memref<5120xi32, #tpu.memory_space<vmem>>) target_semaphore(%run_scoped3A : memref<!tpu.dma_semaphore, #tpu.memory_space<semaphore_mem>>)
        %dma_wait3A_131 = tpu.memref_slice %arg5[%add3A_71] : memref<163840xi32, #tpu.memory_space<hbm>> -> memref<5120xi32, #tpu.memory_space<hbm>>
        %dma_wait3A_132 = tpu.memref_slice %arg5[%add3A_71] : memref<163840xi32, #tpu.memory_space<hbm>> -> memref<5120xi32, #tpu.memory_space<hbm>>
        tpu.wait_dma2 semaphore(%run_scoped3A : memref<!tpu.dma_semaphore, #tpu.memory_space<semaphore_mem>>) src(%dma_wait3A_132 : memref<5120xi32, #tpu.memory_space<hbm>>) dst(%arg17 : memref<5120xi32, #tpu.memory_space<vmem>>)
        tpu.yield
      }) : () -> ()
      %scan3A_72 = arith.constant 0 : i32
      %scan3A_73 = arith.constant 0 : i32
      %scan3A_74 = arith.constant 8 : i32
      %scan3A_75 = arith.addi %scan3A_73, %scan3A_74 : i32
      %scan3A_76 = arith.constant 1 : i32
      scf.for %scan3A_129 = %scan3A_73 to %scan3A_75 step %scan3A_76  : i32 {
        %mul3A_130 = arith.constant 16 : i32
        %mul3A_131 = arith.muli %scan3A_129, %mul3A_130 : i32
        %add3A_132 = arith.constant 0 : i32
        %add3A_133 = arith.addi %add3A_132, %mul3A_131 : i32
        %get3A = arith.index_cast %add3A_133 : i32 to index
        %get3A_134 = tpu.vector_load %arg16[%get3A] {strides = array<i32>} : memref<5120xi32, #tpu.memory_space<vmem>>, vector<16xi32>,
        %get3A_135 = vector.shape_cast %get3A_134 : vector<16xi32> to vector<16xi32>
        %mul3A_136 = arith.constant 16 : i32
        %mul3A_137 = arith.muli %scan3A_129, %mul3A_136 : i32
        %swap3A = arith.index_cast %mul3A_137 : i32 to index
        %swap3A_138 = tpu.vector_load %arg10[%swap3A] {strides = array<i32>} : memref<128xi32, #tpu.memory_space<vmem>>, vector<16xi32>,
        %swap3A_139 = vector.shape_cast %swap3A_138 : vector<16xi32> to vector<16xi32>
        %swap3A_140 = vector.shape_cast %get3A_135 : vector<16xi32> to vector<16xi32>
        tpu.vector_store %arg10[%swap3A], %swap3A_140 {strides = array<i32>} : memref<128xi32, #tpu.memory_space<vmem>>, vector<16xi32>,
      }
      %scan3A_77 = arith.constant 8 : i32
      %scan3A_78 = arith.constant 0 : i32
      %scan3A_79 = arith.constant 0 : i32
      %scan3A_80 = arith.constant 8 : i32
      %scan3A_81 = arith.addi %scan3A_79, %scan3A_80 : i32
      %scan3A_82 = arith.constant 1 : i32
      scf.for %scan3A_129 = %scan3A_79 to %scan3A_81 step %scan3A_82  : i32 {
        %mul3A_130 = arith.constant 16 : i32
        %mul3A_131 = arith.muli %scan3A_129, %mul3A_130 : i32
        %add3A_132 = arith.constant 0 : i32
        %add3A_133 = arith.addi %add3A_132, %mul3A_131 : i32
        %get3A = arith.index_cast %add3A_133 : i32 to index
        %get3A_134 = tpu.vector_load %arg17[%get3A] {strides = array<i32>} : memref<5120xi32, #tpu.memory_space<vmem>>, vector<16xi32>,
        %get3A_135 = vector.shape_cast %get3A_134 : vector<16xi32> to vector<16xi32>
        %mul3A_136 = arith.constant 16 : i32
        %mul3A_137 = arith.muli %scan3A_129, %mul3A_136 : i32
        %swap3A = arith.index_cast %mul3A_137 : i32 to index
        %swap3A_138 = tpu.vector_load %arg11[%swap3A] {strides = array<i32>} : memref<128xi32, #tpu.memory_space<vmem>>, vector<16xi32>,
        %swap3A_139 = vector.shape_cast %swap3A_138 : vector<16xi32> to vector<16xi32>
        %swap3A_140 = vector.shape_cast %get3A_135 : vector<16xi32> to vector<16xi32>
        tpu.vector_store %arg11[%swap3A], %swap3A_140 {strides = array<i32>} : memref<128xi32, #tpu.memory_space<vmem>>, vector<16xi32>,
      }
      %scan3A_83 = arith.constant 8 : i32
      %dma_start3A = arith.constant 0 : i32
      %dma_start3A_84 = arith.constant 0 : i32
      %dma_start3A_85 = tpu.memref_slice %arg3[%dma_start3A, %dma_start3A_84] : memref<10000x128xf32, #tpu.memory_space<hbm>> -> memref<10000x128xf32, #tpu.memory_space<hbm>>
      tpu.enqueue_indirect_dma source(%dma_start3A_85 : memref<10000x128xf32, #tpu.memory_space<hbm>>) target(%arg14 : memref<128x128xf32, #tpu.memory_space<vmem>>) offsets(%arg10 : memref<128xi32, #tpu.memory_space<vmem>>) semaphore(%arg19 : memref<!tpu.dma_semaphore, #tpu.memory_space<semaphore_mem>>)
      %scan3A_86 = arith.constant 0 : i32
      %scan3A_87 = arith.constant 0 : i32
      %scan3A_88 = arith.constant 20 : i32
      %scan3A_89 = arith.addi %scan3A_87, %scan3A_88 : i32
      %scan3A_90 = arith.constant 1 : i32
      scf.for %scan3A_129 = %scan3A_87 to %scan3A_89 step %scan3A_90  : i32 {
        %gt3A = arith.constant 0 : i32
        %gt3A_130 = arith.cmpi sgt, %scan3A_129, %gt3A : i32
        %convert_element_type3A_131 = arith.extui %gt3A_130 : i1 to i32
        %cond3A_132 = arith.constant 0 : i32
        %cond3A_133 = arith.cmpi ne, %convert_element_type3A_131, %cond3A_132 : i32
        scf.if %cond3A_133 {
          %dma_wait3A_173 = arith.constant 0 : i32
          %dma_wait3A_174 = arith.constant 0 : i32
          %dma_wait3A_175 = tpu.memref_slice %arg18[%dma_wait3A_173, %dma_wait3A_174] : memref<10112x128xf32, #tpu.memory_space<vmem_shared>> -> memref<10112x128xf32, #tpu.memory_space<vmem_shared>>
          tpu.wait_indirect_dma semaphore(%arg22 : memref<!tpu.dma_semaphore, #tpu.memory_space<semaphore_mem>>) src(%arg15 : memref<128x128xf32, #tpu.memory_space<vmem>>) dst(%dma_wait3A_175 : memref<10112x128xf32, #tpu.memory_space<vmem_shared>>)
        } else {
        }
        %mul3A_134 = arith.constant 2 : i32
        %mul3A_135 = arith.muli %mul3A_134, %scan3A_129 : i32
        %add3A_136 = arith.constant 1 : i32
        %add3A_137 = arith.addi %mul3A_135, %add3A_136 : i32
        %mul3A_138 = arith.constant 128 : i32
        %mul3A_139 = arith.muli %add3A_137, %mul3A_138 : i32
        %scan3A_140 = arith.constant 0 : i32
        %scan3A_141 = arith.constant 0 : i32
        %scan3A_142 = arith.constant 8 : i32
        %scan3A_143 = arith.addi %scan3A_141, %scan3A_142 : i32
        %scan3A_144 = arith.constant 1 : i32
        scf.for %scan3A_173 = %scan3A_141 to %scan3A_143 step %scan3A_144  : i32 {
          %mul3A_174 = arith.constant 16 : i32
          %mul3A_175 = arith.muli %scan3A_173, %mul3A_174 : i32
          %add3A_176 = arith.addi %mul3A_139, %mul3A_175 : i32
          %get3A = arith.index_cast %add3A_176 : i32 to index
          %get3A_177 = tpu.vector_load %arg16[%get3A] {strides = array<i32>} : memref<5120xi32, #tpu.memory_space<vmem>>, vector<16xi32>,
          %get3A_178 = vector.shape_cast %get3A_177 : vector<16xi32> to vector<16xi32>
          %mul3A_179 = arith.constant 16 : i32
          %mul3A_180 = arith.muli %scan3A_173, %mul3A_179 : i32
          %swap3A = arith.index_cast %mul3A_180 : i32 to index
          %swap3A_181 = tpu.vector_load %arg12[%swap3A] {strides = array<i32>} : memref<128xi32, #tpu.memory_space<vmem>>, vector<16xi32>,
          %swap3A_182 = vector.shape_cast %swap3A_181 : vector<16xi32> to vector<16xi32>
          %swap3A_183 = vector.shape_cast %get3A_178 : vector<16xi32> to vector<16xi32>
          tpu.vector_store %arg12[%swap3A], %swap3A_183 {strides = array<i32>} : memref<128xi32, #tpu.memory_space<vmem>>, vector<16xi32>,
        }
        %scan3A_145 = arith.constant 8 : i32
        %mul3A_146 = arith.constant 128 : i32
        %mul3A_147 = arith.muli %add3A_137, %mul3A_146 : i32
        %scan3A_148 = arith.constant 0 : i32
        %scan3A_149 = arith.constant 0 : i32
        %scan3A_150 = arith.constant 8 : i32
        %scan3A_151 = arith.addi %scan3A_149, %scan3A_150 : i32
        %scan3A_152 = arith.constant 1 : i32
        scf.for %scan3A_173 = %scan3A_149 to %scan3A_151 step %scan3A_152  : i32 {
          %mul3A_174 = arith.constant 16 : i32
          %mul3A_175 = arith.muli %scan3A_173, %mul3A_174 : i32
          %add3A_176 = arith.addi %mul3A_147, %mul3A_175 : i32
          %get3A = arith.index_cast %add3A_176 : i32 to index
          %get3A_177 = tpu.vector_load %arg17[%get3A] {strides = array<i32>} : memref<5120xi32, #tpu.memory_space<vmem>>, vector<16xi32>,
          %get3A_178 = vector.shape_cast %get3A_177 : vector<16xi32> to vector<16xi32>
          %mul3A_179 = arith.constant 16 : i32
          %mul3A_180 = arith.muli %scan3A_173, %mul3A_179 : i32
          %swap3A = arith.index_cast %mul3A_180 : i32 to index
          %swap3A_181 = tpu.vector_load %arg13[%swap3A] {strides = array<i32>} : memref<128xi32, #tpu.memory_space<vmem>>, vector<16xi32>,
          %swap3A_182 = vector.shape_cast %swap3A_181 : vector<16xi32> to vector<16xi32>
          %swap3A_183 = vector.shape_cast %get3A_178 : vector<16xi32> to vector<16xi32>
          tpu.vector_store %arg13[%swap3A], %swap3A_183 {strides = array<i32>} : memref<128xi32, #tpu.memory_space<vmem>>, vector<16xi32>,
        }
        %scan3A_153 = arith.constant 8 : i32
        %dma_start3A_154 = arith.constant 0 : i32
        %dma_start3A_155 = arith.constant 0 : i32
        %dma_start3A_156 = tpu.memref_slice %arg3[%dma_start3A_154, %dma_start3A_155] : memref<10000x128xf32, #tpu.memory_space<hbm>> -> memref<10000x128xf32, #tpu.memory_space<hbm>>
        tpu.enqueue_indirect_dma source(%dma_start3A_156 : memref<10000x128xf32, #tpu.memory_space<hbm>>) target(%arg15 : memref<128x128xf32, #tpu.memory_space<vmem>>) offsets(%arg12 : memref<128xi32, #tpu.memory_space<vmem>>) semaphore(%arg20 : memref<!tpu.dma_semaphore, #tpu.memory_space<semaphore_mem>>)
        %dma_wait3A_157 = arith.constant 0 : i32
        %dma_wait3A_158 = arith.constant 0 : i32
        %dma_wait3A_159 = tpu.memref_slice %arg3[%dma_wait3A_157, %dma_wait3A_158] : memref<10000x128xf32, #tpu.memory_space<hbm>> -> memref<10000x128xf32, #tpu.memory_space<hbm>>
        tpu.wait_indirect_dma semaphore(%arg19 : memref<!tpu.dma_semaphore, #tpu.memory_space<semaphore_mem>>) src(%dma_wait3A_159 : memref<10000x128xf32, #tpu.memory_space<hbm>>) dst(%arg14 : memref<128x128xf32, #tpu.memory_space<vmem>>)
        %dma_start3A_160 = arith.constant 0 : i32
        %dma_start3A_161 = arith.constant 0 : i32
        %dma_start3A_162 = tpu.memref_slice %arg18[%dma_start3A_160, %dma_start3A_161] : memref<10112x128xf32, #tpu.memory_space<vmem_shared>> -> memref<10112x128xf32, #tpu.memory_space<vmem_shared>>
        tpu.enqueue_indirect_dma source(%arg14 : memref<128x128xf32, #tpu.memory_space<vmem>>) target(%dma_start3A_162 : memref<10112x128xf32, #tpu.memory_space<vmem_shared>>) offsets(%arg11 : memref<128xi32, #tpu.memory_space<vmem>>) semaphore(%arg21 : memref<!tpu.dma_semaphore, #tpu.memory_space<semaphore_mem>>) {add = true}
        %lt3A = arith.constant 19 : i32
        %lt3A_163 = arith.cmpi slt, %scan3A_129, %lt3A : i32
        %convert_element_type3A_164 = arith.extui %lt3A_163 : i1 to i32
        %cond3A_165 = arith.constant 0 : i32
        %cond3A_166 = arith.cmpi ne, %convert_element_type3A_164, %cond3A_165 : i32
        scf.if %cond3A_166 {
          %dma_wait3A_173 = arith.constant 0 : i32
          %dma_wait3A_174 = arith.constant 0 : i32
          %dma_wait3A_175 = tpu.memref_slice %arg18[%dma_wait3A_173, %dma_wait3A_174] : memref<10112x128xf32, #tpu.memory_space<vmem_shared>> -> memref<10112x128xf32, #tpu.memory_space<vmem_shared>>
          tpu.wait_indirect_dma semaphore(%arg21 : memref<!tpu.dma_semaphore, #tpu.memory_space<semaphore_mem>>) src(%arg14 : memref<128x128xf32, #tpu.memory_space<vmem>>) dst(%dma_wait3A_175 : memref<10112x128xf32, #tpu.memory_space<vmem_shared>>)
          %mul3A_176 = arith.constant 2 : i32
          %mul3A_177 = arith.muli %mul3A_176, %scan3A_129 : i32
          %add3A_178 = arith.constant 2 : i32
          %add3A_179 = arith.addi %mul3A_177, %add3A_178 : i32
          %mul3A_180 = arith.constant 128 : i32
          %mul3A_181 = arith.muli %add3A_179, %mul3A_180 : i32
          %scan3A_182 = arith.constant 0 : i32
          %scan3A_183 = arith.constant 0 : i32
          %scan3A_184 = arith.constant 8 : i32
          %scan3A_185 = arith.addi %scan3A_183, %scan3A_184 : i32
          %scan3A_186 = arith.constant 1 : i32
          scf.for %scan3A_199 = %scan3A_183 to %scan3A_185 step %scan3A_186  : i32 {
            %mul3A_200 = arith.constant 16 : i32
            %mul3A_201 = arith.muli %scan3A_199, %mul3A_200 : i32
            %add3A_202 = arith.addi %mul3A_181, %mul3A_201 : i32
            %get3A = arith.index_cast %add3A_202 : i32 to index
            %get3A_203 = tpu.vector_load %arg16[%get3A] {strides = array<i32>} : memref<5120xi32, #tpu.memory_space<vmem>>, vector<16xi32>,
            %get3A_204 = vector.shape_cast %get3A_203 : vector<16xi32> to vector<16xi32>
            %mul3A_205 = arith.constant 16 : i32
            %mul3A_206 = arith.muli %scan3A_199, %mul3A_205 : i32
            %swap3A = arith.index_cast %mul3A_206 : i32 to index
            %swap3A_207 = tpu.vector_load %arg10[%swap3A] {strides = array<i32>} : memref<128xi32, #tpu.memory_space<vmem>>, vector<16xi32>,
            %swap3A_208 = vector.shape_cast %swap3A_207 : vector<16xi32> to vector<16xi32>
            %swap3A_209 = vector.shape_cast %get3A_204 : vector<16xi32> to vector<16xi32>
            tpu.vector_store %arg10[%swap3A], %swap3A_209 {strides = array<i32>} : memref<128xi32, #tpu.memory_space<vmem>>, vector<16xi32>,
          }
          %scan3A_187 = arith.constant 8 : i32
          %mul3A_188 = arith.constant 128 : i32
          %mul3A_189 = arith.muli %add3A_179, %mul3A_188 : i32
          %scan3A_190 = arith.constant 0 : i32
          %scan3A_191 = arith.constant 0 : i32
          %scan3A_192 = arith.constant 8 : i32
          %scan3A_193 = arith.addi %scan3A_191, %scan3A_192 : i32
          %scan3A_194 = arith.constant 1 : i32
          scf.for %scan3A_199 = %scan3A_191 to %scan3A_193 step %scan3A_194  : i32 {
            %mul3A_200 = arith.constant 16 : i32
            %mul3A_201 = arith.muli %scan3A_199, %mul3A_200 : i32
            %add3A_202 = arith.addi %mul3A_189, %mul3A_201 : i32
            %get3A = arith.index_cast %add3A_202 : i32 to index
            %get3A_203 = tpu.vector_load %arg17[%get3A] {strides = array<i32>} : memref<5120xi32, #tpu.memory_space<vmem>>, vector<16xi32>,
            %get3A_204 = vector.shape_cast %get3A_203 : vector<16xi32> to vector<16xi32>
            %mul3A_205 = arith.constant 16 : i32
            %mul3A_206 = arith.muli %scan3A_199, %mul3A_205 : i32
            %swap3A = arith.index_cast %mul3A_206 : i32 to index
            %swap3A_207 = tpu.vector_load %arg11[%swap3A] {strides = array<i32>} : memref<128xi32, #tpu.memory_space<vmem>>, vector<16xi32>,
            %swap3A_208 = vector.shape_cast %swap3A_207 : vector<16xi32> to vector<16xi32>
            %swap3A_209 = vector.shape_cast %get3A_204 : vector<16xi32> to vector<16xi32>
            tpu.vector_store %arg11[%swap3A], %swap3A_209 {strides = array<i32>} : memref<128xi32, #tpu.memory_space<vmem>>, vector<16xi32>,
          }
          %scan3A_195 = arith.constant 8 : i32
          %dma_start3A_196 = arith.constant 0 : i32
          %dma_start3A_197 = arith.constant 0 : i32
          %dma_start3A_198 = tpu.memref_slice %arg3[%dma_start3A_196, %dma_start3A_197] : memref<10000x128xf32, #tpu.memory_space<hbm>> -> memref<10000x128xf32, #tpu.memory_space<hbm>>
          tpu.enqueue_indirect_dma source(%dma_start3A_198 : memref<10000x128xf32, #tpu.memory_space<hbm>>) target(%arg14 : memref<128x128xf32, #tpu.memory_space<vmem>>) offsets(%arg10 : memref<128xi32, #tpu.memory_space<vmem>>) semaphore(%arg19 : memref<!tpu.dma_semaphore, #tpu.memory_space<semaphore_mem>>)
        } else {
        }
        %dma_wait3A_167 = arith.constant 0 : i32
        %dma_wait3A_168 = arith.constant 0 : i32
        %dma_wait3A_169 = tpu.memref_slice %arg3[%dma_wait3A_167, %dma_wait3A_168] : memref<10000x128xf32, #tpu.memory_space<hbm>> -> memref<10000x128xf32, #tpu.memory_space<hbm>>
        tpu.wait_indirect_dma semaphore(%arg20 : memref<!tpu.dma_semaphore, #tpu.memory_space<semaphore_mem>>) src(%dma_wait3A_169 : memref<10000x128xf32, #tpu.memory_space<hbm>>) dst(%arg15 : memref<128x128xf32, #tpu.memory_space<vmem>>)
        %dma_start3A_170 = arith.constant 0 : i32
        %dma_start3A_171 = arith.constant 0 : i32
        %dma_start3A_172 = tpu.memref_slice %arg18[%dma_start3A_170, %dma_start3A_171] : memref<10112x128xf32, #tpu.memory_space<vmem_shared>> -> memref<10112x128xf32, #tpu.memory_space<vmem_shared>>
        tpu.enqueue_indirect_dma source(%arg15 : memref<128x128xf32, #tpu.memory_space<vmem>>) target(%dma_start3A_172 : memref<10112x128xf32, #tpu.memory_space<vmem_shared>>) offsets(%arg13 : memref<128xi32, #tpu.memory_space<vmem>>) semaphore(%arg22 : memref<!tpu.dma_semaphore, #tpu.memory_space<semaphore_mem>>) {add = true}
      }
      %scan3A_91 = arith.constant 20 : i32
      %dma_wait3A_92 = arith.constant 0 : i32
      %dma_wait3A_93 = arith.constant 0 : i32
      %dma_wait3A_94 = tpu.memref_slice %arg18[%dma_wait3A_92, %dma_wait3A_93] : memref<10112x128xf32, #tpu.memory_space<vmem_shared>> -> memref<10112x128xf32, #tpu.memory_space<vmem_shared>>
      tpu.wait_indirect_dma semaphore(%arg21 : memref<!tpu.dma_semaphore, #tpu.memory_space<semaphore_mem>>) src(%arg14 : memref<128x128xf32, #tpu.memory_space<vmem>>) dst(%dma_wait3A_94 : memref<10112x128xf32, #tpu.memory_space<vmem_shared>>)
      %dma_wait3A_95 = arith.constant 0 : i32
      %dma_wait3A_96 = arith.constant 0 : i32
      %dma_wait3A_97 = tpu.memref_slice %arg18[%dma_wait3A_95, %dma_wait3A_96] : memref<10112x128xf32, #tpu.memory_space<vmem_shared>> -> memref<10112x128xf32, #tpu.memory_space<vmem_shared>>
      tpu.wait_indirect_dma semaphore(%arg22 : memref<!tpu.dma_semaphore, #tpu.memory_space<semaphore_mem>>) src(%arg15 : memref<128x128xf32, #tpu.memory_space<vmem>>) dst(%dma_wait3A_97 : memref<10112x128xf32, #tpu.memory_space<vmem_shared>>)
      %add3A_98 = arith.constant 5120 : i32
      %add3A_99 = arith.addi %mul3A_2, %add3A_98 : i32
      "tpu.region"() ({
        %run_scoped3A = tpu.sem_alloc : memref<!tpu.dma_semaphore, #tpu.memory_space<semaphore_mem>>
        %dma_start3A_129 = tpu.memref_slice %arg4[%add3A_99] : memref<163840xi32, #tpu.memory_space<hbm>> -> memref<5120xi32, #tpu.memory_space<hbm>>
        %dma_start3A_130 = tpu.memref_slice %arg4[%add3A_99] : memref<163840xi32, #tpu.memory_space<hbm>> -> memref<5120xi32, #tpu.memory_space<hbm>>
        tpu.enqueue_dma source(%dma_start3A_130 : memref<5120xi32, #tpu.memory_space<hbm>>) target(%arg16 : memref<5120xi32, #tpu.memory_space<vmem>>) target_semaphore(%run_scoped3A : memref<!tpu.dma_semaphore, #tpu.memory_space<semaphore_mem>>)
        %dma_wait3A_131 = tpu.memref_slice %arg4[%add3A_99] : memref<163840xi32, #tpu.memory_space<hbm>> -> memref<5120xi32, #tpu.memory_space<hbm>>
        %dma_wait3A_132 = tpu.memref_slice %arg4[%add3A_99] : memref<163840xi32, #tpu.memory_space<hbm>> -> memref<5120xi32, #tpu.memory_space<hbm>>
        tpu.wait_dma2 semaphore(%run_scoped3A : memref<!tpu.dma_semaphore, #tpu.memory_space<semaphore_mem>>) src(%dma_wait3A_132 : memref<5120xi32, #tpu.memory_space<hbm>>) dst(%arg16 : memref<5120xi32, #tpu.memory_space<vmem>>)
        tpu.yield
      }) : () -> ()
      %add3A_100 = arith.constant 5120 : i32
      %add3A_101 = arith.addi %mul3A_2, %add3A_100 : i32
      "tpu.region"() ({
        %run_scoped3A = tpu.sem_alloc : memref<!tpu.dma_semaphore, #tpu.memory_space<semaphore_mem>>
        %dma_start3A_129 = tpu.memref_slice %arg5[%add3A_101] : memref<163840xi32, #tpu.memory_space<hbm>> -> memref<5120xi32, #tpu.memory_space<hbm>>
        %dma_start3A_130 = tpu.memref_slice %arg5[%add3A_101] : memref<163840xi32, #tpu.memory_space<hbm>> -> memref<5120xi32, #tpu.memory_space<hbm>>
        tpu.enqueue_dma source(%dma_start3A_130 : memref<5120xi32, #tpu.memory_space<hbm>>) target(%arg17 : memref<5120xi32, #tpu.memory_space<vmem>>) target_semaphore(%run_scoped3A : memref<!tpu.dma_semaphore, #tpu.memory_space<semaphore_mem>>)
        %dma_wait3A_131 = tpu.memref_slice %arg5[%add3A_101] : memref<163840xi32, #tpu.memory_space<hbm>> -> memref<5120xi32, #tpu.memory_space<hbm>>
        %dma_wait3A_132 = tpu.memref_slice %arg5[%add3A_101] : memref<163840xi32, #tpu.memory_space<hbm>> -> memref<5120xi32, #tpu.memory_space<hbm>>
        tpu.wait_dma2 semaphore(%run_scoped3A : memref<!tpu.dma_semaphore, #tpu.memory_space<semaphore_mem>>) src(%dma_wait3A_132 : memref<5120xi32, #tpu.memory_space<hbm>>) dst(%arg17 : memref<5120xi32, #tpu.memory_space<vmem>>)
        tpu.yield
      }) : () -> ()
      %scan3A_102 = arith.constant 0 : i32
      %scan3A_103 = arith.constant 0 : i32
      %scan3A_104 = arith.constant 8 : i32
      %scan3A_105 = arith.addi %scan3A_103, %scan3A_104 : i32
      %scan3A_106 = arith.constant 1 : i32
      scf.for %scan3A_129 = %scan3A_103 to %scan3A_105 step %scan3A_106  : i32 {
        %mul3A_130 = arith.constant 16 : i32
        %mul3A_131 = arith.muli %scan3A_129, %mul3A_130 : i32
        %add3A_132 = arith.constant 0 : i32
        %add3A_133 = arith.addi %add3A_132, %mul3A_131 : i32
        %get3A = arith.index_cast %add3A_133 : i32 to index
        %get3A_134 = tpu.vector_load %arg16[%get3A] {strides = array<i32>} : memref<5120xi32, #tpu.memory_space<vmem>>, vector<16xi32>,
        %get3A_135 = vector.shape_cast %get3A_134 : vector<16xi32> to vector<16xi32>
        %mul3A_136 = arith.constant 16 : i32
        %mul3A_137 = arith.muli %scan3A_129, %mul3A_136 : i32
        %swap3A = arith.index_cast %mul3A_137 : i32 to index
        %swap3A_138 = tpu.vector_load %arg10[%swap3A] {strides = array<i32>} : memref<128xi32, #tpu.memory_space<vmem>>, vector<16xi32>,
        %swap3A_139 = vector.shape_cast %swap3A_138 : vector<16xi32> to vector<16xi32>
        %swap3A_140 = vector.shape_cast %get3A_135 : vector<16xi32> to vector<16xi32>
        tpu.vector_store %arg10[%swap3A], %swap3A_140 {strides = array<i32>} : memref<128xi32, #tpu.memory_space<vmem>>, vector<16xi32>,
      }
      %scan3A_107 = arith.constant 8 : i32
      %scan3A_108 = arith.constant 0 : i32
      %scan3A_109 = arith.constant 0 : i32
      %scan3A_110 = arith.constant 8 : i32
      %scan3A_111 = arith.addi %scan3A_109, %scan3A_110 : i32
      %scan3A_112 = arith.constant 1 : i32
      scf.for %scan3A_129 = %scan3A_109 to %scan3A_111 step %scan3A_112  : i32 {
        %mul3A_130 = arith.constant 16 : i32
        %mul3A_131 = arith.muli %scan3A_129, %mul3A_130 : i32
        %add3A_132 = arith.constant 0 : i32
        %add3A_133 = arith.addi %add3A_132, %mul3A_131 : i32
        %get3A = arith.index_cast %add3A_133 : i32 to index
        %get3A_134 = tpu.vector_load %arg17[%get3A] {strides = array<i32>} : memref<5120xi32, #tpu.memory_space<vmem>>, vector<16xi32>,
        %get3A_135 = vector.shape_cast %get3A_134 : vector<16xi32> to vector<16xi32>
        %mul3A_136 = arith.constant 16 : i32
        %mul3A_137 = arith.muli %scan3A_129, %mul3A_136 : i32
        %swap3A = arith.index_cast %mul3A_137 : i32 to index
        %swap3A_138 = tpu.vector_load %arg11[%swap3A] {strides = array<i32>} : memref<128xi32, #tpu.memory_space<vmem>>, vector<16xi32>,
        %swap3A_139 = vector.shape_cast %swap3A_138 : vector<16xi32> to vector<16xi32>
        %swap3A_140 = vector.shape_cast %get3A_135 : vector<16xi32> to vector<16xi32>
        tpu.vector_store %arg11[%swap3A], %swap3A_140 {strides = array<i32>} : memref<128xi32, #tpu.memory_space<vmem>>, vector<16xi32>,
      }
      %scan3A_113 = arith.constant 8 : i32
      %dma_start3A_114 = arith.constant 0 : i32
      %dma_start3A_115 = arith.constant 0 : i32
      %dma_start3A_116 = tpu.memref_slice %arg3[%dma_start3A_114, %dma_start3A_115] : memref<10000x128xf32, #tpu.memory_space<hbm>> -> memref<10000x128xf32, #tpu.memory_space<hbm>>
      tpu.enqueue_indirect_dma source(%dma_start3A_116 : memref<10000x128xf32, #tpu.memory_space<hbm>>) target(%arg14 : memref<128x128xf32, #tpu.memory_space<vmem>>) offsets(%arg10 : memref<128xi32, #tpu.memory_space<vmem>>) semaphore(%arg19 : memref<!tpu.dma_semaphore, #tpu.memory_space<semaphore_mem>>)
      %scan3A_117 = arith.constant 0 : i32
      %scan3A_118 = arith.constant 0 : i32
      %scan3A_119 = arith.constant 20 : i32
      %scan3A_120 = arith.addi %scan3A_118, %scan3A_119 : i32
      %scan3A_121 = arith.constant 1 : i32
      scf.for %scan3A_129 = %scan3A_118 to %scan3A_120 step %scan3A_121  : i32 {
        %gt3A = arith.constant 0 : i32
        %gt3A_130 = arith.cmpi sgt, %scan3A_129, %gt3A : i32
        %convert_element_type3A_131 = arith.extui %gt3A_130 : i1 to i32
        %cond3A_132 = arith.constant 0 : i32
        %cond3A_133 = arith.cmpi ne, %convert_element_type3A_131, %cond3A_132 : i32
        scf.if %cond3A_133 {
          %dma_wait3A_173 = arith.constant 0 : i32
          %dma_wait3A_174 = arith.constant 0 : i32
          %dma_wait3A_175 = tpu.memref_slice %arg18[%dma_wait3A_173, %dma_wait3A_174] : memref<10112x128xf32, #tpu.memory_space<vmem_shared>> -> memref<10112x128xf32, #tpu.memory_space<vmem_shared>>
          tpu.wait_indirect_dma semaphore(%arg22 : memref<!tpu.dma_semaphore, #tpu.memory_space<semaphore_mem>>) src(%arg15 : memref<128x128xf32, #tpu.memory_space<vmem>>) dst(%dma_wait3A_175 : memref<10112x128xf32, #tpu.memory_space<vmem_shared>>)
        } else {
        }
        %mul3A_134 = arith.constant 2 : i32
        %mul3A_135 = arith.muli %mul3A_134, %scan3A_129 : i32
        %add3A_136 = arith.constant 1 : i32
        %add3A_137 = arith.addi %mul3A_135, %add3A_136 : i32
        %mul3A_138 = arith.constant 128 : i32
        %mul3A_139 = arith.muli %add3A_137, %mul3A_138 : i32
        %scan3A_140 = arith.constant 0 : i32
        %scan3A_141 = arith.constant 0 : i32
        %scan3A_142 = arith.constant 8 : i32
        %scan3A_143 = arith.addi %scan3A_141, %scan3A_142 : i32
        %scan3A_144 = arith.constant 1 : i32
        scf.for %scan3A_173 = %scan3A_141 to %scan3A_143 step %scan3A_144  : i32 {
          %mul3A_174 = arith.constant 16 : i32
          %mul3A_175 = arith.muli %scan3A_173, %mul3A_174 : i32
          %add3A_176 = arith.addi %mul3A_139, %mul3A_175 : i32
          %get3A = arith.index_cast %add3A_176 : i32 to index
          %get3A_177 = tpu.vector_load %arg16[%get3A] {strides = array<i32>} : memref<5120xi32, #tpu.memory_space<vmem>>, vector<16xi32>,
          %get3A_178 = vector.shape_cast %get3A_177 : vector<16xi32> to vector<16xi32>
          %mul3A_179 = arith.constant 16 : i32
          %mul3A_180 = arith.muli %scan3A_173, %mul3A_179 : i32
          %swap3A = arith.index_cast %mul3A_180 : i32 to index
          %swap3A_181 = tpu.vector_load %arg12[%swap3A] {strides = array<i32>} : memref<128xi32, #tpu.memory_space<vmem>>, vector<16xi32>,
          %swap3A_182 = vector.shape_cast %swap3A_181 : vector<16xi32> to vector<16xi32>
          %swap3A_183 = vector.shape_cast %get3A_178 : vector<16xi32> to vector<16xi32>
          tpu.vector_store %arg12[%swap3A], %swap3A_183 {strides = array<i32>} : memref<128xi32, #tpu.memory_space<vmem>>, vector<16xi32>,
        }
        %scan3A_145 = arith.constant 8 : i32
        %mul3A_146 = arith.constant 128 : i32
        %mul3A_147 = arith.muli %add3A_137, %mul3A_146 : i32
        %scan3A_148 = arith.constant 0 : i32
        %scan3A_149 = arith.constant 0 : i32
        %scan3A_150 = arith.constant 8 : i32
        %scan3A_151 = arith.addi %scan3A_149, %scan3A_150 : i32
        %scan3A_152 = arith.constant 1 : i32
        scf.for %scan3A_173 = %scan3A_149 to %scan3A_151 step %scan3A_152  : i32 {
          %mul3A_174 = arith.constant 16 : i32
          %mul3A_175 = arith.muli %scan3A_173, %mul3A_174 : i32
          %add3A_176 = arith.addi %mul3A_147, %mul3A_175 : i32
          %get3A = arith.index_cast %add3A_176 : i32 to index
          %get3A_177 = tpu.vector_load %arg17[%get3A] {strides = array<i32>} : memref<5120xi32, #tpu.memory_space<vmem>>, vector<16xi32>,
          %get3A_178 = vector.shape_cast %get3A_177 : vector<16xi32> to vector<16xi32>
          %mul3A_179 = arith.constant 16 : i32
          %mul3A_180 = arith.muli %scan3A_173, %mul3A_179 : i32
          %swap3A = arith.index_cast %mul3A_180 : i32 to index
          %swap3A_181 = tpu.vector_load %arg13[%swap3A] {strides = array<i32>} : memref<128xi32, #tpu.memory_space<vmem>>, vector<16xi32>,
          %swap3A_182 = vector.shape_cast %swap3A_181 : vector<16xi32> to vector<16xi32>
          %swap3A_183 = vector.shape_cast %get3A_178 : vector<16xi32> to vector<16xi32>
          tpu.vector_store %arg13[%swap3A], %swap3A_183 {strides = array<i32>} : memref<128xi32, #tpu.memory_space<vmem>>, vector<16xi32>,
        }
        %scan3A_153 = arith.constant 8 : i32
        %dma_start3A_154 = arith.constant 0 : i32
        %dma_start3A_155 = arith.constant 0 : i32
        %dma_start3A_156 = tpu.memref_slice %arg3[%dma_start3A_154, %dma_start3A_155] : memref<10000x128xf32, #tpu.memory_space<hbm>> -> memref<10000x128xf32, #tpu.memory_space<hbm>>
        tpu.enqueue_indirect_dma source(%dma_start3A_156 : memref<10000x128xf32, #tpu.memory_space<hbm>>) target(%arg15 : memref<128x128xf32, #tpu.memory_space<vmem>>) offsets(%arg12 : memref<128xi32, #tpu.memory_space<vmem>>) semaphore(%arg20 : memref<!tpu.dma_semaphore, #tpu.memory_space<semaphore_mem>>)
        %dma_wait3A_157 = arith.constant 0 : i32
        %dma_wait3A_158 = arith.constant 0 : i32
        %dma_wait3A_159 = tpu.memref_slice %arg3[%dma_wait3A_157, %dma_wait3A_158] : memref<10000x128xf32, #tpu.memory_space<hbm>> -> memref<10000x128xf32, #tpu.memory_space<hbm>>
        tpu.wait_indirect_dma semaphore(%arg19 : memref<!tpu.dma_semaphore, #tpu.memory_space<semaphore_mem>>) src(%dma_wait3A_159 : memref<10000x128xf32, #tpu.memory_space<hbm>>) dst(%arg14 : memref<128x128xf32, #tpu.memory_space<vmem>>)
        %dma_start3A_160 = arith.constant 0 : i32
        %dma_start3A_161 = arith.constant 0 : i32
        %dma_start3A_162 = tpu.memref_slice %arg18[%dma_start3A_160, %dma_start3A_161] : memref<10112x128xf32, #tpu.memory_space<vmem_shared>> -> memref<10112x128xf32, #tpu.memory_space<vmem_shared>>
        tpu.enqueue_indirect_dma source(%arg14 : memref<128x128xf32, #tpu.memory_space<vmem>>) target(%dma_start3A_162 : memref<10112x128xf32, #tpu.memory_space<vmem_shared>>) offsets(%arg11 : memref<128xi32, #tpu.memory_space<vmem>>) semaphore(%arg21 : memref<!tpu.dma_semaphore, #tpu.memory_space<semaphore_mem>>) {add = true}
        %lt3A = arith.constant 19 : i32
        %lt3A_163 = arith.cmpi slt, %scan3A_129, %lt3A : i32
        %convert_element_type3A_164 = arith.extui %lt3A_163 : i1 to i32
        %cond3A_165 = arith.constant 0 : i32
        %cond3A_166 = arith.cmpi ne, %convert_element_type3A_164, %cond3A_165 : i32
        scf.if %cond3A_166 {
          %dma_wait3A_173 = arith.constant 0 : i32
          %dma_wait3A_174 = arith.constant 0 : i32
          %dma_wait3A_175 = tpu.memref_slice %arg18[%dma_wait3A_173, %dma_wait3A_174] : memref<10112x128xf32, #tpu.memory_space<vmem_shared>> -> memref<10112x128xf32, #tpu.memory_space<vmem_shared>>
          tpu.wait_indirect_dma semaphore(%arg21 : memref<!tpu.dma_semaphore, #tpu.memory_space<semaphore_mem>>) src(%arg14 : memref<128x128xf32, #tpu.memory_space<vmem>>) dst(%dma_wait3A_175 : memref<10112x128xf32, #tpu.memory_space<vmem_shared>>)
          %mul3A_176 = arith.constant 2 : i32
          %mul3A_177 = arith.muli %mul3A_176, %scan3A_129 : i32
          %add3A_178 = arith.constant 2 : i32
          %add3A_179 = arith.addi %mul3A_177, %add3A_178 : i32
          %mul3A_180 = arith.constant 128 : i32
          %mul3A_181 = arith.muli %add3A_179, %mul3A_180 : i32
          %scan3A_182 = arith.constant 0 : i32
          %scan3A_183 = arith.constant 0 : i32
          %scan3A_184 = arith.constant 8 : i32
          %scan3A_185 = arith.addi %scan3A_183, %scan3A_184 : i32
          %scan3A_186 = arith.constant 1 : i32
          scf.for %scan3A_199 = %scan3A_183 to %scan3A_185 step %scan3A_186  : i32 {
            %mul3A_200 = arith.constant 16 : i32
            %mul3A_201 = arith.muli %scan3A_199, %mul3A_200 : i32
            %add3A_202 = arith.addi %mul3A_181, %mul3A_201 : i32
            %get3A = arith.index_cast %add3A_202 : i32 to index
            %get3A_203 = tpu.vector_load %arg16[%get3A] {strides = array<i32>} : memref<5120xi32, #tpu.memory_space<vmem>>, vector<16xi32>,
            %get3A_204 = vector.shape_cast %get3A_203 : vector<16xi32> to vector<16xi32>
            %mul3A_205 = arith.constant 16 : i32
            %mul3A_206 = arith.muli %scan3A_199, %mul3A_205 : i32
            %swap3A = arith.index_cast %mul3A_206 : i32 to index
            %swap3A_207 = tpu.vector_load %arg10[%swap3A] {strides = array<i32>} : memref<128xi32, #tpu.memory_space<vmem>>, vector<16xi32>,
            %swap3A_208 = vector.shape_cast %swap3A_207 : vector<16xi32> to vector<16xi32>
            %swap3A_209 = vector.shape_cast %get3A_204 : vector<16xi32> to vector<16xi32>
            tpu.vector_store %arg10[%swap3A], %swap3A_209 {strides = array<i32>} : memref<128xi32, #tpu.memory_space<vmem>>, vector<16xi32>,
          }
          %scan3A_187 = arith.constant 8 : i32
          %mul3A_188 = arith.constant 128 : i32
          %mul3A_189 = arith.muli %add3A_179, %mul3A_188 : i32
          %scan3A_190 = arith.constant 0 : i32
          %scan3A_191 = arith.constant 0 : i32
          %scan3A_192 = arith.constant 8 : i32
          %scan3A_193 = arith.addi %scan3A_191, %scan3A_192 : i32
          %scan3A_194 = arith.constant 1 : i32
          scf.for %scan3A_199 = %scan3A_191 to %scan3A_193 step %scan3A_194  : i32 {
            %mul3A_200 = arith.constant 16 : i32
            %mul3A_201 = arith.muli %scan3A_199, %mul3A_200 : i32
            %add3A_202 = arith.addi %mul3A_189, %mul3A_201 : i32
            %get3A = arith.index_cast %add3A_202 : i32 to index
            %get3A_203 = tpu.vector_load %arg17[%get3A] {strides = array<i32>} : memref<5120xi32, #tpu.memory_space<vmem>>, vector<16xi32>,
            %get3A_204 = vector.shape_cast %get3A_203 : vector<16xi32> to vector<16xi32>
            %mul3A_205 = arith.constant 16 : i32
            %mul3A_206 = arith.muli %scan3A_199, %mul3A_205 : i32
            %swap3A = arith.index_cast %mul3A_206 : i32 to index
            %swap3A_207 = tpu.vector_load %arg11[%swap3A] {strides = array<i32>} : memref<128xi32, #tpu.memory_space<vmem>>, vector<16xi32>,
            %swap3A_208 = vector.shape_cast %swap3A_207 : vector<16xi32> to vector<16xi32>
            %swap3A_209 = vector.shape_cast %get3A_204 : vector<16xi32> to vector<16xi32>
            tpu.vector_store %arg11[%swap3A], %swap3A_209 {strides = array<i32>} : memref<128xi32, #tpu.memory_space<vmem>>, vector<16xi32>,
          }
          %scan3A_195 = arith.constant 8 : i32
          %dma_start3A_196 = arith.constant 0 : i32
          %dma_start3A_197 = arith.constant 0 : i32
          %dma_start3A_198 = tpu.memref_slice %arg3[%dma_start3A_196, %dma_start3A_197] : memref<10000x128xf32, #tpu.memory_space<hbm>> -> memref<10000x128xf32, #tpu.memory_space<hbm>>
          tpu.enqueue_indirect_dma source(%dma_start3A_198 : memref<10000x128xf32, #tpu.memory_space<hbm>>) target(%arg14 : memref<128x128xf32, #tpu.memory_space<vmem>>) offsets(%arg10 : memref<128xi32, #tpu.memory_space<vmem>>) semaphore(%arg19 : memref<!tpu.dma_semaphore, #tpu.memory_space<semaphore_mem>>)
        } else {
        }
        %dma_wait3A_167 = arith.constant 0 : i32
        %dma_wait3A_168 = arith.constant 0 : i32
        %dma_wait3A_169 = tpu.memref_slice %arg3[%dma_wait3A_167, %dma_wait3A_168] : memref<10000x128xf32, #tpu.memory_space<hbm>> -> memref<10000x128xf32, #tpu.memory_space<hbm>>
        tpu.wait_indirect_dma semaphore(%arg20 : memref<!tpu.dma_semaphore, #tpu.memory_space<semaphore_mem>>) src(%dma_wait3A_169 : memref<10000x128xf32, #tpu.memory_space<hbm>>) dst(%arg15 : memref<128x128xf32, #tpu.memory_space<vmem>>)
        %dma_start3A_170 = arith.constant 0 : i32
        %dma_start3A_171 = arith.constant 0 : i32
        %dma_start3A_172 = tpu.memref_slice %arg18[%dma_start3A_170, %dma_start3A_171] : memref<10112x128xf32, #tpu.memory_space<vmem_shared>> -> memref<10112x128xf32, #tpu.memory_space<vmem_shared>>
        tpu.enqueue_indirect_dma source(%arg15 : memref<128x128xf32, #tpu.memory_space<vmem>>) target(%dma_start3A_172 : memref<10112x128xf32, #tpu.memory_space<vmem_shared>>) offsets(%arg13 : memref<128xi32, #tpu.memory_space<vmem>>) semaphore(%arg22 : memref<!tpu.dma_semaphore, #tpu.memory_space<semaphore_mem>>) {add = true}
      }
      %scan3A_122 = arith.constant 20 : i32
      %dma_wait3A_123 = arith.constant 0 : i32
      %dma_wait3A_124 = arith.constant 0 : i32
      %dma_wait3A_125 = tpu.memref_slice %arg18[%dma_wait3A_123, %dma_wait3A_124] : memref<10112x128xf32, #tpu.memory_space<vmem_shared>> -> memref<10112x128xf32, #tpu.memory_space<vmem_shared>>
      tpu.wait_indirect_dma semaphore(%arg21 : memref<!tpu.dma_semaphore, #tpu.memory_space<semaphore_mem>>) src(%arg14 : memref<128x128xf32, #tpu.memory_space<vmem>>) dst(%dma_wait3A_125 : memref<10112x128xf32, #tpu.memory_space<vmem_shared>>)
      %dma_wait3A_126 = arith.constant 0 : i32
      %dma_wait3A_127 = arith.constant 0 : i32
      %dma_wait3A_128 = tpu.memref_slice %arg18[%dma_wait3A_126, %dma_wait3A_127] : memref<10112x128xf32, #tpu.memory_space<vmem_shared>> -> memref<10112x128xf32, #tpu.memory_space<vmem_shared>>
      tpu.wait_indirect_dma semaphore(%arg22 : memref<!tpu.dma_semaphore, #tpu.memory_space<semaphore_mem>>) src(%arg15 : memref<128x128xf32, #tpu.memory_space<vmem>>) dst(%dma_wait3A_128 : memref<10112x128xf32, #tpu.memory_space<vmem_shared>>)
    } else {
    }
    %barrier3A_16 = arith.constant 0 : index
    tpu.barrier barrier_id(%barrier3A_16)
    %scan3A_17 = arith.constant 0 : i32
    %scan3A_18 = arith.constant 0 : i32
    %scan3A_19 = arith.constant 4 : i32
    %scan3A_20 = arith.addi %scan3A_18, %scan3A_19 : i32
    %scan3A_21 = arith.constant 1 : i32
    scf.for %scan3A_68 = %scan3A_18 to %scan3A_20 step %scan3A_21  : i32 {
      %mul3A_69 = arith.constant 128 : i32
      %mul3A_70 = arith.muli %scan3A_68, %mul3A_69 : i32
      %add3A_71 = arith.addi %mul3A_0, %mul3A_70 : i32
      "tpu.region"() ({
        %run_scoped3A = tpu.sem_alloc : memref<!tpu.dma_semaphore, #tpu.memory_space<semaphore_mem>>
        %dma_start3A = arith.constant 0 : i32
        %dma_start3A_78 = tpu.memref_slice %arg18[%add3A_71, %dma_start3A] : memref<10112x128xf32, #tpu.memory_space<vmem_shared>> -> memref<128x128xf32, #tpu.memory_space<vmem_shared>>
        %dma_start3A_79 = arith.constant 0 : i32
        %dma_start3A_80 = tpu.memref_slice %arg18[%add3A_71, %dma_start3A_79] : memref<10112x128xf32, #tpu.memory_space<vmem_shared>> -> memref<128x128xf32, #tpu.memory_space<vmem_shared>>
        tpu.enqueue_dma source(%dma_start3A_80 : memref<128x128xf32, #tpu.memory_space<vmem_shared>>) target(%arg14 : memref<128x128xf32, #tpu.memory_space<vmem>>) target_semaphore(%run_scoped3A : memref<!tpu.dma_semaphore, #tpu.memory_space<semaphore_mem>>)
        %dma_wait3A_81 = arith.constant 0 : i32
        %dma_wait3A_82 = tpu.memref_slice %arg18[%add3A_71, %dma_wait3A_81] : memref<10112x128xf32, #tpu.memory_space<vmem_shared>> -> memref<128x128xf32, #tpu.memory_space<vmem_shared>>
        %dma_wait3A_83 = arith.constant 0 : i32
        %dma_wait3A_84 = tpu.memref_slice %arg18[%add3A_71, %dma_wait3A_83] : memref<10112x128xf32, #tpu.memory_space<vmem_shared>> -> memref<128x128xf32, #tpu.memory_space<vmem_shared>>
        tpu.wait_dma2 semaphore(%run_scoped3A : memref<!tpu.dma_semaphore, #tpu.memory_space<semaphore_mem>>) src(%dma_wait3A_84 : memref<128x128xf32, #tpu.memory_space<vmem_shared>>) dst(%arg14 : memref<128x128xf32, #tpu.memory_space<vmem>>)
        tpu.yield
      }) : () -> ()
      %mul3A_72 = arith.constant 10112 : i32
      %mul3A_73 = arith.muli %arg0, %mul3A_72 : i32
      %add3A_74 = arith.addi %mul3A_73, %mul3A_0 : i32
      %mul3A_75 = arith.constant 128 : i32
      %mul3A_76 = arith.muli %scan3A_68, %mul3A_75 : i32
      %add3A_77 = arith.addi %add3A_74, %mul3A_76 : i32
      "tpu.region"() ({
        %run_scoped3A = tpu.sem_alloc : memref<!tpu.dma_semaphore, #tpu.memory_space<semaphore_mem>>
        %dma_start3A = arith.constant 0 : i32
        %dma_start3A_78 = tpu.memref_slice %arg8[%add3A_77, %dma_start3A] : memref<20224x128xf32, #tpu.memory_space<hbm>> -> memref<128x128xf32, #tpu.memory_space<hbm>>
        %dma_start3A_79 = arith.constant 0 : i32
        %dma_start3A_80 = tpu.memref_slice %arg8[%add3A_77, %dma_start3A_79] : memref<20224x128xf32, #tpu.memory_space<hbm>> -> memref<128x128xf32, #tpu.memory_space<hbm>>
        tpu.enqueue_dma source(%arg14 : memref<128x128xf32, #tpu.memory_space<vmem>>) target(%dma_start3A_80 : memref<128x128xf32, #tpu.memory_space<hbm>>) target_semaphore(%run_scoped3A : memref<!tpu.dma_semaphore, #tpu.memory_space<semaphore_mem>>)
        %dma_wait3A_81 = arith.constant 0 : i32
        %dma_wait3A_82 = tpu.memref_slice %arg8[%add3A_77, %dma_wait3A_81] : memref<20224x128xf32, #tpu.memory_space<hbm>> -> memref<128x128xf32, #tpu.memory_space<hbm>>
        %dma_wait3A_83 = arith.constant 0 : i32
        %dma_wait3A_84 = tpu.memref_slice %arg8[%add3A_77, %dma_wait3A_83] : memref<20224x128xf32, #tpu.memory_space<hbm>> -> memref<128x128xf32, #tpu.memory_space<hbm>>
        tpu.wait_dma2 semaphore(%run_scoped3A : memref<!tpu.dma_semaphore, #tpu.memory_space<semaphore_mem>>) src(%arg14 : memref<128x128xf32, #tpu.memory_space<vmem>>) dst(%dma_wait3A_84 : memref<128x128xf32, #tpu.memory_space<hbm>>)
        tpu.yield
      }) : () -> ()
    }
    %scan3A_22 = arith.constant 4 : i32
    %add3A_23 = arith.constant 512 : i32
    %add3A_24 = arith.addi %mul3A_0, %add3A_23 : i32
    "tpu.region"() ({
      %run_scoped3A = tpu.sem_alloc : memref<!tpu.dma_semaphore, #tpu.memory_space<semaphore_mem>>
      %dma_start3A = arith.constant 0 : i32
      %dma_start3A_68 = arith.constant 0 : i32
      %dma_start3A_69 = tpu.memref_slice %arg14[%dma_start3A, %dma_start3A_68] : memref<128x128xf32, #tpu.memory_space<vmem>> -> memref<120x128xf32, #tpu.memory_space<vmem>>
      %dma_start3A_70 = arith.constant 0 : i32
      %dma_start3A_71 = tpu.memref_slice %arg18[%add3A_24, %dma_start3A_70] : memref<10112x128xf32, #tpu.memory_space<vmem_shared>> -> memref<120x128xf32, #tpu.memory_space<vmem_shared>>
      %dma_start3A_72 = arith.constant 0 : i32
      %dma_start3A_73 = arith.constant 0 : i32
      %dma_start3A_74 = tpu.memref_slice %arg14[%dma_start3A_72, %dma_start3A_73] : memref<128x128xf32, #tpu.memory_space<vmem>> -> memref<120x128xf32, #tpu.memory_space<vmem>>
      %dma_start3A_75 = arith.constant 0 : i32
      %dma_start3A_76 = tpu.memref_slice %arg18[%add3A_24, %dma_start3A_75] : memref<10112x128xf32, #tpu.memory_space<vmem_shared>> -> memref<120x128xf32, #tpu.memory_space<vmem_shared>>
      tpu.enqueue_dma source(%dma_start3A_76 : memref<120x128xf32, #tpu.memory_space<vmem_shared>>) target(%dma_start3A_74 : memref<120x128xf32, #tpu.memory_space<vmem>>) target_semaphore(%run_scoped3A : memref<!tpu.dma_semaphore, #tpu.memory_space<semaphore_mem>>)
      %dma_wait3A_77 = arith.constant 0 : i32
      %dma_wait3A_78 = arith.constant 0 : i32
      %dma_wait3A_79 = tpu.memref_slice %arg14[%dma_wait3A_77, %dma_wait3A_78] : memref<128x128xf32, #tpu.memory_space<vmem>> -> memref<120x128xf32, #tpu.memory_space<vmem>>
      %dma_wait3A_80 = arith.constant 0 : i32
      %dma_wait3A_81 = tpu.memref_slice %arg18[%add3A_24, %dma_wait3A_80] : memref<10112x128xf32, #tpu.memory_space<vmem_shared>> -> memref<120x128xf32, #tpu.memory_space<vmem_shared>>
      %dma_wait3A_82 = arith.constant 0 : i32
      %dma_wait3A_83 = arith.constant 0 : i32
      %dma_wait3A_84 = tpu.memref_slice %arg14[%dma_wait3A_82, %dma_wait3A_83] : memref<128x128xf32, #tpu.memory_space<vmem>> -> memref<120x128xf32, #tpu.memory_space<vmem>>
      %dma_wait3A_85 = arith.constant 0 : i32
      %dma_wait3A_86 = tpu.memref_slice %arg18[%add3A_24, %dma_wait3A_85] : memref<10112x128xf32, #tpu.memory_space<vmem_shared>> -> memref<120x128xf32, #tpu.memory_space<vmem_shared>>
      tpu.wait_dma2 semaphore(%run_scoped3A : memref<!tpu.dma_semaphore, #tpu.memory_space<semaphore_mem>>) src(%dma_wait3A_86 : memref<120x128xf32, #tpu.memory_space<vmem_shared>>) dst(%dma_wait3A_84 : memref<120x128xf32, #tpu.memory_space<vmem>>)
      tpu.yield
    }) : () -> ()
    %mul3A_25 = arith.constant 10112 : i32
    %mul3A_26 = arith.muli %arg0, %mul3A_25 : i32
    %add3A_27 = arith.addi %mul3A_26, %mul3A_0 : i32
    %add3A_28 = arith.constant 512 : i32
    %add3A_29 = arith.addi %add3A_27, %add3A_28 : i32
    "tpu.region"() ({
      %run_scoped3A = tpu.sem_alloc : memref<!tpu.dma_semaphore, #tpu.memory_space<semaphore_mem>>
      %dma_start3A = arith.constant 0 : i32
      %dma_start3A_68 = arith.constant 0 : i32
      %dma_start3A_69 = tpu.memref_slice %arg14[%dma_start3A, %dma_start3A_68] : memref<128x128xf32, #tpu.memory_space<vmem>> -> memref<120x128xf32, #tpu.memory_space<vmem>>
      %dma_start3A_70 = arith.constant 0 : i32
      %dma_start3A_71 = tpu.memref_slice %arg8[%add3A_29, %dma_start3A_70] : memref<20224x128xf32, #tpu.memory_space<hbm>> -> memref<120x128xf32, #tpu.memory_space<hbm>>
      %dma_start3A_72 = arith.constant 0 : i32
      %dma_start3A_73 = tpu.memref_slice %arg8[%add3A_29, %dma_start3A_72] : memref<20224x128xf32, #tpu.memory_space<hbm>> -> memref<120x128xf32, #tpu.memory_space<hbm>>
      %dma_start3A_74 = arith.constant 0 : i32
      %dma_start3A_75 = arith.constant 0 : i32
      %dma_start3A_76 = tpu.memref_slice %arg14[%dma_start3A_74, %dma_start3A_75] : memref<128x128xf32, #tpu.memory_space<vmem>> -> memref<120x128xf32, #tpu.memory_space<vmem>>
      tpu.enqueue_dma source(%dma_start3A_76 : memref<120x128xf32, #tpu.memory_space<vmem>>) target(%dma_start3A_73 : memref<120x128xf32, #tpu.memory_space<hbm>>) target_semaphore(%run_scoped3A : memref<!tpu.dma_semaphore, #tpu.memory_space<semaphore_mem>>)
      %dma_wait3A_77 = arith.constant 0 : i32
      %dma_wait3A_78 = arith.constant 0 : i32
      %dma_wait3A_79 = tpu.memref_slice %arg14[%dma_wait3A_77, %dma_wait3A_78] : memref<128x128xf32, #tpu.memory_space<vmem>> -> memref<120x128xf32, #tpu.memory_space<vmem>>
      %dma_wait3A_80 = arith.constant 0 : i32
      %dma_wait3A_81 = tpu.memref_slice %arg8[%add3A_29, %dma_wait3A_80] : memref<20224x128xf32, #tpu.memory_space<hbm>> -> memref<120x128xf32, #tpu.memory_space<hbm>>
      %dma_wait3A_82 = arith.constant 0 : i32
      %dma_wait3A_83 = tpu.memref_slice %arg8[%add3A_29, %dma_wait3A_82] : memref<20224x128xf32, #tpu.memory_space<hbm>> -> memref<120x128xf32, #tpu.memory_space<hbm>>
      %dma_wait3A_84 = arith.constant 0 : i32
      %dma_wait3A_85 = arith.constant 0 : i32
      %dma_wait3A_86 = tpu.memref_slice %arg14[%dma_wait3A_84, %dma_wait3A_85] : memref<128x128xf32, #tpu.memory_space<vmem>> -> memref<120x128xf32, #tpu.memory_space<vmem>>
      tpu.wait_dma2 semaphore(%run_scoped3A : memref<!tpu.dma_semaphore, #tpu.memory_space<semaphore_mem>>) src(%dma_wait3A_86 : memref<120x128xf32, #tpu.memory_space<vmem>>) dst(%dma_wait3A_83 : memref<120x128xf32, #tpu.memory_space<hbm>>)
      tpu.yield
    }) : () -> ()
    %barrier3A_30 = arith.constant 0 : index
    tpu.barrier barrier_id(%barrier3A_30)
    "tpu.region"() ({
      %run_scoped3A = tpu.sem_alloc : memref<!tpu.dma_semaphore, #tpu.memory_space<semaphore_mem>>
      %dma_start3A = arith.constant 0 : i32
      %dma_start3A_68 = arith.constant 0 : i32
      %dma_start3A_69 = tpu.memref_slice %arg6[%dma_start3A, %dma_start3A_68] : memref<10112x128xf32, #tpu.memory_space<hbm>> -> memref<128x128xf32, #tpu.memory_space<hbm>>
      %dma_start3A_70 = arith.constant 0 : i32
      %dma_start3A_71 = arith.constant 0 : i32
      %dma_start3A_72 = tpu.memref_slice %arg6[%dma_start3A_70, %dma_start3A_71] : memref<10112x128xf32, #tpu.memory_space<hbm>> -> memref<128x128xf32, #tpu.memory_space<hbm>>
      tpu.enqueue_dma source(%dma_start3A_72 : memref<128x128xf32, #tpu.memory_space<hbm>>) target(%arg14 : memref<128x128xf32, #tpu.memory_space<vmem>>) target_semaphore(%run_scoped3A : memref<!tpu.dma_semaphore, #tpu.memory_space<semaphore_mem>>)
      %dma_wait3A_73 = arith.constant 0 : i32
      %dma_wait3A_74 = arith.constant 0 : i32
      %dma_wait3A_75 = tpu.memref_slice %arg6[%dma_wait3A_73, %dma_wait3A_74] : memref<10112x128xf32, #tpu.memory_space<hbm>> -> memref<128x128xf32, #tpu.memory_space<hbm>>
      %dma_wait3A_76 = arith.constant 0 : i32
      %dma_wait3A_77 = arith.constant 0 : i32
      %dma_wait3A_78 = tpu.memref_slice %arg6[%dma_wait3A_76, %dma_wait3A_77] : memref<10112x128xf32, #tpu.memory_space<hbm>> -> memref<128x128xf32, #tpu.memory_space<hbm>>
      tpu.wait_dma2 semaphore(%run_scoped3A : memref<!tpu.dma_semaphore, #tpu.memory_space<semaphore_mem>>) src(%dma_wait3A_78 : memref<128x128xf32, #tpu.memory_space<hbm>>) dst(%arg14 : memref<128x128xf32, #tpu.memory_space<vmem>>)
      tpu.yield
    }) : () -> ()
    %scan3A_31 = arith.constant 0 : i32
    %scan3A_32 = arith.constant 0 : i32
    %scan3A_33 = arith.constant 4 : i32
    %scan3A_34 = arith.addi %scan3A_32, %scan3A_33 : i32
    %scan3A_35 = arith.constant 1 : i32
    scf.for %scan3A_68 = %scan3A_32 to %scan3A_34 step %scan3A_35  : i32 {
      %mul3A_69 = arith.constant 128 : i32
      %mul3A_70 = arith.muli %scan3A_68, %mul3A_69 : i32
      %add3A_71 = arith.addi %mul3A_0, %mul3A_70 : i32
      "tpu.region"() ({
        %run_scoped3A = tpu.sem_alloc : memref<!tpu.dma_semaphore, #tpu.memory_space<semaphore_mem>>
        %dma_start3A = arith.constant 0 : i32
        %dma_start3A_72 = tpu.memref_slice %arg18[%add3A_71, %dma_start3A] : memref<10112x128xf32, #tpu.memory_space<vmem_shared>> -> memref<128x128xf32, #tpu.memory_space<vmem_shared>>
        %dma_start3A_73 = arith.constant 0 : i32
        %dma_start3A_74 = tpu.memref_slice %arg18[%add3A_71, %dma_start3A_73] : memref<10112x128xf32, #tpu.memory_space<vmem_shared>> -> memref<128x128xf32, #tpu.memory_space<vmem_shared>>
        tpu.enqueue_dma source(%arg14 : memref<128x128xf32, #tpu.memory_space<vmem>>) target(%dma_start3A_74 : memref<128x128xf32, #tpu.memory_space<vmem_shared>>) target_semaphore(%run_scoped3A : memref<!tpu.dma_semaphore, #tpu.memory_space<semaphore_mem>>)
        %dma_wait3A_75 = arith.constant 0 : i32
        %dma_wait3A_76 = tpu.memref_slice %arg18[%add3A_71, %dma_wait3A_75] : memref<10112x128xf32, #tpu.memory_space<vmem_shared>> -> memref<128x128xf32, #tpu.memory_space<vmem_shared>>
        %dma_wait3A_77 = arith.constant 0 : i32
        %dma_wait3A_78 = tpu.memref_slice %arg18[%add3A_71, %dma_wait3A_77] : memref<10112x128xf32, #tpu.memory_space<vmem_shared>> -> memref<128x128xf32, #tpu.memory_space<vmem_shared>>
        tpu.wait_dma2 semaphore(%run_scoped3A : memref<!tpu.dma_semaphore, #tpu.memory_space<semaphore_mem>>) src(%arg14 : memref<128x128xf32, #tpu.memory_space<vmem>>) dst(%dma_wait3A_78 : memref<128x128xf32, #tpu.memory_space<vmem_shared>>)
        tpu.yield
      }) : () -> ()
    }
    %scan3A_36 = arith.constant 4 : i32
    %add3A_37 = arith.constant 512 : i32
    %add3A_38 = arith.addi %mul3A_0, %add3A_37 : i32
    "tpu.region"() ({
      %run_scoped3A = tpu.sem_alloc : memref<!tpu.dma_semaphore, #tpu.memory_space<semaphore_mem>>
      %dma_start3A = arith.constant 0 : i32
      %dma_start3A_68 = arith.constant 0 : i32
      %dma_start3A_69 = tpu.memref_slice %arg14[%dma_start3A, %dma_start3A_68] : memref<128x128xf32, #tpu.memory_space<vmem>> -> memref<120x128xf32, #tpu.memory_space<vmem>>
      %dma_start3A_70 = arith.constant 0 : i32
      %dma_start3A_71 = tpu.memref_slice %arg18[%add3A_38, %dma_start3A_70] : memref<10112x128xf32, #tpu.memory_space<vmem_shared>> -> memref<120x128xf32, #tpu.memory_space<vmem_shared>>
      %dma_start3A_72 = arith.constant 0 : i32
      %dma_start3A_73 = tpu.memref_slice %arg18[%add3A_38, %dma_start3A_72] : memref<10112x128xf32, #tpu.memory_space<vmem_shared>> -> memref<120x128xf32, #tpu.memory_space<vmem_shared>>
      %dma_start3A_74 = arith.constant 0 : i32
      %dma_start3A_75 = arith.constant 0 : i32
      %dma_start3A_76 = tpu.memref_slice %arg14[%dma_start3A_74, %dma_start3A_75] : memref<128x128xf32, #tpu.memory_space<vmem>> -> memref<120x128xf32, #tpu.memory_space<vmem>>
      tpu.enqueue_dma source(%dma_start3A_76 : memref<120x128xf32, #tpu.memory_space<vmem>>) target(%dma_start3A_73 : memref<120x128xf32, #tpu.memory_space<vmem_shared>>) target_semaphore(%run_scoped3A : memref<!tpu.dma_semaphore, #tpu.memory_space<semaphore_mem>>)
      %dma_wait3A_77 = arith.constant 0 : i32
      %dma_wait3A_78 = arith.constant 0 : i32
      %dma_wait3A_79 = tpu.memref_slice %arg14[%dma_wait3A_77, %dma_wait3A_78] : memref<128x128xf32, #tpu.memory_space<vmem>> -> memref<120x128xf32, #tpu.memory_space<vmem>>
      %dma_wait3A_80 = arith.constant 0 : i32
      %dma_wait3A_81 = tpu.memref_slice %arg18[%add3A_38, %dma_wait3A_80] : memref<10112x128xf32, #tpu.memory_space<vmem_shared>> -> memref<120x128xf32, #tpu.memory_space<vmem_shared>>
      %dma_wait3A_82 = arith.constant 0 : i32
      %dma_wait3A_83 = tpu.memref_slice %arg18[%add3A_38, %dma_wait3A_82] : memref<10112x128xf32, #tpu.memory_space<vmem_shared>> -> memref<120x128xf32, #tpu.memory_space<vmem_shared>>
      %dma_wait3A_84 = arith.constant 0 : i32
      %dma_wait3A_85 = arith.constant 0 : i32
      %dma_wait3A_86 = tpu.memref_slice %arg14[%dma_wait3A_84, %dma_wait3A_85] : memref<128x128xf32, #tpu.memory_space<vmem>> -> memref<120x128xf32, #tpu.memory_space<vmem>>
      tpu.wait_dma2 semaphore(%run_scoped3A : memref<!tpu.dma_semaphore, #tpu.memory_space<semaphore_mem>>) src(%dma_wait3A_86 : memref<120x128xf32, #tpu.memory_space<vmem>>) dst(%dma_wait3A_83 : memref<120x128xf32, #tpu.memory_space<vmem_shared>>)
      tpu.yield
    }) : () -> ()
    %barrier3A_39 = arith.constant 0 : index
    tpu.barrier barrier_id(%barrier3A_39)
    %mul3A_40 = arith.constant 5120 : i32
    %mul3A_41 = arith.muli %arg0, %mul3A_40 : i32
    %add3A_42 = arith.addi %mul3A_2, %mul3A_41 : i32
    "tpu.region"() ({
      %run_scoped3A = tpu.sem_alloc : memref<!tpu.dma_semaphore, #tpu.memory_space<semaphore_mem>>
      %dma_start3A = tpu.memref_slice %arg5[%add3A_42] : memref<163840xi32, #tpu.memory_space<hbm>> -> memref<5120xi32, #tpu.memory_space<hbm>>
      %dma_start3A_68 = tpu.memref_slice %arg5[%add3A_42] : memref<163840xi32, #tpu.memory_space<hbm>> -> memref<5120xi32, #tpu.memory_space<hbm>>
      tpu.enqueue_dma source(%dma_start3A_68 : memref<5120xi32, #tpu.memory_space<hbm>>) target(%arg17 : memref<5120xi32, #tpu.memory_space<vmem>>) target_semaphore(%run_scoped3A : memref<!tpu.dma_semaphore, #tpu.memory_space<semaphore_mem>>)
      %dma_wait3A_69 = tpu.memref_slice %arg5[%add3A_42] : memref<163840xi32, #tpu.memory_space<hbm>> -> memref<5120xi32, #tpu.memory_space<hbm>>
      %dma_wait3A_70 = tpu.memref_slice %arg5[%add3A_42] : memref<163840xi32, #tpu.memory_space<hbm>> -> memref<5120xi32, #tpu.memory_space<hbm>>
      tpu.wait_dma2 semaphore(%run_scoped3A : memref<!tpu.dma_semaphore, #tpu.memory_space<semaphore_mem>>) src(%dma_wait3A_70 : memref<5120xi32, #tpu.memory_space<hbm>>) dst(%arg17 : memref<5120xi32, #tpu.memory_space<vmem>>)
      tpu.yield
    }) : () -> ()
    "tpu.region"() ({
      %run_scoped3A = tpu.sem_alloc : memref<!tpu.dma_semaphore, #tpu.memory_space<semaphore_mem>>
      tpu.enqueue_dma source(%arg7 : memref<128x128xf32, #tpu.memory_space<hbm>>) target(%arg14 : memref<128x128xf32, #tpu.memory_space<vmem>>) target_semaphore(%run_scoped3A : memref<!tpu.dma_semaphore, #tpu.memory_space<semaphore_mem>>)
      tpu.wait_dma2 semaphore(%run_scoped3A : memref<!tpu.dma_semaphore, #tpu.memory_space<semaphore_mem>>) src(%arg7 : memref<128x128xf32, #tpu.memory_space<hbm>>) dst(%arg14 : memref<128x128xf32, #tpu.memory_space<vmem>>)
      tpu.yield
    }) : () -> ()
    %scan3A_43 = arith.constant 0 : i32
    %scan3A_44 = arith.constant 0 : i32
    %scan3A_45 = arith.constant 20 : i32
    %scan3A_46 = arith.addi %scan3A_44, %scan3A_45 : i32
    %scan3A_47 = arith.constant 1 : i32
    scf.for %scan3A_68 = %scan3A_44 to %scan3A_46 step %scan3A_47  : i32 {
      %gt3A = arith.constant 0 : i32
      %gt3A_69 = arith.cmpi sgt, %scan3A_68, %gt3A : i32
      %convert_element_type3A_70 = arith.extui %gt3A_69 : i1 to i32
      %cond3A_71 = arith.constant 0 : i32
      %cond3A_72 = arith.cmpi ne, %convert_element_type3A_70, %cond3A_71 : i32
      scf.if %cond3A_72 {
        %dma_wait3A_105 = arith.constant 0 : i32
        %dma_wait3A_106 = arith.constant 0 : i32
        %dma_wait3A_107 = tpu.memref_slice %arg18[%dma_wait3A_105, %dma_wait3A_106] : memref<10112x128xf32, #tpu.memory_space<vmem_shared>> -> memref<10112x128xf32, #tpu.memory_space<vmem_shared>>
        tpu.wait_indirect_dma semaphore(%arg21 : memref<!tpu.dma_semaphore, #tpu.memory_space<semaphore_mem>>) src(%arg14 : memref<128x128xf32, #tpu.memory_space<vmem>>) dst(%dma_wait3A_107 : memref<10112x128xf32, #tpu.memory_space<vmem_shared>>)
      } else {
      }
      %mul3A_73 = arith.constant 2 : i32
      %mul3A_74 = arith.muli %mul3A_73, %scan3A_68 : i32
      %mul3A_75 = arith.constant 128 : i32
      %mul3A_76 = arith.muli %mul3A_74, %mul3A_75 : i32
      %scan3A_77 = arith.constant 0 : i32
      %scan3A_78 = arith.constant 0 : i32
      %scan3A_79 = arith.constant 8 : i32
      %scan3A_80 = arith.addi %scan3A_78, %scan3A_79 : i32
      %scan3A_81 = arith.constant 1 : i32
      scf.for %scan3A_105 = %scan3A_78 to %scan3A_80 step %scan3A_81  : i32 {
        %mul3A_106 = arith.constant 16 : i32
        %mul3A_107 = arith.muli %scan3A_105, %mul3A_106 : i32
        %add3A_108 = arith.addi %mul3A_76, %mul3A_107 : i32
        %get3A = arith.index_cast %add3A_108 : i32 to index
        %get3A_109 = tpu.vector_load %arg17[%get3A] {strides = array<i32>} : memref<5120xi32, #tpu.memory_space<vmem>>, vector<16xi32>,
        %get3A_110 = vector.shape_cast %get3A_109 : vector<16xi32> to vector<16xi32>
        %mul3A_111 = arith.constant 16 : i32
        %mul3A_112 = arith.muli %scan3A_105, %mul3A_111 : i32
        %swap3A = arith.index_cast %mul3A_112 : i32 to index
        %swap3A_113 = tpu.vector_load %arg11[%swap3A] {strides = array<i32>} : memref<128xi32, #tpu.memory_space<vmem>>, vector<16xi32>,
        %swap3A_114 = vector.shape_cast %swap3A_113 : vector<16xi32> to vector<16xi32>
        %swap3A_115 = vector.shape_cast %get3A_110 : vector<16xi32> to vector<16xi32>
        tpu.vector_store %arg11[%swap3A], %swap3A_115 {strides = array<i32>} : memref<128xi32, #tpu.memory_space<vmem>>, vector<16xi32>,
      }
      %scan3A_82 = arith.constant 8 : i32
      %dma_start3A = arith.constant 0 : i32
      %dma_start3A_83 = arith.constant 0 : i32
      %dma_start3A_84 = tpu.memref_slice %arg18[%dma_start3A, %dma_start3A_83] : memref<10112x128xf32, #tpu.memory_space<vmem_shared>> -> memref<10112x128xf32, #tpu.memory_space<vmem_shared>>
      tpu.enqueue_indirect_dma source(%arg14 : memref<128x128xf32, #tpu.memory_space<vmem>>) target(%dma_start3A_84 : memref<10112x128xf32, #tpu.memory_space<vmem_shared>>) offsets(%arg11 : memref<128xi32, #tpu.memory_space<vmem>>) semaphore(%arg21 : memref<!tpu.dma_semaphore, #tpu.memory_space<semaphore_mem>>) {add = true}
      %gt3A_85 = arith.constant 0 : i32
      %gt3A_86 = arith.cmpi sgt, %scan3A_68, %gt3A_85 : i32
      %convert_element_type3A_87 = arith.extui %gt3A_86 : i1 to i32
      %cond3A_88 = arith.constant 0 : i32
      %cond3A_89 = arith.cmpi ne, %convert_element_type3A_87, %cond3A_88 : i32
      scf.if %cond3A_89 {
        %dma_wait3A_105 = arith.constant 0 : i32
        %dma_wait3A_106 = arith.constant 0 : i32
        %dma_wait3A_107 = tpu.memref_slice %arg18[%dma_wait3A_105, %dma_wait3A_106] : memref<10112x128xf32, #tpu.memory_space<vmem_shared>> -> memref<10112x128xf32, #tpu.memory_space<vmem_shared>>
        tpu.wait_indirect_dma semaphore(%arg22 : memref<!tpu.dma_semaphore, #tpu.memory_space<semaphore_mem>>) src(%arg14 : memref<128x128xf32, #tpu.memory_space<vmem>>) dst(%dma_wait3A_107 : memref<10112x128xf32, #tpu.memory_space<vmem_shared>>)
      } else {
      }
      %mul3A_90 = arith.constant 2 : i32
      %mul3A_91 = arith.muli %mul3A_90, %scan3A_68 : i32
      %add3A_92 = arith.constant 1 : i32
      %add3A_93 = arith.addi %mul3A_91, %add3A_92 : i32
      %mul3A_94 = arith.constant 128 : i32
      %mul3A_95 = arith.muli %add3A_93, %mul3A_94 : i32
      %scan3A_96 = arith.constant 0 : i32
      %scan3A_97 = arith.constant 0 : i32
      %scan3A_98 = arith.constant 8 : i32
      %scan3A_99 = arith.addi %scan3A_97, %scan3A_98 : i32
      %scan3A_100 = arith.constant 1 : i32
      scf.for %scan3A_105 = %scan3A_97 to %scan3A_99 step %scan3A_100  : i32 {
        %mul3A_106 = arith.constant 16 : i32
        %mul3A_107 = arith.muli %scan3A_105, %mul3A_106 : i32
        %add3A_108 = arith.addi %mul3A_95, %mul3A_107 : i32
        %get3A = arith.index_cast %add3A_108 : i32 to index
        %get3A_109 = tpu.vector_load %arg17[%get3A] {strides = array<i32>} : memref<5120xi32, #tpu.memory_space<vmem>>, vector<16xi32>,
        %get3A_110 = vector.shape_cast %get3A_109 : vector<16xi32> to vector<16xi32>
        %mul3A_111 = arith.constant 16 : i32
        %mul3A_112 = arith.muli %scan3A_105, %mul3A_111 : i32
        %swap3A = arith.index_cast %mul3A_112 : i32 to index
        %swap3A_113 = tpu.vector_load %arg13[%swap3A] {strides = array<i32>} : memref<128xi32, #tpu.memory_space<vmem>>, vector<16xi32>,
        %swap3A_114 = vector.shape_cast %swap3A_113 : vector<16xi32> to vector<16xi32>
        %swap3A_115 = vector.shape_cast %get3A_110 : vector<16xi32> to vector<16xi32>
        tpu.vector_store %arg13[%swap3A], %swap3A_115 {strides = array<i32>} : memref<128xi32, #tpu.memory_space<vmem>>, vector<16xi32>,
      }
      %scan3A_101 = arith.constant 8 : i32
      %dma_start3A_102 = arith.constant 0 : i32
      %dma_start3A_103 = arith.constant 0 : i32
      %dma_start3A_104 = tpu.memref_slice %arg18[%dma_start3A_102, %dma_start3A_103] : memref<10112x128xf32, #tpu.memory_space<vmem_shared>> -> memref<10112x128xf32, #tpu.memory_space<vmem_shared>>
      tpu.enqueue_indirect_dma source(%arg14 : memref<128x128xf32, #tpu.memory_space<vmem>>) target(%dma_start3A_104 : memref<10112x128xf32, #tpu.memory_space<vmem_shared>>) offsets(%arg13 : memref<128xi32, #tpu.memory_space<vmem>>) semaphore(%arg22 : memref<!tpu.dma_semaphore, #tpu.memory_space<semaphore_mem>>) {add = true}
    }
    %scan3A_48 = arith.constant 20 : i32
    %dma_wait3A = arith.constant 0 : i32
    %dma_wait3A_49 = arith.constant 0 : i32
    %dma_wait3A_50 = tpu.memref_slice %arg18[%dma_wait3A, %dma_wait3A_49] : memref<10112x128xf32, #tpu.memory_space<vmem_shared>> -> memref<10112x128xf32, #tpu.memory_space<vmem_shared>>
    tpu.wait_indirect_dma semaphore(%arg21 : memref<!tpu.dma_semaphore, #tpu.memory_space<semaphore_mem>>) src(%arg14 : memref<128x128xf32, #tpu.memory_space<vmem>>) dst(%dma_wait3A_50 : memref<10112x128xf32, #tpu.memory_space<vmem_shared>>)
    %dma_wait3A_51 = arith.constant 0 : i32
    %dma_wait3A_52 = arith.constant 0 : i32
    %dma_wait3A_53 = tpu.memref_slice %arg18[%dma_wait3A_51, %dma_wait3A_52] : memref<10112x128xf32, #tpu.memory_space<vmem_shared>> -> memref<10112x128xf32, #tpu.memory_space<vmem_shared>>
    tpu.wait_indirect_dma semaphore(%arg22 : memref<!tpu.dma_semaphore, #tpu.memory_space<semaphore_mem>>) src(%arg14 : memref<128x128xf32, #tpu.memory_space<vmem>>) dst(%dma_wait3A_53 : memref<10112x128xf32, #tpu.memory_space<vmem_shared>>)
    %barrier3A_54 = arith.constant 0 : index
    tpu.barrier barrier_id(%barrier3A_54)
    %scan3A_55 = arith.constant 0 : i32
    %scan3A_56 = arith.constant 0 : i32
    %scan3A_57 = arith.constant 4 : i32
    %scan3A_58 = arith.addi %scan3A_56, %scan3A_57 : i32
    %scan3A_59 = arith.constant 1 : i32
    scf.for %scan3A_68 = %scan3A_56 to %scan3A_58 step %scan3A_59  : i32 {
      %mul3A_69 = arith.constant 128 : i32
      %mul3A_70 = arith.muli %scan3A_68, %mul3A_69 : i32
      %add3A_71 = arith.addi %mul3A_0, %mul3A_70 : i32
      "tpu.region"() ({
        %run_scoped3A = tpu.sem_alloc : memref<!tpu.dma_semaphore, #tpu.memory_space<semaphore_mem>>
        %dma_start3A = arith.constant 0 : i32
        %dma_start3A_78 = tpu.memref_slice %arg18[%add3A_71, %dma_start3A] : memref<10112x128xf32, #tpu.memory_space<vmem_shared>> -> memref<128x128xf32, #tpu.memory_space<vmem_shared>>
        %dma_start3A_79 = arith.constant 0 : i32
        %dma_start3A_80 = tpu.memref_slice %arg18[%add3A_71, %dma_start3A_79] : memref<10112x128xf32, #tpu.memory_space<vmem_shared>> -> memref<128x128xf32, #tpu.memory_space<vmem_shared>>
        tpu.enqueue_dma source(%dma_start3A_80 : memref<128x128xf32, #tpu.memory_space<vmem_shared>>) target(%arg14 : memref<128x128xf32, #tpu.memory_space<vmem>>) target_semaphore(%run_scoped3A : memref<!tpu.dma_semaphore, #tpu.memory_space<semaphore_mem>>)
        %dma_wait3A_81 = arith.constant 0 : i32
        %dma_wait3A_82 = tpu.memref_slice %arg18[%add3A_71, %dma_wait3A_81] : memref<10112x128xf32, #tpu.memory_space<vmem_shared>> -> memref<128x128xf32, #tpu.memory_space<vmem_shared>>
        %dma_wait3A_83 = arith.constant 0 : i32
        %dma_wait3A_84 = tpu.memref_slice %arg18[%add3A_71, %dma_wait3A_83] : memref<10112x128xf32, #tpu.memory_space<vmem_shared>> -> memref<128x128xf32, #tpu.memory_space<vmem_shared>>
        tpu.wait_dma2 semaphore(%run_scoped3A : memref<!tpu.dma_semaphore, #tpu.memory_space<semaphore_mem>>) src(%dma_wait3A_84 : memref<128x128xf32, #tpu.memory_space<vmem_shared>>) dst(%arg14 : memref<128x128xf32, #tpu.memory_space<vmem>>)
        tpu.yield
      }) : () -> ()
      %mul3A_72 = arith.constant 10112 : i32
      %mul3A_73 = arith.muli %arg0, %mul3A_72 : i32
      %add3A_74 = arith.addi %mul3A_73, %mul3A_0 : i32
      %mul3A_75 = arith.constant 128 : i32
      %mul3A_76 = arith.muli %scan3A_68, %mul3A_75 : i32
      %add3A_77 = arith.addi %add3A_74, %mul3A_76 : i32
      "tpu.region"() ({
        %run_scoped3A = tpu.sem_alloc : memref<!tpu.dma_semaphore, #tpu.memory_space<semaphore_mem>>
        %dma_start3A = arith.constant 0 : i32
        %dma_start3A_78 = tpu.memref_slice %arg9[%add3A_77, %dma_start3A] : memref<20224x128xf32, #tpu.memory_space<hbm>> -> memref<128x128xf32, #tpu.memory_space<hbm>>
        %dma_start3A_79 = arith.constant 0 : i32
        %dma_start3A_80 = tpu.memref_slice %arg9[%add3A_77, %dma_start3A_79] : memref<20224x128xf32, #tpu.memory_space<hbm>> -> memref<128x128xf32, #tpu.memory_space<hbm>>
        tpu.enqueue_dma source(%arg14 : memref<128x128xf32, #tpu.memory_space<vmem>>) target(%dma_start3A_80 : memref<128x128xf32, #tpu.memory_space<hbm>>) target_semaphore(%run_scoped3A : memref<!tpu.dma_semaphore, #tpu.memory_space<semaphore_mem>>)
        %dma_wait3A_81 = arith.constant 0 : i32
        %dma_wait3A_82 = tpu.memref_slice %arg9[%add3A_77, %dma_wait3A_81] : memref<20224x128xf32, #tpu.memory_space<hbm>> -> memref<128x128xf32, #tpu.memory_space<hbm>>
        %dma_wait3A_83 = arith.constant 0 : i32
        %dma_wait3A_84 = tpu.memref_slice %arg9[%add3A_77, %dma_wait3A_83] : memref<20224x128xf32, #tpu.memory_space<hbm>> -> memref<128x128xf32, #tpu.memory_space<hbm>>
        tpu.wait_dma2 semaphore(%run_scoped3A : memref<!tpu.dma_semaphore, #tpu.memory_space<semaphore_mem>>) src(%arg14 : memref<128x128xf32, #tpu.memory_space<vmem>>) dst(%dma_wait3A_84 : memref<128x128xf32, #tpu.memory_space<hbm>>)
        tpu.yield
      }) : () -> ()
    }
    %scan3A_60 = arith.constant 4 : i32
    %add3A_61 = arith.constant 512 : i32
    %add3A_62 = arith.addi %mul3A_0, %add3A_61 : i32
    "tpu.region"() ({
      %run_scoped3A = tpu.sem_alloc : memref<!tpu.dma_semaphore, #tpu.memory_space<semaphore_mem>>
      %dma_start3A = arith.constant 0 : i32
      %dma_start3A_68 = arith.constant 0 : i32
      %dma_start3A_69 = tpu.memref_slice %arg14[%dma_start3A, %dma_start3A_68] : memref<128x128xf32, #tpu.memory_space<vmem>> -> memref<120x128xf32, #tpu.memory_space<vmem>>
      %dma_start3A_70 = arith.constant 0 : i32
      %dma_start3A_71 = tpu.memref_slice %arg18[%add3A_62, %dma_start3A_70] : memref<10112x128xf32, #tpu.memory_space<vmem_shared>> -> memref<120x128xf32, #tpu.memory_space<vmem_shared>>
      %dma_start3A_72 = arith.constant 0 : i32
      %dma_start3A_73 = arith.constant 0 : i32
      %dma_start3A_74 = tpu.memref_slice %arg14[%dma_start3A_72, %dma_start3A_73] : memref<128x128xf32, #tpu.memory_space<vmem>> -> memref<120x128xf32, #tpu.memory_space<vmem>>
      %dma_start3A_75 = arith.constant 0 : i32
      %dma_start3A_76 = tpu.memref_slice %arg18[%add3A_62, %dma_start3A_75] : memref<10112x128xf32, #tpu.memory_space<vmem_shared>> -> memref<120x128xf32, #tpu.memory_space<vmem_shared>>
      tpu.enqueue_dma source(%dma_start3A_76 : memref<120x128xf32, #tpu.memory_space<vmem_shared>>) target(%dma_start3A_74 : memref<120x128xf32, #tpu.memory_space<vmem>>) target_semaphore(%run_scoped3A : memref<!tpu.dma_semaphore, #tpu.memory_space<semaphore_mem>>)
      %dma_wait3A_77 = arith.constant 0 : i32
      %dma_wait3A_78 = arith.constant 0 : i32
      %dma_wait3A_79 = tpu.memref_slice %arg14[%dma_wait3A_77, %dma_wait3A_78] : memref<128x128xf32, #tpu.memory_space<vmem>> -> memref<120x128xf32, #tpu.memory_space<vmem>>
      %dma_wait3A_80 = arith.constant 0 : i32
      %dma_wait3A_81 = tpu.memref_slice %arg18[%add3A_62, %dma_wait3A_80] : memref<10112x128xf32, #tpu.memory_space<vmem_shared>> -> memref<120x128xf32, #tpu.memory_space<vmem_shared>>
      %dma_wait3A_82 = arith.constant 0 : i32
      %dma_wait3A_83 = arith.constant 0 : i32
      %dma_wait3A_84 = tpu.memref_slice %arg14[%dma_wait3A_82, %dma_wait3A_83] : memref<128x128xf32, #tpu.memory_space<vmem>> -> memref<120x128xf32, #tpu.memory_space<vmem>>
      %dma_wait3A_85 = arith.constant 0 : i32
      %dma_wait3A_86 = tpu.memref_slice %arg18[%add3A_62, %dma_wait3A_85] : memref<10112x128xf32, #tpu.memory_space<vmem_shared>> -> memref<120x128xf32, #tpu.memory_space<vmem_shared>>
      tpu.wait_dma2 semaphore(%run_scoped3A : memref<!tpu.dma_semaphore, #tpu.memory_space<semaphore_mem>>) src(%dma_wait3A_86 : memref<120x128xf32, #tpu.memory_space<vmem_shared>>) dst(%dma_wait3A_84 : memref<120x128xf32, #tpu.memory_space<vmem>>)
      tpu.yield
    }) : () -> ()
    %mul3A_63 = arith.constant 10112 : i32
    %mul3A_64 = arith.muli %arg0, %mul3A_63 : i32
    %add3A_65 = arith.addi %mul3A_64, %mul3A_0 : i32
    %add3A_66 = arith.constant 512 : i32
    %add3A_67 = arith.addi %add3A_65, %add3A_66 : i32
    "tpu.region"() ({
      %run_scoped3A = tpu.sem_alloc : memref<!tpu.dma_semaphore, #tpu.memory_space<semaphore_mem>>
      %dma_start3A = arith.constant 0 : i32
      %dma_start3A_68 = arith.constant 0 : i32
      %dma_start3A_69 = tpu.memref_slice %arg14[%dma_start3A, %dma_start3A_68] : memref<128x128xf32, #tpu.memory_space<vmem>> -> memref<120x128xf32, #tpu.memory_space<vmem>>
      %dma_start3A_70 = arith.constant 0 : i32
      %dma_start3A_71 = tpu.memref_slice %arg9[%add3A_67, %dma_start3A_70] : memref<20224x128xf32, #tpu.memory_space<hbm>> -> memref<120x128xf32, #tpu.memory_space<hbm>>
      %dma_start3A_72 = arith.constant 0 : i32
      %dma_start3A_73 = tpu.memref_slice %arg9[%add3A_67, %dma_start3A_72] : memref<20224x128xf32, #tpu.memory_space<hbm>> -> memref<120x128xf32, #tpu.memory_space<hbm>>
      %dma_start3A_74 = arith.constant 0 : i32
      %dma_start3A_75 = arith.constant 0 : i32
      %dma_start3A_76 = tpu.memref_slice %arg14[%dma_start3A_74, %dma_start3A_75] : memref<128x128xf32, #tpu.memory_space<vmem>> -> memref<120x128xf32, #tpu.memory_space<vmem>>
      tpu.enqueue_dma source(%dma_start3A_76 : memref<120x128xf32, #tpu.memory_space<vmem>>) target(%dma_start3A_73 : memref<120x128xf32, #tpu.memory_space<hbm>>) target_semaphore(%run_scoped3A : memref<!tpu.dma_semaphore, #tpu.memory_space<semaphore_mem>>)
      %dma_wait3A_77 = arith.constant 0 : i32
      %dma_wait3A_78 = arith.constant 0 : i32
      %dma_wait3A_79 = tpu.memref_slice %arg14[%dma_wait3A_77, %dma_wait3A_78] : memref<128x128xf32, #tpu.memory_space<vmem>> -> memref<120x128xf32, #tpu.memory_space<vmem>>
      %dma_wait3A_80 = arith.constant 0 : i32
      %dma_wait3A_81 = tpu.memref_slice %arg9[%add3A_67, %dma_wait3A_80] : memref<20224x128xf32, #tpu.memory_space<hbm>> -> memref<120x128xf32, #tpu.memory_space<hbm>>
      %dma_wait3A_82 = arith.constant 0 : i32
      %dma_wait3A_83 = tpu.memref_slice %arg9[%add3A_67, %dma_wait3A_82] : memref<20224x128xf32, #tpu.memory_space<hbm>> -> memref<120x128xf32, #tpu.memory_space<hbm>>
      %dma_wait3A_84 = arith.constant 0 : i32
      %dma_wait3A_85 = arith.constant 0 : i32
      %dma_wait3A_86 = tpu.memref_slice %arg14[%dma_wait3A_84, %dma_wait3A_85] : memref<128x128xf32, #tpu.memory_space<vmem>> -> memref<120x128xf32, #tpu.memory_space<vmem>>
      tpu.wait_dma2 semaphore(%run_scoped3A : memref<!tpu.dma_semaphore, #tpu.memory_space<semaphore_mem>>) src(%dma_wait3A_86 : memref<120x128xf32, #tpu.memory_space<vmem>>) dst(%dma_wait3A_83 : memref<120x128xf32, #tpu.memory_space<hbm>>)
      tpu.yield
    }) : () -> ()
    return
  }
}

module attributes {stable_mosaic.version = 14 : i64} {
  func.func @body(%arg0: i32, %arg1: memref<1000x128xf32, #tpu.memory_space<vmem>>, %arg2: memref<1000x128xf32, #tpu.memory_space<vmem>>, %arg3: memref<1000x128xf32, #tpu.memory_space<vmem>>, %arg4: memref<1000x128xf32, #tpu.memory_space<vmem>>, %arg5: memref<128x256xf32, #tpu.memory_space<vmem>>, %arg6: memref<128x256xf32, #tpu.memory_space<vmem>>, %arg7: memref<1000x257xf32, #tpu.memory_space<vmem>>) attributes {dimension_semantics = [#tpu.dimension_semantics<arbitrary>], iteration_bounds = array<i64: 10>, scalar_prefetch = 0 : i64, scratch_operands = 0 : i64, tpu.core_type = #tpu.core_type<tc>, window_params = [{transform_indices = @transform_0, window_bounds = array<i64: 1000, 128>}, {transform_indices = @transform_1, window_bounds = array<i64: 1000, 128>}, {transform_indices = @transform_2, window_bounds = array<i64: 1000, 128>}, {transform_indices = @transform_3, window_bounds = array<i64: 1000, 128>}, {pipeline_mode = #tpu.pipeline_mode<synchronous>, transform_indices = @transform_4, window_bounds = array<i64: 128, 256>}, {pipeline_mode = #tpu.pipeline_mode<synchronous>, transform_indices = @transform_5, window_bounds = array<i64: 128, 256>}, {transform_indices = @transform_6, window_bounds = array<i64: 1000, 257>}]} {
    %get3A = arith.constant 0 : index
    %get3A_0 = arith.constant 0 : index
    %get3A_1 = vector.load %arg3[%get3A, %get3A_0] : memref<1000x128xf32, #tpu.memory_space<vmem>>, vector<1000x128xf32>
    %slice3A = vector.extract_strided_slice %get3A_1 {offsets = [0, 0], sizes = [1000, 1], strides = [1, 1]} : vector<1000x128xf32> to vector<1000x1xf32>
    %get3A_2 = arith.constant 0 : index
    %get3A_3 = arith.constant 0 : index
    %get3A_4 = vector.load %arg4[%get3A_2, %get3A_3] : memref<1000x128xf32, #tpu.memory_space<vmem>>, vector<1000x128xf32>
    %slice3A_5 = vector.extract_strided_slice %get3A_4 {offsets = [0, 0], sizes = [1000, 1], strides = [1, 1]} : vector<1000x128xf32> to vector<1000x1xf32>
    %add3A = arith.addf %slice3A, %slice3A_5 : vector<1000x1xf32>
    %max3A = arith.constant 1.000000e+00 : f32
    %max3A_6 = vector.broadcast %max3A : f32 to vector<1000x1xf32>
    %max3A_7 = arith.maximumf %add3A, %max3A_6 : vector<1000x1xf32>
    %div3A = arith.constant 1.000000e+00 : f32
    %div3A_8 = vector.broadcast %div3A : f32 to vector<1000x1xf32>
    %div3A_9 = arith.divf %div3A_8, %max3A_7 : vector<1000x1xf32>
    %get3A_10 = arith.constant 0 : index
    %get3A_11 = arith.constant 0 : index
    %get3A_12 = vector.load %arg1[%get3A_10, %get3A_11] : memref<1000x128xf32, #tpu.memory_space<vmem>>, vector<1000x128xf32>
    %mul3A = vector.broadcast %div3A_9 : vector<1000x1xf32> to vector<1000x128xf32>
    %mul3A_13 = arith.mulf %get3A_12, %mul3A : vector<1000x128xf32>
    %get3A_14 = arith.constant 0 : index
    %get3A_15 = arith.constant 0 : index
    %get3A_16 = vector.load %arg5[%get3A_14, %get3A_15] : memref<128x256xf32, #tpu.memory_space<vmem>>, vector<128x256xf32>
    %dot_general3A = arith.constant dense<0.000000e+00> : vector<1000x256xf32>
    %dot_general3A_17 = tpu.matmul %mul3A_13, %get3A_16, %dot_general3A {dimension_numbers = #tpu.dot_dimension_numbers<[1], [0], [0], [1], [0, 0, 1, 1], [], []>, transpose_lhs_hint = false} : vector<1000x128xf32>, vector<128x256xf32>, vector<1000x256xf32> -> vector<1000x256xf32>
    %get3A_18 = arith.constant 0 : index
    %get3A_19 = arith.constant 0 : index
    %get3A_20 = vector.load %arg2[%get3A_18, %get3A_19] : memref<1000x128xf32, #tpu.memory_space<vmem>>, vector<1000x128xf32>
    %mul3A_21 = vector.broadcast %div3A_9 : vector<1000x1xf32> to vector<1000x128xf32>
    %mul3A_22 = arith.mulf %get3A_20, %mul3A_21 : vector<1000x128xf32>
    %get3A_23 = arith.constant 0 : index
    %get3A_24 = arith.constant 0 : index
    %get3A_25 = vector.load %arg6[%get3A_23, %get3A_24] : memref<128x256xf32, #tpu.memory_space<vmem>>, vector<128x256xf32>
    %dot_general3A_26 = arith.constant dense<0.000000e+00> : vector<1000x256xf32>
    %dot_general3A_27 = tpu.matmul %mul3A_22, %get3A_25, %dot_general3A_26 {dimension_numbers = #tpu.dot_dimension_numbers<[1], [0], [0], [1], [0, 0, 1, 1], [], []>, transpose_lhs_hint = false} : vector<1000x128xf32>, vector<128x256xf32>, vector<1000x256xf32> -> vector<1000x256xf32>
    %add3A_28 = arith.addf %dot_general3A_17, %dot_general3A_27 : vector<1000x256xf32>
    %mul3A_29 = arith.mulf %add3A_28, %add3A_28 : vector<1000x256xf32>
    %reduce_sum3A = arith.constant dense<0.000000e+00> : vector<1000xf32>
    %reduce_sum3A_30 = vector.multi_reduction <add>, %mul3A_29, %reduce_sum3A [1] : vector<1000x256xf32> to vector<1000xf32>
    %broadcast_in_dim3A = vector.shape_cast %reduce_sum3A_30 : vector<1000xf32> to vector<1000x1xf32>
    %sqrt3A = math.sqrt %broadcast_in_dim3A : vector<1000x1xf32>
    %max3A_31 = arith.constant 9.99999993E-9 : f32
    %max3A_32 = vector.broadcast %max3A_31 : f32 to vector<1000x1xf32>
    %max3A_33 = arith.maximumf %sqrt3A, %max3A_32 : vector<1000x1xf32>
    %exp3A = math.exp %max3A_33 : vector<1000x1xf32>
    %div3A_34 = arith.constant 1.000000e+00 : f32
    %div3A_35 = vector.broadcast %div3A_34 : f32 to vector<1000x1xf32>
    %div3A_36 = arith.divf %div3A_35, %exp3A : vector<1000x1xf32>
    %sub3A = arith.subf %exp3A, %div3A_36 : vector<1000x1xf32>
    %mul3A_37 = arith.constant 5.000000e-01 : f32
    %mul3A_38 = vector.broadcast %mul3A_37 : f32 to vector<1000x1xf32>
    %mul3A_39 = arith.mulf %mul3A_38, %sub3A : vector<1000x1xf32>
    %div3A_40 = arith.divf %mul3A_39, %max3A_33 : vector<1000x1xf32>
    %mul3A_41 = vector.broadcast %div3A_40 : vector<1000x1xf32> to vector<1000x256xf32>
    %mul3A_42 = arith.mulf %mul3A_41, %add3A_28 : vector<1000x256xf32>
    %mul3A_43 = arith.mulf %mul3A_42, %mul3A_42 : vector<1000x256xf32>
    %reduce_sum3A_44 = arith.constant dense<0.000000e+00> : vector<1000xf32>
    %reduce_sum3A_45 = vector.multi_reduction <add>, %mul3A_43, %reduce_sum3A_44 [1] : vector<1000x256xf32> to vector<1000xf32>
    %broadcast_in_dim3A_46 = vector.shape_cast %reduce_sum3A_45 : vector<1000xf32> to vector<1000x1xf32>
    %add3A_47 = arith.constant 1.000000e+00 : f32
    %add3A_48 = vector.broadcast %add3A_47 : f32 to vector<1000x1xf32>
    %add3A_49 = arith.addf %add3A_48, %broadcast_in_dim3A_46 : vector<1000x1xf32>
    %sqrt3A_50 = math.sqrt %add3A_49 : vector<1000x1xf32>
    %concatenate3A = tpu.concatenate %sqrt3A_50, %mul3A_42 in 1 : vector<1000x1xf32>, vector<1000x256xf32> -> vector<1000x257xf32>
    %swap3A = arith.constant 0 : index
    %swap3A_51 = arith.constant 0 : index
    %swap3A_52 = vector.load %arg7[%swap3A, %swap3A_51] : memref<1000x257xf32, #tpu.memory_space<vmem>>, vector<1000x257xf32>
    tpu.vector_store %arg7[%swap3A, %swap3A_51], %concatenate3A {strides = array<i32>} : memref<1000x257xf32, #tpu.memory_space<vmem>>, vector<1000x257xf32>,
    return
  }
  func.func @transform_0(%arg0: i32) -> (i32, i32) {
    %c0_i32 = arith.constant 0 : i32
    %c0_i32_0 = arith.constant 0 : i32
    return %arg0, %c0_i32 : i32, i32
  }
  func.func @transform_1(%arg0: i32) -> (i32, i32) {
    %c0_i32 = arith.constant 0 : i32
    %c0_i32_0 = arith.constant 0 : i32
    return %arg0, %c0_i32 : i32, i32
  }
  func.func @transform_2(%arg0: i32) -> (i32, i32) {
    %c0_i32 = arith.constant 0 : i32
    %c0_i32_0 = arith.constant 0 : i32
    return %arg0, %c0_i32 : i32, i32
  }
  func.func @transform_3(%arg0: i32) -> (i32, i32) {
    %c0_i32 = arith.constant 0 : i32
    %c0_i32_0 = arith.constant 0 : i32
    return %arg0, %c0_i32 : i32, i32
  }
  func.func @transform_4(%arg0: i32) -> (i32, i32) {
    %c0_i32 = arith.constant 0 : i32
    %c0_i32_0 = arith.constant 0 : i32
    %c0_i32_1 = arith.constant 0 : i32
    return %c0_i32, %c0_i32_0 : i32, i32
  }
  func.func @transform_5(%arg0: i32) -> (i32, i32) {
    %c0_i32 = arith.constant 0 : i32
    %c0_i32_0 = arith.constant 0 : i32
    %c0_i32_1 = arith.constant 0 : i32
    return %c0_i32, %c0_i32_0 : i32, i32
  }
  func.func @transform_6(%arg0: i32) -> (i32, i32) {
    %c0_i32 = arith.constant 0 : i32
    %c0_i32_0 = arith.constant 0 : i32
    return %arg0, %c0_i32 : i32, i32
  }
}

</mosaic_0001>

<sc_bundles>
// kernel: kernel.4.cloned.1.call-start
scs
__scs_entry_jumppad:
0x0: {  	(pc) =	sbr.rel $0x88, $3  }
0x1: {  	(tag) =	ssettag $0x0;
	lr =	simm.s32 $0x1  }
0x2: {  	[smem:$0x3F9E] =	sst lr;
	_ =	strace $0xD0000000  }
0x3: {  	_ = 	snop  }
0x4: {  	_ = 	snop  }
0x5: {  	_ = 	snop  }
0x6: {  	_ = 	snop  }
0x7: {  	_ = 	snop  }
__scs_overlays_trampoline_lowered:
0x8: {  	[smem:$0x3FAD] =	sst s0  }
0x9: {  	[smem:$0x3FAE] =	sst s1  }
0xa: {  	[smem:$0x3FAF] =	sst s2  }
0xb: {  	[smem:$0x3FB0] =	sst s3  }
0xc: {  	[smem:$0x3FB1] =	sst s4  }
0xd: {  	[smem:$0x3FB2] =	sst s5  }
0xe: {  	[smem:$0x3FB3] =	sst s6  }
0xf: {  	[smem:$0x3FB4] =	sst s7  }
0x10: {  	[smem:$0x3FB5] =	sst s8  }
0x11: {  	[smem:$0x3FB6] =	sst s9;
	s0 =	simm.s32 @!p0 $0x0  }
0x12: {  	s1 =	sld [smem:$0x3F9C];
	s0 =	simm.s32 @p0 $0x1  }
0x13: {  	[smem:$0x3FB7] =	sst s0;
	s0 =	simm.s32 @!p1 $0x0  }
0x14: {  	s2 =	sld [smem:$0x3F9B];
	s0 =	simm.s32 @p1 $0x1  }
0x15: {  	[smem:$0x3FB8] =	sst s0;
	s0 =	simm.s32 @!p2 $0x0  }
0x16: {  	s3 =	sld [smem:$0x3FDB];
	s0 =	simm.s32 @p2 $0x1  }
0x17: {  	s4 =	simm.s32 $0x1BF5;
	[smem:$0x3FBA] =	sst s0  }
0x18: {  	s0 =	sld [smem:$0x3F9D];
	_ =	swait.ge [sflag:s4], $0x0  }
0x19: {  	s7 =	sld [smem:$0x3F9E]  }
0x1a: {  	s8 =	sadd.s32 $0xFFFFE003, lr  }
0x1b: {  	s9 =	sadd.s32 $0xFFFFFEF7, lr;
	s5 =	simm.s32 $0xFFFFFFFF;
	p2 =	slt.u32 s8, $0xFFFFF086  }
0x1c: {  	p1 =	slt.u32 s9, $0xF7A;
	s5 =	simm.s32 @!p2 $0x0  }
0x1d: {  	s5 =	simm.s32 @p1 $0x1;
	p0 =	seq.s32 s7, s2  }
0x1e: {  	s7 =	smul.u32 @!p0 $0xF7A, s2;
	p2 =	seq.s32 @!p0 s5, $0x0  }
0x1f: {  	s9 =	smul.u32 $0xF7A, s1;
	s8 =	simm.s32 @!p0 $0x1BF5;
	p2 =	por !p2, p0  }
0x20: {  	[sflag:s8] =	ssyncset.s32 @!p0 $0xFFFFF086;
	s6 =	sadd.s32 @!p0 s3, s7;
	s7 =	simm.s32 @!p0 $0x108  }
0x21: {  	s3 =	sadd.s32 s3, s9;
	s6 =	sadd.s32 @!p0 $0x88, s6;
	s7 =	simm.s32 @p2 $0x1082  }
0x22: {  	[simem:s7], [sflag:s8] =	dma.local @!p0 [hbm:s6], $0xF7A  }
0x23: {  	s9 =	sor.u32 $0xD0000000, s2;
	s6 =	simm.s32 $0x108;
	_ =	swait.ge @!p0 [sflag:s8], $0x0  }
0x24: {  	s3 =	sadd.s32 $0x88, s3;
	s6 =	simm.s32 @!p1 $0x1082;
	[sflag:s4] =	ssyncset.s32 $0xFFFFF086  }
0x25: {  	[simem:s6], [sflag:s4] =	dma.local [hbm:s3], $0xF7A  }
0x26: {  	[smem:$0x3F9E] =	sst s1;
	(tag) =	ssettag s2;
	_ =	strace s9  }
0x27: {  	s1 =	sld [smem:$0x3FAE]  }
0x28: {  	s2 =	sld [smem:$0x3FAF]  }
0x29: {  	s4 =	sld [smem:$0x3FB1]  }
0x2a: {  	p0 =	seq.s32 s5, $0x0;
	s5 =	sld [smem:$0x3FB2]  }
0x2b: {  	s6 =	sld [smem:$0x3FB3]  }
0x2c: {  	s7 =	sld [smem:$0x3FB4]  }
0x2d: {  	s3 =	simm.s32 $0x108;
	s8 =	sld [smem:$0x3FB5]  }
0x2e: {  	s3 =	simm.s32 @!p0 $0x1082;
	s9 =	sld [smem:$0x3FB6]  }
0x2f: {  	lr =	sadd.s32 s0, s3;
	s0 =	sld [smem:$0x3FAD]  }
0x30: {  	s3 =	sld [smem:$0x3FB0]  }
0x31: {  	[smem:$0x3FB9] =	sst s10  }
0x32: {  	s10 =	sld [smem:$0x3FB7];
	_ =	sdelay $0x3  }
0x33: {  	p0 =	seq.s32 s10, $0x1;
	s10 =	sld [smem:$0x3FB9];
	_ =	sdelay $0x3  }
0x34: {  	[smem:$0x3FB9] =	sst s10  }
0x35: {  	s10 =	sld [smem:$0x3FB8];
	_ =	sdelay $0x3  }
0x36: {  	p1 =	seq.s32 s10, $0x1;
	s10 =	sld [smem:$0x3FB9];
	_ =	sdelay $0x3  }
0x37: {  	[smem:$0x3FB9] =	sst s10  }
0x38: {  	s10 =	sld [smem:$0x3FBA]  }
0x39: {  	_ = 	snop;
	(pc) =	sbr.ind lr, $3  }
0x3a: {  	_ = 	snop  }
0x3b: {  	_ = 	snop  }
0x3c: {  	p2 =	seq.s32 s10, $0x1;
	s10 =	sld [smem:$0x3FB9]  }
0x3d: {  	_ =	shalt  }
0x3e: {  	_ =	shalt  }
0x3f: {  	_ =	shalt  }
0x40: {  	_ =	shalt  }
0x41: {  	_ =	shalt  }
0x42: {  	_ =	shalt  }
0x43: {  	_ =	shalt  }
0x44: {  	_ =	shalt  }
0x45: {  	_ =	shalt  }
0x46: {  	_ =	shalt  }
0x47: {  	_ =	shalt  }
0x48: {  	_ =	shalt  }
0x49: {  	_ =	shalt  }
0x4a: {  	_ =	shalt  }
0x4b: {  	_ =	shalt  }
0x4c: {  	_ =	shalt  }
0x4d: {  	_ =	shalt  }
0x4e: {  	_ =	shalt  }
0x4f: {  	_ =	shalt  }
0x50: {  	_ =	shalt  }
0x51: {  	_ =	shalt  }
0x52: {  	_ =	shalt  }
0x53: {  	_ =	shalt  }
0x54: {  	_ =	shalt  }
0x55: {  	_ =	shalt  }
0x56: {  	_ =	shalt  }
0x57: {  	_ =	shalt  }
0x58: {  	_ =	shalt  }
0x59: {  	_ =	shalt  }
0x5a: {  	_ =	shalt  }
0x5b: {  	_ =	shalt  }
0x5c: {  	_ =	shalt  }
0x5d: {  	_ =	shalt  }
0x5e: {  	_ =	shalt  }
0x5f: {  	_ =	shalt  }
0x60: {  	_ =	shalt  }
0x61: {  	_ =	shalt  }
0x62: {  	_ =	shalt  }
0x63: {  	_ =	shalt  }
0x64: {  	_ =	shalt  }
0x65: {  	_ =	shalt  }
0x66: {  	_ =	shalt  }
0x67: {  	_ =	shalt  }
0x68: {  	_ =	shalt  }
0x69: {  	_ =	shalt  }
0x6a: {  	_ =	shalt  }
0x6b: {  	_ =	shalt  }
0x6c: {  	_ =	shalt  }
0x6d: {  	_ =	shalt  }
0x6e: {  	_ =	shalt  }
0x6f: {  	_ =	shalt  }
0x70: {  	_ =	shalt  }
0x71: {  	_ =	shalt  }
0x72: {  	_ =	shalt  }
0x73: {  	_ =	shalt  }
0x74: {  	_ =	shalt  }
0x75: {  	_ =	shalt  }
0x76: {  	_ =	shalt  }
0x77: {  	_ =	shalt  }
0x78: {  	_ =	shalt  }
0x79: {  	_ =	shalt  }
0x7a: {  	_ =	shalt  }
0x7b: {  	_ =	shalt  }
0x7c: {  	_ =	shalt  }
0x7d: {  	_ =	shalt  }
0x7e: {  	_ =	shalt  }
0x7f: {  	_ =	shalt  }
0x80: {  	_ =	shalt  }
0x81: {  	_ =	shalt  }
0x82: {  	_ =	shalt  }
0x83: {  	_ =	shalt  }
0x84: {  	_ =	shalt  }
0x85: {  	_ =	shalt  }
0x86: {  	_ =	shalt  }
0x87: {  	_ =	shalt  }
.Lfunc_end0:
.L_simem_size_0:
called_computation_lowered:
.L_overlay_start_0:
0x88: {  	s2 =	sld [smem:$0x3FD9]  }
0x89: {  	s3 =	sld [smem:$0x3FFE];
	_ =	sdelay $0x1  }
0x8a: {  	s1 =	srdreg.scid  }
0x8b: {  	s0 =	sand.u32 $0x1, s1  }
0x8c: {  	s17 =	sshll.u32 s0, $0xA;
	s2 =	sadd.s32 s3, s2  }
0x8d: {  	s2 =	sadd.s32 s2, s17  }
0x8e: {  	[smem:$0x3FC5] =	sst s2  }
0x8f: {  	_ = 	snop  }
0x90: {  	s2 =	sld [smem:$0x3FD0];
	(tm) =	ssettm $0x1  }
0x91: {  	s18 =	sld [smem:$0x3FFB];
	_ =	sdelay $0x3  }
0x92: {  	_ =	strace s18  }
0x93: {  	s3 =	sld [smem:$0x3FFC];
	_ =	sdelay $0x3  }
0x94: {  	_ =	strace s3  }
0x95: {  	s3 =	sld [smem:$0x3FFD];
	_ =	sdelay $0x3  }
0x96: {  	_ =	strace s3  }
0x97: {  	_ =	strace $0x8FFFFFFF  }
0x98: {  	s19 =	sld [smem:$0x3FDB];
	_ =	sdelay $0x1  }
0x99: {  	s4 =	simm.s32 $_scs_section_size  }
0x9a: {  	s5 =	simm.s32 $_size__tile_overlayer_lowered;
	s6 =	simm.s32 $_tile_overlayer_lowered  }
0x9b: {  	s22 =	simm.s32 $0x1BFF;
	s21 =	sshll.u32 s6, $0x1;
	s3 =	sadd.s32 s4, s19  }
0x9c: {  	s7 =	simm.s32 $0x0;
	s20 =	sshll.u32 s5, $0x1;
	s5 =	sadd.s32 s21, s3  }
0x9d: {  	[timem:s7], [sflag:s22] =	dma.local [hbm:s5], s20  }
0x9e: {  	_ =	swait.ge [sflag:s22], s20  }
0x9f: {  	s4 =	ssub.s32 $0x0, s20;
	[sflag:s22] =	ssyncset.done $0x0  }
0xa0: {  	[sflag:s22] =	ssyncadd.s32 s4;
	_ =	sdelay $0x1  }
0xa1: {  	s23 =	simm.s32 $0x1B8B  }
0xa2: {  	_ =	swait.ge [sflag:s23], $0x1  }
0xa3: {  	[sflag:s23] =	ssyncset.done $0x0  }
0xa4: {  	s25 =	simm.s32 $0x1B8E;
	s24 =	sld [smem:$0x3FFE];
	[sflag:s23] =	ssyncadd.s32 $0xFFFFFFFF  }
0xa5: {  	s26 =	simm.s32 $execute0_lowered;
	[smem:$0x3FD2] =	sst s25  }
0xa6: {  	s5 =	sshll.u32 s26, $0x1;
	_ =	strace $0x80000046;
	[dreg:$0x1] =	wrdreg $0xFFFFFFFF  }
0xa7: {  	s28 =	simm.s32 $_size_execute0_lowered;
	s3 =	sadd.s32 s3, s5;
	[dreg:$0x0] =	wrdreg $0x0  }
0xa8: {  	s5 =	sshll.u32 s28, $0x1;
	[dreg:$0x2] =	wrdreg s3  }
0xa9: {  	[dreg:$0x3] =	wrdreg s5  }
0xaa: {  	[dreg:$0x4] =	wrdreg $0xC0  }
0xab: {  	_ =	task [dreg:s7], $0x5FFFF  }
0xac: {  	[dreg:$0x1] =	wrdreg $0xFFFFFFFF  }
0xad: {  	[dreg:$0x0] =	wrdreg $0x60  }
0xae: {  	[dreg:$0x2] =	wrdreg s24  }
0xaf: {  	[dreg:$0x3] =	wrdreg s2  }
0xb0: {  	[dreg:$0x4] =	wrdreg $0xAA000  }
0xb1: {  	[dreg:$0x5] =	wrdreg $0x9  }
0xb2: {  	_ =	task.clear_ibuf [dreg:s7], $0x6FFFF;
	_ =	strace $0x90000046  }
0xb3: {  	s29 =	simm.s32 $0x9;
	_ =	strace $0x80000048  }
0xb4: {  	_ =	swait.ge [sflag:s29], $0x1  }
0xb5: {  	[sflag:s29] =	ssyncadd.s32 $0xFFFFFFFF  }
0xb6: {  	_ =	strace $0x90000048  }
0xb7: {  	_ =	sfence  }
0xb8: {  	s30 =	sld [smem:$0x0];
	_ =	sdelay $0x2  }
0xb9: {  	s31 =	sshll.u32 s1, $0xD;
	s1 =	sshrl.u32 s1, $0x2  }
0xba: {  	s3 =	sand.u32 $0x4000, s31;
	s1 =	sadd.s32 s1, s30  }
0xbb: {  	s0 =	sor.u32 s3, s0;
	s1 =	sshll.u32 s1, $0x11  }
0xbc: {  	s0 =	sor.u32 s1, s0  }
0xbd: {  	s0 =	sadd.s32 $0x8F2B, s0  }
0xbe: {  	[sflag:s0] =	ssyncadd.remote.s32 $0x1  }
0xbf: {  	_ =	sfence.sel $0xFFFF  }
0xc0: {  	[dreg:$0x0] =	wrdreg $0xFFFFFFFF;
	(pc) =	sbr.abs _section_cstart, $3  }
0xc1: {  	[dreg:$0x1] =	wrdreg $0xFFFFFFFF  }
0xc2: {  	_ =	task.clear_ibuf [dreg:s7], $0x2FFFF;
	_ =	strace $0x9FFFFFFF  }
0xc3: {  	(tm) =	ssettm $0x7FFFFFFF  }
tec
execute0_lowered:
.L_overlay_start_1:
0x0: {  	(tag) =	ssettag $0x1  }
0x1: {  	s0 =	rddreg [dreg:$0x0]  }
0x2: {  	s5 =	rddreg [dreg:$0x1]  }
0x3: {  	s1 =	rddreg [dreg:$0x2];
	s2 =	simm.s32 $0x0  }
0x4: {  	s8 =	srdreg.scid;
	s14 =	stileid.u32;
	s30 =	simm.s32 $0x200  }
0x5: {  	s31 =	simm.s32 $0x5;
	[smem:$0x7FF] =	sst s2;
	s3 =	sadd.s32 $0x27C00, s0  }
0x6: {  	s4 =	sadd.s32 $0xA00, s0;
	s7 =	sadd.s32 $0x4EE00, s0;
	s9 =	sadd.s32 $0x53E00, s0  }
0x7: {  	s6 =	sadd.s32 $0x58E00, s0;
	s10 =	sadd.s32 $0x80600, s0;
	s24 =	smul.u32 $0x4F000, s14  }
0x8: {  	s23 =	sand.u32 $0x1, s8;
	s0 =	sadd.s32 $0x80E00, s0;
	s12 =	smul.u32 $0x278, s14  }
0x9: {  	s14 =	smul.u32 $0x2800, s14;
	_ =	strace $0x80000047;
	[dreg:$0x4] =	wrdreg s10  }
0xa: {  	s11 =	ssub.s32 $0x2, s23;
	s25 =	smul.u32 $0x2780, s23;
	p0 =	seq.s32 s23, $0x1  }
0xb: {  	s10 =	smul.u32 $0x1400, s23;
	s13 =	sshrl.u32 s11, $0x1;
	s8 =	sshrl.u32 s24, $0x2  }
0xc: {  	s15 =	sshrl.u32 s14, $0x3;
	s11 =	ssub.s32 s11, s13;
	s8 =	sadd.s32 s8, s1  }
0xd: {  	s16 =	sadd.s32 s7, s15;
	s26 =	sadd.s32 s9, s15;
	s12 =	sadd.s32 s25, s12  }
0xe: {  	s17 =	sadd.s32 $0x280, s15;
	s10 =	sadd.s32 s10, s14;
	[dreg:$0x5] =	wrdreg s16  }
0xf: {  	s14 =	simm.s32 $0x4;
	s15 =	simm.s32 $0x0;
	[dreg:$0x6] =	wrdreg s26  }
0x10: {  	s12 =	sshll.u32 s12, $0x4;
	s7 =	sadd.s32 s7, s17;
	s10 =	sshrl.u32 s10, $0x3  }
0x11: {  	s13 =	sadd.s32 s9, s17;
	s28 =	sadd.s32 $0x8000, s8;
	[dreg:$0x7] =	wrdreg s7  }
0x12: {  	s29 =	sadd.s32 $0xC000, s8;
	s18 =	sadd.s32 $0x2000, s12;
	[dreg:$0x8] =	wrdreg s13  }
0x13: {  	s9 =	sadd.s32 s9, s10;
	s20 =	sadd.s32 s5, s12;
	s21 =	sadd.s32 $0x800, s12  }
0x14: {  	s23 =	sadd.s32 $0x1000, s12;
	s24 =	sadd.s32 $0x1800, s12;
	[dreg:$0xa] =	wrdreg s9  }
0x15: {  	s26 =	sadd.s32 s0, s12;
	s10 =	simm.s32 $0x1;
	[dreg:$0xc] =	wrdreg s20  }
0x16: {  	s12 =	simm.s32 $0x180;
	s19 =	sadd.s32 s5, s18;
	[dreg:$0x10] =	wrdreg s26  }
0x17: {  	s13 =	simm.s32 $0x3;
	s7 =	sadd.s32 s0, s18;
	[dreg:$0x9] =	wrdreg s19  }
0x18: {  	s22 =	sadd.s32 s5, s21;
	s25 =	sadd.s32 s5, s23;
	[dreg:$0xb] =	wrdreg s7  }
0x19: {  	s5 =	sadd.s32 s5, s24;
	s21 =	sadd.s32 s0, s21;
	[dreg:$0xd] =	wrdreg s22  }
0x1a: {  	s26 =	sadd.s32 $0x4000, s8;
	s9 =	simm.s32 $0x4200;
	[dreg:$0xe] =	wrdreg s25  }
0x1b: {  	[dreg:$0xf] =	wrdreg s5;
	s22 =	sadd.s32 s0, s23;
	s23 =	sadd.s32 s0, s24  }
0x1c: {  	s24 =	sadd.s32 $0x10000, s8;
	s25 =	smax.u32 s11, $0x1;
	s5 =	simm.s32 $0x9600  }
0x1d: {  	s7 =	simm.s32 $0x80;
	s0 =	simm.s32 $0x100;
	s11 =	simm.s32 $0x2  }
.LBB2_1:
0x1e: {  	[tilespmem:s30], [sflag:$0x5] =	stream.linear.gather [hbm4b:s6+s2], $0x4000, $0x38;
	[tilespmem:$0x1E600] =	vst v63  }
0x1f: {  	_ =	swait.ge [sflag:s31], $0x4000  }
0x20: {  	[sflag:s31] =	ssyncset.done $0x0  }
0x21: {  	[sflag:s31] =	ssyncadd.s32 $0xFFFFC000  }
0x22: {  	[spmem:s8] =	stream.linear.scatter [tilespmem:s30], [sflag:$0x5], $0x4000, $0x38;
	[tilespmem:$0x1E600] =	vst v63  }
0x23: {  	_ =	swait.ge [sflag:s31], $0x4000  }
0x24: {  	[sflag:s31] =	ssyncset.done $0x0  }
0x25: {  	[sflag:s31] =	ssyncadd.s32 $0xFFFFC000  }
0x26: {  	[spmem:s26] =	stream.linear.scatter [tilespmem:s30], [sflag:$0x5], $0x4000, $0x38;
	[tilespmem:$0x1E600] =	vst v63  }
0x27: {  	_ =	swait.ge [sflag:s31], $0x4000  }
0x28: {  	[sflag:s31] =	ssyncset.done $0x0  }
0x29: {  	[sflag:s31] =	ssyncadd.s32 $0xFFFFC000  }
0x2a: {  	[spmem:s28] =	stream.linear.scatter [tilespmem:s30], [sflag:$0x5], $0x4000, $0x38;
	[tilespmem:$0x1E600] =	vst v63  }
0x2b: {  	_ =	swait.ge [sflag:s31], $0x4000  }
0x2c: {  	[sflag:s31] =	ssyncset.done $0x0  }
0x2d: {  	[sflag:s31] =	ssyncadd.s32 $0xFFFFC000  }
0x2e: {  	[spmem:s29] =	stream.linear.scatter [tilespmem:s30], [sflag:$0x5], $0x4000, $0x38;
	[tilespmem:$0x1E600] =	vst v63  }
0x2f: {  	_ =	swait.ge [sflag:s31], $0x4000  }
0x30: {  	[sflag:s31] =	ssyncset.done $0x0  }
0x31: {  	[sflag:s31] =	ssyncadd.s32 $0xFFFFC000  }
0x32: {  	[spmem:s24] =	stream.linear.scatter [tilespmem:s30], [sflag:$0x5], $0x3C00, $0x38;
	[tilespmem:$0x1E600] =	vst v63  }
0x33: {  	_ =	swait.ge [sflag:s31], $0x3C00  }
0x34: {  	[sflag:s31] =	ssyncset.done $0x0  }
0x35: {  	[sflag:s31] =	ssyncadd.s32 $0xFFFFC400  }
0x36: {  	[bflag:$0x0] =	sbarrier.arrive $0xFFFF  }
0x37: {  	s17 =	simm.s32 $0x8200;
	s16 =	rddreg [dreg:$0x5]  }
0x38: {  	[tilespmem:s17], [sflag:$0x5] =	stream.linear.gather [hbm4b:s16+s2], $0x1400, $0x38;
	[tilespmem:$0x1E600] =	vst v63  }
0x39: {  	_ =	swait.ge [sflag:s31], $0x1400  }
0x3a: {  	[sflag:s31] =	ssyncset.done $0x0  }
0x3b: {  	s20 =	rddreg [dreg:$0x6];
	[sflag:s31] =	ssyncadd.s32 $0xFFFFEC00  }
0x3c: {  	[tilespmem:s5], [sflag:$0x5] =	stream.linear.gather [hbm4b:s20+s2], $0x1400, $0x38;
	[tilespmem:$0x1E600] =	vst v63  }
0x3d: {  	_ =	swait.ge [sflag:s31], $0x1400  }
0x3e: {  	[sflag:s31] =	ssyncset.done $0x0  }
0x3f: {  	[sflag:s31] =	ssyncadd.s32 $0xFFFFEC00  }
0x40: {  	v0 =	vld [tilespmem:$0x8200]  }
.Ltmp0:
0x41: {  	_ = 	snop;
	(pc) =	sbr.rel @!p0 .LBB2_2-.Ltmp0, $2  }
0x42: {  	_ =	sdelay $0x2  }
0x43: {  	[tilespmem:$0x0] =	vst v0  }
0x44: {  	v0 =	vld [tilespmem:$0x8210]  }
0x45: {  	v1 =	vld [tilespmem:$0x8220]  }
0x46: {  	v2 =	vld [tilespmem:$0x8230]  }
0x47: {  	v3 =	vld [tilespmem:$0x8240]  }
0x48: {  	v4 =	vld [tilespmem:$0x8250]  }
0x49: {  	v53 =	vld [tilespmem:$0x8260];
	[tilespmem:$0x10] =	vst v0  }
0x4a: {  	v54 =	vld [tilespmem:$0x8270];
	[tilespmem:$0x20] =	vst v1  }
0x4b: {  	v55 =	vld [tilespmem:$0x9600];
	[tilespmem:$0x30] =	vst v2  }
0x4c: {  	v56 =	vld [tilespmem:$0x9610];
	[tilespmem:$0x40] =	vst v3  }
0x4d: {  	v57 =	vld [tilespmem:$0x9620];
	[tilespmem:$0x50] =	vst v4  }
0x4e: {  	v58 =	vld [tilespmem:$0x9630];
	[tilespmem:$0x60] =	vst v53  }
0x4f: {  	v59 =	vld [tilespmem:$0x9640];
	[tilespmem:$0x70] =	vst v54  }
0x50: {  	v60 =	vld [tilespmem:$0x9650];
	[tilespmem:$0x80] =	vst v55  }
0x51: {  	v61 =	vld [tilespmem:$0x9660];
	[tilespmem:$0x90] =	vst v56  }
0x52: {  	v62 =	vld [tilespmem:$0x9670];
	[tilespmem:$0xA0] =	vst v57  }
0x53: {  	[tilespmem:$0xB0] =	vst v58  }
0x54: {  	[tilespmem:$0xC0] =	vst v59  }
0x55: {  	[tilespmem:$0xD0] =	vst v60  }
0x56: {  	[tilespmem:$0xE0] =	vst v61  }
0x57: {  	s16 =	simm.s32 $0x0;
	p1 =	por $0x1, $0x1;
	[tilespmem:$0xF0] =	vst v62  }
0x58: {  	[tilespmem:s30], [sflag:$0x1] =	stream.indirect.gather [hbm4b:s4+s7], $0x80, s16, s7, $0xb8;
	[tilespmem:$0x1E600] =	vst v63  }
0x59: {  	s16 =	simm.s32 @!p1 $0x4  }
0x5a: {  	_ =	swait.ge @!p1 [sflag:s16], $0x4000  }
0x5b: {  	[sflag:s16] =	ssyncset.done @!p1 $0x0  }
0x5c: {  	s17 =	simm.s32 $0x0;
	[sflag:s16] =	ssyncadd.s32 @!p1 $0xFFFFC000  }
0x5d: {  	v63 =	vld [tilespmem:s17+$0x8280];
	_ =	sdelay $0x4  }
0x5e: {  	[tilespmem:$0x100] =	vst v63  }
0x5f: {  	v0 =	vld [tilespmem:s17+$0x8290];
	_ =	sdelay $0x4  }
0x60: {  	[tilespmem:$0x110] =	vst v0  }
0x61: {  	v0 =	vld [tilespmem:s17+$0x82A0];
	_ =	sdelay $0x4  }
0x62: {  	[tilespmem:$0x120] =	vst v0  }
0x63: {  	v0 =	vld [tilespmem:s17+$0x82B0];
	_ =	sdelay $0x4  }
0x64: {  	[tilespmem:$0x130] =	vst v0  }
0x65: {  	v0 =	vld [tilespmem:s17+$0x82C0];
	_ =	sdelay $0x4  }
0x66: {  	[tilespmem:$0x140] =	vst v0  }
0x67: {  	v0 =	vld [tilespmem:s17+$0x82D0];
	_ =	sdelay $0x4  }
0x68: {  	[tilespmem:$0x150] =	vst v0  }
0x69: {  	v0 =	vld [tilespmem:s17+$0x82E0];
	_ =	sdelay $0x4  }
0x6a: {  	[tilespmem:$0x160] =	vst v0  }
0x6b: {  	v0 =	vld [tilespmem:s17+$0x82F0];
	_ =	sdelay $0x4  }
0x6c: {  	[tilespmem:$0x170] =	vst v0  }
0x6d: {  	v0 =	vld [tilespmem:s17+$0x9680];
	_ =	sdelay $0x4  }
0x6e: {  	[tilespmem:$0x180] =	vst v0  }
0x6f: {  	v0 =	vld [tilespmem:s17+$0x9690];
	_ =	sdelay $0x4  }
0x70: {  	[tilespmem:$0x190] =	vst v0  }
0x71: {  	v0 =	vld [tilespmem:s17+$0x96A0];
	_ =	sdelay $0x4  }
0x72: {  	[tilespmem:$0x1A0] =	vst v0  }
0x73: {  	v0 =	vld [tilespmem:s17+$0x96B0];
	_ =	sdelay $0x4  }
0x74: {  	[tilespmem:$0x1B0] =	vst v0  }
0x75: {  	v0 =	vld [tilespmem:s17+$0x96C0];
	_ =	sdelay $0x4  }
0x76: {  	[tilespmem:$0x1C0] =	vst v0  }
0x77: {  	v0 =	vld [tilespmem:s17+$0x96D0];
	_ =	sdelay $0x4  }
0x78: {  	[tilespmem:$0x1D0] =	vst v0  }
0x79: {  	v0 =	vld [tilespmem:s17+$0x96E0];
	_ =	sdelay $0x4  }
0x7a: {  	[tilespmem:$0x1E0] =	vst v0  }
0x7b: {  	v0 =	vld [tilespmem:s17+$0x96F0];
	_ =	sdelay $0x4  }
0x7c: {  	[tilespmem:$0x1F0] =	vst v0  }
0x7d: {  	[tilespmem:s9], [sflag:$0x2] =	stream.indirect.gather [hbm4b:s4+s7], $0x80, s0, s7, $0xb8;
	[tilespmem:$0x1E600] =	vst v63  }
0x7e: {  	_ =	swait.ge [sflag:s10], $0x4000  }
0x7f: {  	p1 =	por $0x0, $0x0;
	[sflag:s10] =	ssyncset.done $0x0  }
0x80: {  	s16 =	simm.s32 @!p1 $0x3;
	[sflag:s10] =	ssyncadd.s32 $0xFFFFC000  }
0x81: {  	[spmem:s1] =	stream.indirect.scatter.add.f32 [tilespmem:s30], [sflag:$0x3], $0x80, s7, s7, $0xb8;
	[tilespmem:$0x1E600] =	vst v63  }
0x82: {  	_ =	swait.ge @!p1 [sflag:s16], $0x4000  }
0x83: {  	[sflag:s16] =	ssyncset.done @!p1 $0x0  }
0x84: {  	s17 =	simm.s32 @!p1 $0x0;
	[sflag:s16] =	ssyncadd.s32 @!p1 $0xFFFFC000  }
0x85: {  	v0 =	vld @!p1 [tilespmem:s17+$0x8300];
	_ =	sdelay $0x4  }
0x86: {  	[tilespmem:$0x0] =	vst @!p1 v0  }
0x87: {  	v0 =	vld @!p1 [tilespmem:s17+$0x8310];
	_ =	sdelay $0x4  }
0x88: {  	[tilespmem:$0x10] =	vst @!p1 v0  }
0x89: {  	v0 =	vld @!p1 [tilespmem:s17+$0x8320];
	_ =	sdelay $0x4  }
0x8a: {  	[tilespmem:$0x20] =	vst @!p1 v0  }
0x8b: {  	v0 =	vld @!p1 [tilespmem:s17+$0x8330];
	_ =	sdelay $0x4  }
0x8c: {  	[tilespmem:$0x30] =	vst @!p1 v0  }
0x8d: {  	v0 =	vld @!p1 [tilespmem:s17+$0x8340];
	_ =	sdelay $0x4  }
0x8e: {  	[tilespmem:$0x40] =	vst @!p1 v0  }
0x8f: {  	v0 =	vld @!p1 [tilespmem:s17+$0x8350];
	_ =	sdelay $0x4  }
0x90: {  	[tilespmem:$0x50] =	vst @!p1 v0  }
0x91: {  	v0 =	vld @!p1 [tilespmem:s17+$0x8360];
	_ =	sdelay $0x4  }
0x92: {  	[tilespmem:$0x60] =	vst @!p1 v0  }
0x93: {  	v0 =	vld @!p1 [tilespmem:s17+$0x8370];
	_ =	sdelay $0x4  }
0x94: {  	[tilespmem:$0x70] =	vst @!p1 v0  }
0x95: {  	v0 =	vld @!p1 [tilespmem:s17+$0x9700];
	_ =	sdelay $0x4  }
0x96: {  	[tilespmem:$0x80] =	vst @!p1 v0  }
0x97: {  	v0 =	vld @!p1 [tilespmem:s17+$0x9710];
	_ =	sdelay $0x4  }
0x98: {  	[tilespmem:$0x90] =	vst @!p1 v0  }
0x99: {  	v0 =	vld @!p1 [tilespmem:s17+$0x9720];
	_ =	sdelay $0x4  }
0x9a: {  	[tilespmem:$0xA0] =	vst @!p1 v0  }
0x9b: {  	v0 =	vld @!p1 [tilespmem:s17+$0x9730];
	_ =	sdelay $0x4  }
0x9c: {  	[tilespmem:$0xB0] =	vst @!p1 v0  }
0x9d: {  	v0 =	vld @!p1 [tilespmem:s17+$0x9740];
	_ =	sdelay $0x4  }
0x9e: {  	[tilespmem:$0xC0] =	vst @!p1 v0  }
0x9f: {  	v0 =	vld @!p1 [tilespmem:s17+$0x9750];
	_ =	sdelay $0x4  }
0xa0: {  	[tilespmem:$0xD0] =	vst @!p1 v0  }
0xa1: {  	v0 =	vld @!p1 [tilespmem:s17+$0x9760];
	_ =	sdelay $0x4  }
0xa2: {  	[tilespmem:$0xE0] =	vst @!p1 v0  }
0xa3: {  	v0 =	vld @!p1 [tilespmem:s17+$0x9770];
	_ =	sdelay $0x3  }
0xa4: {  	p2 =	por $0x0, $0x0  }
0xa5: {  	s18 =	simm.s32 @!p1 $0x200;
	s16 =	simm.s32 @!p1 $0x80;
	s17 =	simm.s32 @!p1 $0x0;
	[tilespmem:$0xF0] =	vst @!p1 v0  }
0xa6: {  	[tilespmem:s18], [sflag:$0x1] =	stream.indirect.gather @!p1 [hbm4b:s4+s16], $0x80, s17, s16, $0xb8;
	[tilespmem:$0x1E600] =	vst v63  }
0xa7: {  	s16 =	simm.s32 $0x400;
	s17 =	simm.s32 $0x800;
	_ =	swait.ge [sflag:s11], $0x4000  }
.LBB2_8:
0xa8: {  	s20 =	simm.s32 @!p2 $0x4  }
0xa9: {  	[sflag:s11] =	ssyncset.done $0x0;
	s18 =	smov.u32 s17;
	s17 =	sadd.s32 $0x400, s17  }
0xaa: {  	p1 =	sne.s32 s17, $0x5000;
	[sflag:s11] =	ssyncadd.s32 $0xFFFFC000  }
0xab: {  	[spmem:s1] =	stream.indirect.scatter.add.f32 [tilespmem:s9], [sflag:$0x4], $0x80, s12, s7, $0xb8;
	[tilespmem:$0x1E600] =	vst v63  }
0xac: {  	_ =	swait.ge @!p2 [sflag:s20], $0x4000  }
0xad: {  	s19 =	sshra.s32 s16, $0x2;
	[sflag:s20] =	ssyncset.done @!p2 $0x0  }
0xae: {  	[sflag:s20] =	ssyncadd.s32 @!p2 $0xFFFFC000  }
0xaf: {  	v0 =	vld [tilespmem:s19+$0x8280];
	_ =	sdelay $0x4  }
0xb0: {  	[tilespmem:$0x100] =	vst v0  }
0xb1: {  	v0 =	vld [tilespmem:s19+$0x8290];
	_ =	sdelay $0x4  }
0xb2: {  	[tilespmem:$0x110] =	vst v0  }
0xb3: {  	v0 =	vld [tilespmem:s19+$0x82A0];
	_ =	sdelay $0x4  }
0xb4: {  	[tilespmem:$0x120] =	vst v0  }
0xb5: {  	v0 =	vld [tilespmem:s19+$0x82B0];
	_ =	sdelay $0x4  }
0xb6: {  	[tilespmem:$0x130] =	vst v0  }
0xb7: {  	v0 =	vld [tilespmem:s19+$0x82C0];
	_ =	sdelay $0x4  }
0xb8: {  	[tilespmem:$0x140] =	vst v0  }
0xb9: {  	v0 =	vld [tilespmem:s19+$0x82D0];
	_ =	sdelay $0x4  }
0xba: {  	[tilespmem:$0x150] =	vst v0  }
0xbb: {  	v0 =	vld [tilespmem:s19+$0x82E0];
	_ =	sdelay $0x4  }
0xbc: {  	[tilespmem:$0x160] =	vst v0  }
0xbd: {  	v0 =	vld [tilespmem:s19+$0x82F0];
	_ =	sdelay $0x4  }
0xbe: {  	[tilespmem:$0x170] =	vst v0  }
0xbf: {  	v0 =	vld [tilespmem:s19+$0x9680];
	_ =	sdelay $0x4  }
0xc0: {  	[tilespmem:$0x180] =	vst v0  }
0xc1: {  	v0 =	vld [tilespmem:s19+$0x9690];
	_ =	sdelay $0x4  }
0xc2: {  	[tilespmem:$0x190] =	vst v0  }
0xc3: {  	v0 =	vld [tilespmem:s19+$0x96A0];
	_ =	sdelay $0x4  }
0xc4: {  	[tilespmem:$0x1A0] =	vst v0  }
0xc5: {  	v0 =	vld [tilespmem:s19+$0x96B0];
	_ =	sdelay $0x4  }
0xc6: {  	[tilespmem:$0x1B0] =	vst v0  }
0xc7: {  	v0 =	vld [tilespmem:s19+$0x96C0];
	_ =	sdelay $0x4  }
0xc8: {  	[tilespmem:$0x1C0] =	vst v0  }
0xc9: {  	v0 =	vld [tilespmem:s19+$0x96D0];
	_ =	sdelay $0x4  }
0xca: {  	[tilespmem:$0x1D0] =	vst v0  }
0xcb: {  	v0 =	vld [tilespmem:s19+$0x96E0];
	_ =	sdelay $0x4  }
0xcc: {  	[tilespmem:$0x1E0] =	vst v0  }
0xcd: {  	v0 =	vld [tilespmem:s19+$0x96F0];
	_ =	sdelay $0x4  }
0xce: {  	[tilespmem:$0x1F0] =	vst v0  }
0xcf: {  	[tilespmem:s9], [sflag:$0x2] =	stream.indirect.gather [hbm4b:s4+s7], $0x80, s0, s7, $0xb8;
	[tilespmem:$0x1E600] =	vst v63  }
0xd0: {  	_ =	swait.ge [sflag:s10], $0x4000  }
0xd1: {  	p2 =	seq.s32 s16, $0x4C00;
	[sflag:s10] =	ssyncset.done $0x0  }
0xd2: {  	s20 =	simm.s32 @!p2 $0x3;
	[sflag:s10] =	ssyncadd.s32 $0xFFFFC000  }
0xd3: {  	[spmem:s1] =	stream.indirect.scatter.add.f32 [tilespmem:s30], [sflag:$0x3], $0x80, s7, s7, $0xb8;
	[tilespmem:$0x1E600] =	vst v63  }
0xd4: {  	_ =	swait.ge @!p2 [sflag:s20], $0x4000  }
0xd5: {  	s19 =	sshra.s32 @!p2 s16, $0x2;
	s16 =	smov.u32 s18;
	[sflag:s20] =	ssyncset.done @!p2 $0x0  }
0xd6: {  	[sflag:s20] =	ssyncadd.s32 @!p2 $0xFFFFC000  }
0xd7: {  	v0 =	vld @!p2 [tilespmem:s19+$0x8300];
	_ =	sdelay $0x4  }
0xd8: {  	[tilespmem:$0x0] =	vst @!p2 v0  }
0xd9: {  	v0 =	vld @!p2 [tilespmem:s19+$0x8310];
	_ =	sdelay $0x4  }
0xda: {  	[tilespmem:$0x10] =	vst @!p2 v0  }
0xdb: {  	v0 =	vld @!p2 [tilespmem:s19+$0x8320];
	_ =	sdelay $0x4  }
0xdc: {  	[tilespmem:$0x20] =	vst @!p2 v0  }
0xdd: {  	v0 =	vld @!p2 [tilespmem:s19+$0x8330];
	_ =	sdelay $0x4  }
0xde: {  	[tilespmem:$0x30] =	vst @!p2 v0  }
0xdf: {  	v0 =	vld @!p2 [tilespmem:s19+$0x8340];
	_ =	sdelay $0x4  }
0xe0: {  	[tilespmem:$0x40] =	vst @!p2 v0  }
0xe1: {  	v0 =	vld @!p2 [tilespmem:s19+$0x8350];
	_ =	sdelay $0x4  }
0xe2: {  	[tilespmem:$0x50] =	vst @!p2 v0  }
0xe3: {  	v0 =	vld @!p2 [tilespmem:s19+$0x8360];
	_ =	sdelay $0x4  }
0xe4: {  	[tilespmem:$0x60] =	vst @!p2 v0  }
0xe5: {  	v0 =	vld @!p2 [tilespmem:s19+$0x8370];
	_ =	sdelay $0x4  }
0xe6: {  	[tilespmem:$0x70] =	vst @!p2 v0  }
0xe7: {  	v0 =	vld @!p2 [tilespmem:s19+$0x9700];
	_ =	sdelay $0x4  }
0xe8: {  	[tilespmem:$0x80] =	vst @!p2 v0  }
0xe9: {  	v0 =	vld @!p2 [tilespmem:s19+$0x9710];
	_ =	sdelay $0x4  }
0xea: {  	[tilespmem:$0x90] =	vst @!p2 v0  }
0xeb: {  	v0 =	vld @!p2 [tilespmem:s19+$0x9720];
	_ =	sdelay $0x4  }
0xec: {  	[tilespmem:$0xA0] =	vst @!p2 v0  }
0xed: {  	v0 =	vld @!p2 [tilespmem:s19+$0x9730];
	_ =	sdelay $0x4  }
0xee: {  	[tilespmem:$0xB0] =	vst @!p2 v0  }
0xef: {  	v0 =	vld @!p2 [tilespmem:s19+$0x9740];
	_ =	sdelay $0x4  }
0xf0: {  	[tilespmem:$0xC0] =	vst @!p2 v0  }
0xf1: {  	v0 =	vld @!p2 [tilespmem:s19+$0x9750];
	_ =	sdelay $0x4  }
0xf2: {  	[tilespmem:$0xD0] =	vst @!p2 v0  }
0xf3: {  	v0 =	vld @!p2 [tilespmem:s19+$0x9760];
	_ =	sdelay $0x4  }
0xf4: {  	[tilespmem:$0xE0] =	vst @!p2 v0  }
0xf5: {  	v0 =	vld @!p2 [tilespmem:s19+$0x9770];
	_ =	sdelay $0x2  }
.Ltmp1:
0xf6: {  	(pc) =	sbr.rel @p1 .LBB2_8-.Ltmp1, $4  }
0xf7: {  	s18 =	simm.s32 @!p2 $0x80;
	s20 =	simm.s32 @!p2 $0x200;
	s19 =	simm.s32 @!p2 $0x0  }
0xf8: {  	[tilespmem:$0xF0] =	vst @!p2 v0  }
0xf9: {  	[tilespmem:s20], [sflag:$0x1] =	stream.indirect.gather @!p2 [hbm4b:s4+s18], $0x80, s19, s18, $0xb8;
	[tilespmem:$0x1E600] =	vst v63  }
0xfa: {  	p2 =	seq.s32 s16, $0x0;
	_ =	swait.ge [sflag:s11], $0x4000  }
0xfb: {  	[sflag:s11] =	ssyncset.done $0x0  }
0xfc: {  	s17 =	simm.s32 @!p2 $0x4;
	[sflag:s11] =	ssyncadd.s32 $0xFFFFC000  }
0xfd: {  	[spmem:s1] =	stream.indirect.scatter.add.f32 [tilespmem:s9], [sflag:$0x4], $0x80, s12, s7, $0xb8;
	[tilespmem:$0x1E600] =	vst v63  }
0xfe: {  	_ =	swait.ge @!p2 [sflag:s17], $0x4000  }
0xff: {  	[sflag:s17] =	ssyncset.done @!p2 $0x0  }
0x100: {  	s18 =	sshra.s32 s16, $0x2;
	[sflag:s17] =	ssyncadd.s32 @!p2 $0xFFFFC000  }
0x101: {  	v0 =	vld [tilespmem:s18+$0x8280];
	_ =	sdelay $0x4  }
0x102: {  	[tilespmem:$0x100] =	vst v0  }
0x103: {  	v0 =	vld [tilespmem:s18+$0x8290];
	_ =	sdelay $0x4  }
0x104: {  	[tilespmem:$0x110] =	vst v0  }
0x105: {  	v0 =	vld [tilespmem:s18+$0x82A0];
	_ =	sdelay $0x4  }
0x106: {  	[tilespmem:$0x120] =	vst v0  }
0x107: {  	v0 =	vld [tilespmem:s18+$0x82B0];
	_ =	sdelay $0x4  }
0x108: {  	[tilespmem:$0x130] =	vst v0  }
0x109: {  	v0 =	vld [tilespmem:s18+$0x82C0];
	_ =	sdelay $0x4  }
0x10a: {  	[tilespmem:$0x140] =	vst v0  }
0x10b: {  	v0 =	vld [tilespmem:s18+$0x82D0];
	_ =	sdelay $0x4  }
0x10c: {  	[tilespmem:$0x150] =	vst v0  }
0x10d: {  	v0 =	vld [tilespmem:s18+$0x82E0];
	_ =	sdelay $0x4  }
0x10e: {  	[tilespmem:$0x160] =	vst v0  }
0x10f: {  	v0 =	vld [tilespmem:s18+$0x82F0];
	_ =	sdelay $0x4  }
0x110: {  	[tilespmem:$0x170] =	vst v0  }
0x111: {  	v0 =	vld [tilespmem:s18+$0x9680];
	_ =	sdelay $0x4  }
0x112: {  	[tilespmem:$0x180] =	vst v0  }
0x113: {  	v0 =	vld [tilespmem:s18+$0x9690];
	_ =	sdelay $0x4  }
0x114: {  	[tilespmem:$0x190] =	vst v0  }
0x115: {  	v0 =	vld [tilespmem:s18+$0x96A0];
	_ =	sdelay $0x4  }
0x116: {  	[tilespmem:$0x1A0] =	vst v0  }
0x117: {  	v0 =	vld [tilespmem:s18+$0x96B0];
	_ =	sdelay $0x4  }
0x118: {  	[tilespmem:$0x1B0] =	vst v0  }
0x119: {  	v0 =	vld [tilespmem:s18+$0x96C0];
	_ =	sdelay $0x4  }
0x11a: {  	[tilespmem:$0x1C0] =	vst v0  }
0x11b: {  	v0 =	vld [tilespmem:s18+$0x96D0];
	_ =	sdelay $0x4  }
0x11c: {  	[tilespmem:$0x1D0] =	vst v0  }
0x11d: {  	v0 =	vld [tilespmem:s18+$0x96E0];
	_ =	sdelay $0x4  }
0x11e: {  	[tilespmem:$0x1E0] =	vst v0  }
0x11f: {  	v0 =	vld [tilespmem:s18+$0x96F0];
	_ =	sdelay $0x4  }
0x120: {  	[tilespmem:$0x1F0] =	vst v0  }
0x121: {  	[tilespmem:s9], [sflag:$0x2] =	stream.indirect.gather [hbm4b:s4+s7], $0x80, s0, s7, $0xb8;
	[tilespmem:$0x1E600] =	vst v63  }
0x122: {  	_ =	swait.ge [sflag:s10], $0x4000  }
0x123: {  	p1 =	seq.s32 s16, $0x4C00;
	[sflag:s10] =	ssyncset.done $0x0  }
0x124: {  	s17 =	simm.s32 @!p1 $0x3;
	[sflag:s10] =	ssyncadd.s32 $0xFFFFC000  }
0x125: {  	[spmem:s1] =	stream.indirect.scatter.add.f32 [tilespmem:s30], [sflag:$0x3], $0x80, s7, s7, $0xb8;
	[tilespmem:$0x1E600] =	vst v63  }
0x126: {  	_ =	swait.ge @!p1 [sflag:s17], $0x4000  }
0x127: {  	[sflag:s17] =	ssyncset.done @!p1 $0x0  }
0x128: {  	s16 =	sshra.s32 @!p1 s16, $0x2;
	[sflag:s17] =	ssyncadd.s32 @!p1 $0xFFFFC000  }
0x129: {  	v0 =	vld @!p1 [tilespmem:s16+$0x8300];
	_ =	sdelay $0x4  }
0x12a: {  	[tilespmem:$0x0] =	vst @!p1 v0  }
0x12b: {  	v0 =	vld @!p1 [tilespmem:s16+$0x8310];
	_ =	sdelay $0x4  }
0x12c: {  	[tilespmem:$0x10] =	vst @!p1 v0  }
0x12d: {  	v0 =	vld @!p1 [tilespmem:s16+$0x8320];
	_ =	sdelay $0x4  }
0x12e: {  	[tilespmem:$0x20] =	vst @!p1 v0  }
0x12f: {  	v0 =	vld @!p1 [tilespmem:s16+$0x8330];
	_ =	sdelay $0x4  }
0x130: {  	[tilespmem:$0x30] =	vst @!p1 v0  }
0x131: {  	v0 =	vld @!p1 [tilespmem:s16+$0x8340];
	_ =	sdelay $0x4  }
0x132: {  	[tilespmem:$0x40] =	vst @!p1 v0  }
0x133: {  	v0 =	vld @!p1 [tilespmem:s16+$0x8350];
	_ =	sdelay $0x4  }
0x134: {  	[tilespmem:$0x50] =	vst @!p1 v0  }
0x135: {  	v0 =	vld @!p1 [tilespmem:s16+$0x8360];
	_ =	sdelay $0x4  }
0x136: {  	[tilespmem:$0x60] =	vst @!p1 v0  }
0x137: {  	v0 =	vld @!p1 [tilespmem:s16+$0x8370];
	_ =	sdelay $0x4  }
0x138: {  	[tilespmem:$0x70] =	vst @!p1 v0  }
0x139: {  	v0 =	vld @!p1 [tilespmem:s16+$0x9700];
	_ =	sdelay $0x4  }
0x13a: {  	[tilespmem:$0x80] =	vst @!p1 v0  }
0x13b: {  	v0 =	vld @!p1 [tilespmem:s16+$0x9710];
	_ =	sdelay $0x4  }
0x13c: {  	[tilespmem:$0x90] =	vst @!p1 v0  }
0x13d: {  	v0 =	vld @!p1 [tilespmem:s16+$0x9720];
	_ =	sdelay $0x4  }
0x13e: {  	[tilespmem:$0xA0] =	vst @!p1 v0  }
0x13f: {  	v0 =	vld @!p1 [tilespmem:s16+$0x9730];
	_ =	sdelay $0x4  }
0x140: {  	[tilespmem:$0xB0] =	vst @!p1 v0  }
0x141: {  	v0 =	vld @!p1 [tilespmem:s16+$0x9740];
	_ =	sdelay $0x4  }
0x142: {  	[tilespmem:$0xC0] =	vst @!p1 v0  }
0x143: {  	v0 =	vld @!p1 [tilespmem:s16+$0x9750];
	_ =	sdelay $0x4  }
0x144: {  	[tilespmem:$0xD0] =	vst @!p1 v0  }
0x145: {  	v0 =	vld @!p1 [tilespmem:s16+$0x9760];
	_ =	sdelay $0x4  }
0x146: {  	[tilespmem:$0xE0] =	vst @!p1 v0  }
0x147: {  	v0 =	vld @!p1 [tilespmem:s16+$0x9770];
	_ =	sdelay $0x4  }
0x148: {  	s18 =	simm.s32 @!p1 $0x200;
	s17 =	simm.s32 @!p1 $0x0;
	s16 =	simm.s32 @!p1 $0x80;
	[tilespmem:$0xF0] =	vst @!p1 v0  }
0x149: {  	[tilespmem:s18], [sflag:$0x1] =	stream.indirect.gather @!p1 [hbm4b:s4+s16], $0x80, s17, s16, $0xb8;
	[tilespmem:$0x1E600] =	vst v63  }
0x14a: {  	_ =	swait.ge [sflag:s11], $0x4000  }
0x14b: {  	[sflag:s11] =	ssyncset.done $0x0  }
0x14c: {  	[sflag:s11] =	ssyncadd.s32 $0xFFFFC000  }
0x14d: {  	[spmem:s1] =	stream.indirect.scatter.add.f32 [tilespmem:s9], [sflag:$0x4], $0x80, s12, s7, $0xb8;
	[tilespmem:$0x1E600] =	vst v63  }
0x14e: {  	_ =	swait.ge [sflag:s13], $0x4000  }
0x14f: {  	[sflag:s13] =	ssyncset.done $0x0  }
0x150: {  	[sflag:s13] =	ssyncadd.s32 $0xFFFFC000  }
0x151: {  	_ =	swait.ge [sflag:s14], $0x4000  }
0x152: {  	s20 =	simm.s32 $0x8200;
	[sflag:s14] =	ssyncset.done $0x0  }
0x153: {  	s16 =	simm.s32 $0x0;
	s19 =	rddreg [dreg:$0x7];
	[sflag:s14] =	ssyncadd.s32 $0xFFFFC000  }
0x154: {  	[tilespmem:s20], [sflag:$0x5] =	stream.linear.gather [hbm4b:s19+s16], $0x1400, $0x38;
	[tilespmem:$0x1E600] =	vst v63  }
0x155: {  	_ =	swait.ge [sflag:s31], $0x1400  }
0x156: {  	[sflag:s31] =	ssyncset.done $0x0  }
0x157: {  	s19 =	rddreg [dreg:$0x8];
	[sflag:s31] =	ssyncadd.s32 $0xFFFFEC00  }
0x158: {  	[tilespmem:s5], [sflag:$0x5] =	stream.linear.gather [hbm4b:s19+s16], $0x1400, $0x38;
	[tilespmem:$0x1E600] =	vst v63  }
0x159: {  	_ =	swait.ge [sflag:s31], $0x1400  }
0x15a: {  	[sflag:s31] =	ssyncset.done $0x0  }
0x15b: {  	[sflag:s31] =	ssyncadd.s32 $0xFFFFEC00  }
0x15c: {  	v51 =	vld [tilespmem:$0x8200]  }
0x15d: {  	v1 =	vld [tilespmem:$0x8210]  }
0x15e: {  	v2 =	vld [tilespmem:$0x8220]  }
0x15f: {  	v3 =	vld [tilespmem:$0x8230]  }
0x160: {  	v4 =	vld [tilespmem:$0x8240]  }
0x161: {  	v52 =	vld [tilespmem:$0x8250];
	[tilespmem:$0x0] =	vst v51  }
0x162: {  	v53 =	vld [tilespmem:$0x8260];
	[tilespmem:$0x10] =	vst v1  }
0x163: {  	v54 =	vld [tilespmem:$0x8270];
	[tilespmem:$0x20] =	vst v2  }
0x164: {  	v55 =	vld [tilespmem:$0x9600];
	[tilespmem:$0x30] =	vst v3  }
0x165: {  	v56 =	vld [tilespmem:$0x9610];
	[tilespmem:$0x40] =	vst v4  }
0x166: {  	v57 =	vld [tilespmem:$0x9620];
	[tilespmem:$0x50] =	vst v52  }
0x167: {  	v58 =	vld [tilespmem:$0x9630];
	[tilespmem:$0x60] =	vst v53  }
0x168: {  	v59 =	vld [tilespmem:$0x9640];
	[tilespmem:$0x70] =	vst v54  }
0x169: {  	v60 =	vld [tilespmem:$0x9650];
	[tilespmem:$0x80] =	vst v55  }
0x16a: {  	v61 =	vld [tilespmem:$0x9660];
	[tilespmem:$0x90] =	vst v56  }
0x16b: {  	v62 =	vld [tilespmem:$0x9670];
	[tilespmem:$0xA0] =	vst v57  }
0x16c: {  	[tilespmem:$0xB0] =	vst v58  }
0x16d: {  	[tilespmem:$0xC0] =	vst v59  }
0x16e: {  	[tilespmem:$0xD0] =	vst v60  }
0x16f: {  	[tilespmem:$0xE0] =	vst v61  }
0x170: {  	p1 =	por $0x1, $0x1;
	[tilespmem:$0xF0] =	vst v62  }
0x171: {  	[tilespmem:s30], [sflag:$0x1] =	stream.indirect.gather [hbm4b:s4+s7], $0x80, s16, s7, $0xb8;
	[tilespmem:$0x1E600] =	vst v63  }
0x172: {  	s16 =	simm.s32 @!p1 $0x4  }
0x173: {  	_ =	swait.ge @!p1 [sflag:s16], $0x4000  }
0x174: {  	[sflag:s16] =	ssyncset.done @!p1 $0x0  }
0x175: {  	s20 =	simm.s32 $0x0;
	[sflag:s16] =	ssyncadd.s32 @!p1 $0xFFFFC000  }
0x176: {  	v63 =	vld [tilespmem:s20+$0x8280];
	_ =	sdelay $0x4  }
0x177: {  	[tilespmem:$0x100] =	vst v63  }
0x178: {  	v0 =	vld [tilespmem:s20+$0x8290];
	_ =	sdelay $0x4  }
0x179: {  	[tilespmem:$0x110] =	vst v0  }
0x17a: {  	v0 =	vld [tilespmem:s20+$0x82A0];
	_ =	sdelay $0x4  }
0x17b: {  	[tilespmem:$0x120] =	vst v0  }
0x17c: {  	v0 =	vld [tilespmem:s20+$0x82B0];
	_ =	sdelay $0x4  }
0x17d: {  	[tilespmem:$0x130] =	vst v0  }
0x17e: {  	v0 =	vld [tilespmem:s20+$0x82C0];
	_ =	sdelay $0x4  }
0x17f: {  	[tilespmem:$0x140] =	vst v0  }
0x180: {  	v0 =	vld [tilespmem:s20+$0x82D0];
	_ =	sdelay $0x4  }
0x181: {  	[tilespmem:$0x150] =	vst v0  }
0x182: {  	v0 =	vld [tilespmem:s20+$0x82E0];
	_ =	sdelay $0x4  }
0x183: {  	[tilespmem:$0x160] =	vst v0  }
0x184: {  	v0 =	vld [tilespmem:s20+$0x82F0];
	_ =	sdelay $0x4  }
0x185: {  	[tilespmem:$0x170] =	vst v0  }
0x186: {  	v0 =	vld [tilespmem:s20+$0x9680];
	_ =	sdelay $0x4  }
0x187: {  	[tilespmem:$0x180] =	vst v0  }
0x188: {  	v0 =	vld [tilespmem:s20+$0x9690];
	_ =	sdelay $0x4  }
0x189: {  	[tilespmem:$0x190] =	vst v0  }
0x18a: {  	v0 =	vld [tilespmem:s20+$0x96A0];
	_ =	sdelay $0x4  }
0x18b: {  	[tilespmem:$0x1A0] =	vst v0  }
0x18c: {  	v0 =	vld [tilespmem:s20+$0x96B0];
	_ =	sdelay $0x4  }
0x18d: {  	[tilespmem:$0x1B0] =	vst v0  }
0x18e: {  	v0 =	vld [tilespmem:s20+$0x96C0];
	_ =	sdelay $0x4  }
0x18f: {  	[tilespmem:$0x1C0] =	vst v0  }
0x190: {  	v0 =	vld [tilespmem:s20+$0x96D0];
	_ =	sdelay $0x4  }
0x191: {  	[tilespmem:$0x1D0] =	vst v0  }
0x192: {  	v0 =	vld [tilespmem:s20+$0x96E0];
	_ =	sdelay $0x4  }
0x193: {  	[tilespmem:$0x1E0] =	vst v0  }
0x194: {  	v0 =	vld [tilespmem:s20+$0x96F0];
	_ =	sdelay $0x4  }
0x195: {  	[tilespmem:$0x1F0] =	vst v0  }
0x196: {  	[tilespmem:s9], [sflag:$0x2] =	stream.indirect.gather [hbm4b:s4+s7], $0x80, s0, s7, $0xb8;
	[tilespmem:$0x1E600] =	vst v63  }
0x197: {  	_ =	swait.ge [sflag:s10], $0x4000  }
0x198: {  	p1 =	por $0x0, $0x0;
	[sflag:s10] =	ssyncset.done $0x0  }
0x199: {  	s16 =	simm.s32 @!p1 $0x3;
	[sflag:s10] =	ssyncadd.s32 $0xFFFFC000  }
0x19a: {  	[spmem:s1] =	stream.indirect.scatter.add.f32 [tilespmem:s30], [sflag:$0x3], $0x80, s7, s7, $0xb8;
	[tilespmem:$0x1E600] =	vst v63  }
0x19b: {  	_ =	swait.ge @!p1 [sflag:s16], $0x4000  }
0x19c: {  	[sflag:s16] =	ssyncset.done @!p1 $0x0  }
0x19d: {  	s17 =	simm.s32 @!p1 $0x0;
	[sflag:s16] =	ssyncadd.s32 @!p1 $0xFFFFC000  }
0x19e: {  	v0 =	vld @!p1 [tilespmem:s17+$0x8300];
	_ =	sdelay $0x4  }
0x19f: {  	[tilespmem:$0x0] =	vst @!p1 v0  }
0x1a0: {  	v0 =	vld @!p1 [tilespmem:s17+$0x8310];
	_ =	sdelay $0x4  }
0x1a1: {  	[tilespmem:$0x10] =	vst @!p1 v0  }
0x1a2: {  	v0 =	vld @!p1 [tilespmem:s17+$0x8320];
	_ =	sdelay $0x4  }
0x1a3: {  	[tilespmem:$0x20] =	vst @!p1 v0  }
0x1a4: {  	v0 =	vld @!p1 [tilespmem:s17+$0x8330];
	_ =	sdelay $0x4  }
0x1a5: {  	[tilespmem:$0x30] =	vst @!p1 v0  }
0x1a6: {  	v0 =	vld @!p1 [tilespmem:s17+$0x8340];
	_ =	sdelay $0x4  }
0x1a7: {  	[tilespmem:$0x40] =	vst @!p1 v0  }
0x1a8: {  	v0 =	vld @!p1 [tilespmem:s17+$0x8350];
	_ =	sdelay $0x4  }
0x1a9: {  	[tilespmem:$0x50] =	vst @!p1 v0  }
0x1aa: {  	v0 =	vld @!p1 [tilespmem:s17+$0x8360];
	_ =	sdelay $0x4  }
0x1ab: {  	[tilespmem:$0x60] =	vst @!p1 v0  }
0x1ac: {  	v0 =	vld @!p1 [tilespmem:s17+$0x8370];
	_ =	sdelay $0x4  }
0x1ad: {  	[tilespmem:$0x70] =	vst @!p1 v0  }
0x1ae: {  	v0 =	vld @!p1 [tilespmem:s17+$0x9700];
	_ =	sdelay $0x4  }
0x1af: {  	[tilespmem:$0x80] =	vst @!p1 v0  }
0x1b0: {  	v0 =	vld @!p1 [tilespmem:s17+$0x9710];
	_ =	sdelay $0x4  }
0x1b1: {  	[tilespmem:$0x90] =	vst @!p1 v0  }
0x1b2: {  	v0 =	vld @!p1 [tilespmem:s17+$0x9720];
	_ =	sdelay $0x4  }
0x1b3: {  	[tilespmem:$0xA0] =	vst @!p1 v0  }
0x1b4: {  	v0 =	vld @!p1 [tilespmem:s17+$0x9730];
	_ =	sdelay $0x4  }
0x1b5: {  	[tilespmem:$0xB0] =	vst @!p1 v0  }
0x1b6: {  	v0 =	vld @!p1 [tilespmem:s17+$0x9740];
	_ =	sdelay $0x4  }
0x1b7: {  	[tilespmem:$0xC0] =	vst @!p1 v0  }
0x1b8: {  	v0 =	vld @!p1 [tilespmem:s17+$0x9750];
	_ =	sdelay $0x4  }
0x1b9: {  	[tilespmem:$0xD0] =	vst @!p1 v0  }
0x1ba: {  	v0 =	vld @!p1 [tilespmem:s17+$0x9760];
	_ =	sdelay $0x4  }
0x1bb: {  	[tilespmem:$0xE0] =	vst @!p1 v0  }
0x1bc: {  	v0 =	vld @!p1 [tilespmem:s17+$0x9770];
	_ =	sdelay $0x3  }
0x1bd: {  	p2 =	por $0x0, $0x0  }
0x1be: {  	s18 =	simm.s32 @!p1 $0x200;
	s16 =	simm.s32 @!p1 $0x80;
	s17 =	simm.s32 @!p1 $0x0;
	[tilespmem:$0xF0] =	vst @!p1 v0  }
0x1bf: {  	[tilespmem:s18], [sflag:$0x1] =	stream.indirect.gather @!p1 [hbm4b:s4+s16], $0x80, s17, s16, $0xb8;
	[tilespmem:$0x1E600] =	vst v63  }
0x1c0: {  	s16 =	simm.s32 $0x400;
	s17 =	simm.s32 $0x800;
	_ =	swait.ge [sflag:s11], $0x4000  }
.LBB2_10:
0x1c1: {  	s20 =	simm.s32 @!p2 $0x4  }
0x1c2: {  	[sflag:s11] =	ssyncset.done $0x0;
	s18 =	smov.u32 s17;
	s17 =	sadd.s32 $0x400, s17  }
0x1c3: {  	p1 =	sne.s32 s17, $0x5000;
	[sflag:s11] =	ssyncadd.s32 $0xFFFFC000  }
0x1c4: {  	[spmem:s1] =	stream.indirect.scatter.add.f32 [tilespmem:s9], [sflag:$0x4], $0x80, s12, s7, $0xb8;
	[tilespmem:$0x1E600] =	vst v63  }
0x1c5: {  	_ =	swait.ge @!p2 [sflag:s20], $0x4000  }
0x1c6: {  	s19 =	sshra.s32 s16, $0x2;
	[sflag:s20] =	ssyncset.done @!p2 $0x0  }
0x1c7: {  	[sflag:s20] =	ssyncadd.s32 @!p2 $0xFFFFC000  }
0x1c8: {  	v0 =	vld [tilespmem:s19+$0x8280];
	_ =	sdelay $0x4  }
0x1c9: {  	[tilespmem:$0x100] =	vst v0  }
0x1ca: {  	v0 =	vld [tilespmem:s19+$0x8290];
	_ =	sdelay $0x4  }
0x1cb: {  	[tilespmem:$0x110] =	vst v0  }
0x1cc: {  	v0 =	vld [tilespmem:s19+$0x82A0];
	_ =	sdelay $0x4  }
0x1cd: {  	[tilespmem:$0x120] =	vst v0  }
0x1ce: {  	v0 =	vld [tilespmem:s19+$0x82B0];
	_ =	sdelay $0x4  }
0x1cf: {  	[tilespmem:$0x130] =	vst v0  }
0x1d0: {  	v0 =	vld [tilespmem:s19+$0x82C0];
	_ =	sdelay $0x4  }
0x1d1: {  	[tilespmem:$0x140] =	vst v0  }
0x1d2: {  	v0 =	vld [tilespmem:s19+$0x82D0];
	_ =	sdelay $0x4  }
0x1d3: {  	[tilespmem:$0x150] =	vst v0  }
0x1d4: {  	v0 =	vld [tilespmem:s19+$0x82E0];
	_ =	sdelay $0x4  }
0x1d5: {  	[tilespmem:$0x160] =	vst v0  }
0x1d6: {  	v0 =	vld [tilespmem:s19+$0x82F0];
	_ =	sdelay $0x4  }
0x1d7: {  	[tilespmem:$0x170] =	vst v0  }
0x1d8: {  	v0 =	vld [tilespmem:s19+$0x9680];
	_ =	sdelay $0x4  }
0x1d9: {  	[tilespmem:$0x180] =	vst v0  }
0x1da: {  	v0 =	vld [tilespmem:s19+$0x9690];
	_ =	sdelay $0x4  }
0x1db: {  	[tilespmem:$0x190] =	vst v0  }
0x1dc: {  	v0 =	vld [tilespmem:s19+$0x96A0];
	_ =	sdelay $0x4  }
0x1dd: {  	[tilespmem:$0x1A0] =	vst v0  }
0x1de: {  	v0 =	vld [tilespmem:s19+$0x96B0];
	_ =	sdelay $0x4  }
0x1df: {  	[tilespmem:$0x1B0] =	vst v0  }
0x1e0: {  	v0 =	vld [tilespmem:s19+$0x96C0];
	_ =	sdelay $0x4  }
0x1e1: {  	[tilespmem:$0x1C0] =	vst v0  }
0x1e2: {  	v0 =	vld [tilespmem:s19+$0x96D0];
	_ =	sdelay $0x4  }
0x1e3: {  	[tilespmem:$0x1D0] =	vst v0  }
0x1e4: {  	v0 =	vld [tilespmem:s19+$0x96E0];
	_ =	sdelay $0x4  }
0x1e5: {  	[tilespmem:$0x1E0] =	vst v0  }
0x1e6: {  	v0 =	vld [tilespmem:s19+$0x96F0];
	_ =	sdelay $0x4  }
0x1e7: {  	[tilespmem:$0x1F0] =	vst v0  }
0x1e8: {  	[tilespmem:s9], [sflag:$0x2] =	stream.indirect.gather [hbm4b:s4+s7], $0x80, s0, s7, $0xb8;
	[tilespmem:$0x1E600] =	vst v63  }
0x1e9: {  	_ =	swait.ge [sflag:s10], $0x4000  }
0x1ea: {  	p2 =	seq.s32 s16, $0x4C00;
	[sflag:s10] =	ssyncset.done $0x0  }
0x1eb: {  	s20 =	simm.s32 @!p2 $0x3;
	[sflag:s10] =	ssyncadd.s32 $0xFFFFC000  }
0x1ec: {  	[spmem:s1] =	stream.indirect.scatter.add.f32 [tilespmem:s30], [sflag:$0x3], $0x80, s7, s7, $0xb8;
	[tilespmem:$0x1E600] =	vst v63  }
0x1ed: {  	_ =	swait.ge @!p2 [sflag:s20], $0x4000  }
0x1ee: {  	s19 =	sshra.s32 @!p2 s16, $0x2;
	s16 =	smov.u32 s18;
	[sflag:s20] =	ssyncset.done @!p2 $0x0  }
0x1ef: {  	[sflag:s20] =	ssyncadd.s32 @!p2 $0xFFFFC000  }
0x1f0: {  	v0 =	vld @!p2 [tilespmem:s19+$0x8300];
	_ =	sdelay $0x4  }
0x1f1: {  	[tilespmem:$0x0] =	vst @!p2 v0  }
0x1f2: {  	v0 =	vld @!p2 [tilespmem:s19+$0x8310];
	_ =	sdelay $0x4  }
0x1f3: {  	[tilespmem:$0x10] =	vst @!p2 v0  }
0x1f4: {  	v0 =	vld @!p2 [tilespmem:s19+$0x8320];
	_ =	sdelay $0x4  }
0x1f5: {  	[tilespmem:$0x20] =	vst @!p2 v0  }
0x1f6: {  	v0 =	vld @!p2 [tilespmem:s19+$0x8330];
	_ =	sdelay $0x4  }
0x1f7: {  	[tilespmem:$0x30] =	vst @!p2 v0  }
0x1f8: {  	v0 =	vld @!p2 [tilespmem:s19+$0x8340];
	_ =	sdelay $0x4  }
0x1f9: {  	[tilespmem:$0x40] =	vst @!p2 v0  }
0x1fa: {  	v0 =	vld @!p2 [tilespmem:s19+$0x8350];
	_ =	sdelay $0x4  }
0x1fb: {  	[tilespmem:$0x50] =	vst @!p2 v0  }
0x1fc: {  	v0 =	vld @!p2 [tilespmem:s19+$0x8360];
	_ =	sdelay $0x4  }
0x1fd: {  	[tilespmem:$0x60] =	vst @!p2 v0  }
0x1fe: {  	v0 =	vld @!p2 [tilespmem:s19+$0x8370];
	_ =	sdelay $0x4  }
0x1ff: {  	[tilespmem:$0x70] =	vst @!p2 v0  }
0x200: {  	v0 =	vld @!p2 [tilespmem:s19+$0x9700];
	_ =	sdelay $0x4  }
0x201: {  	[tilespmem:$0x80] =	vst @!p2 v0  }
0x202: {  	v0 =	vld @!p2 [tilespmem:s19+$0x9710];
	_ =	sdelay $0x4  }
0x203: {  	[tilespmem:$0x90] =	vst @!p2 v0  }
0x204: {  	v0 =	vld @!p2 [tilespmem:s19+$0x9720];
	_ =	sdelay $0x4  }
0x205: {  	[tilespmem:$0xA0] =	vst @!p2 v0  }
0x206: {  	v0 =	vld @!p2 [tilespmem:s19+$0x9730];
	_ =	sdelay $0x4  }
0x207: {  	[tilespmem:$0xB0] =	vst @!p2 v0  }
0x208: {  	v0 =	vld @!p2 [tilespmem:s19+$0x9740];
	_ =	sdelay $0x4  }
0x209: {  	[tilespmem:$0xC0] =	vst @!p2 v0  }
0x20a: {  	v0 =	vld @!p2 [tilespmem:s19+$0x9750];
	_ =	sdelay $0x4  }
0x20b: {  	[tilespmem:$0xD0] =	vst @!p2 v0  }
0x20c: {  	v0 =	vld @!p2 [tilespmem:s19+$0x9760];
	_ =	sdelay $0x4  }
0x20d: {  	[tilespmem:$0xE0] =	vst @!p2 v0  }
0x20e: {  	v0 =	vld @!p2 [tilespmem:s19+$0x9770];
	_ =	sdelay $0x2  }
.Ltmp2:
0x20f: {  	(pc) =	sbr.rel @p1 .LBB2_10-.Ltmp2, $4  }
0x210: {  	s18 =	simm.s32 @!p2 $0x80;
	s20 =	simm.s32 @!p2 $0x200;
	s19 =	simm.s32 @!p2 $0x0  }
0x211: {  	[tilespmem:$0xF0] =	vst @!p2 v0  }
0x212: {  	[tilespmem:s20], [sflag:$0x1] =	stream.indirect.gather @!p2 [hbm4b:s4+s18], $0x80, s19, s18, $0xb8;
	[tilespmem:$0x1E600] =	vst v63  }
0x213: {  	p2 =	seq.s32 s16, $0x0;
	_ =	swait.ge [sflag:s11], $0x4000  }
0x214: {  	[sflag:s11] =	ssyncset.done $0x0  }
0x215: {  	s17 =	simm.s32 @!p2 $0x4;
	[sflag:s11] =	ssyncadd.s32 $0xFFFFC000  }
0x216: {  	[spmem:s1] =	stream.indirect.scatter.add.f32 [tilespmem:s9], [sflag:$0x4], $0x80, s12, s7, $0xb8;
	[tilespmem:$0x1E600] =	vst v63  }
0x217: {  	_ =	swait.ge @!p2 [sflag:s17], $0x4000  }
0x218: {  	[sflag:s17] =	ssyncset.done @!p2 $0x0  }
0x219: {  	s18 =	sshra.s32 s16, $0x2;
	[sflag:s17] =	ssyncadd.s32 @!p2 $0xFFFFC000  }
0x21a: {  	v0 =	vld [tilespmem:s18+$0x8280];
	_ =	sdelay $0x4  }
0x21b: {  	[tilespmem:$0x100] =	vst v0  }
0x21c: {  	v0 =	vld [tilespmem:s18+$0x8290];
	_ =	sdelay $0x4  }
0x21d: {  	[tilespmem:$0x110] =	vst v0  }
0x21e: {  	v0 =	vld [tilespmem:s18+$0x82A0];
	_ =	sdelay $0x4  }
0x21f: {  	[tilespmem:$0x120] =	vst v0  }
0x220: {  	v0 =	vld [tilespmem:s18+$0x82B0];
	_ =	sdelay $0x4  }
0x221: {  	[tilespmem:$0x130] =	vst v0  }
0x222: {  	v0 =	vld [tilespmem:s18+$0x82C0];
	_ =	sdelay $0x4  }
0x223: {  	[tilespmem:$0x140] =	vst v0  }
0x224: {  	v0 =	vld [tilespmem:s18+$0x82D0];
	_ =	sdelay $0x4  }
0x225: {  	[tilespmem:$0x150] =	vst v0  }
0x226: {  	v0 =	vld [tilespmem:s18+$0x82E0];
	_ =	sdelay $0x4  }
0x227: {  	[tilespmem:$0x160] =	vst v0  }
0x228: {  	v0 =	vld [tilespmem:s18+$0x82F0];
	_ =	sdelay $0x4  }
0x229: {  	[tilespmem:$0x170] =	vst v0  }
0x22a: {  	v0 =	vld [tilespmem:s18+$0x9680];
	_ =	sdelay $0x4  }
0x22b: {  	[tilespmem:$0x180] =	vst v0  }
0x22c: {  	v0 =	vld [tilespmem:s18+$0x9690];
	_ =	sdelay $0x4  }
0x22d: {  	[tilespmem:$0x190] =	vst v0  }
0x22e: {  	v0 =	vld [tilespmem:s18+$0x96A0];
	_ =	sdelay $0x4  }
0x22f: {  	[tilespmem:$0x1A0] =	vst v0  }
0x230: {  	v0 =	vld [tilespmem:s18+$0x96B0];
	_ =	sdelay $0x4  }
0x231: {  	[tilespmem:$0x1B0] =	vst v0  }
0x232: {  	v0 =	vld [tilespmem:s18+$0x96C0];
	_ =	sdelay $0x4  }
0x233: {  	[tilespmem:$0x1C0] =	vst v0  }
0x234: {  	v0 =	vld [tilespmem:s18+$0x96D0];
	_ =	sdelay $0x4  }
0x235: {  	[tilespmem:$0x1D0] =	vst v0  }
0x236: {  	v0 =	vld [tilespmem:s18+$0x96E0];
	_ =	sdelay $0x4  }
0x237: {  	[tilespmem:$0x1E0] =	vst v0  }
0x238: {  	v0 =	vld [tilespmem:s18+$0x96F0];
	_ =	sdelay $0x4  }
0x239: {  	[tilespmem:$0x1F0] =	vst v0  }
0x23a: {  	[tilespmem:s9], [sflag:$0x2] =	stream.indirect.gather [hbm4b:s4+s7], $0x80, s0, s7, $0xb8;
	[tilespmem:$0x1E600] =	vst v63  }
0x23b: {  	_ =	swait.ge [sflag:s10], $0x4000  }
0x23c: {  	p1 =	seq.s32 s16, $0x4C00;
	[sflag:s10] =	ssyncset.done $0x0  }
0x23d: {  	s17 =	simm.s32 @!p1 $0x3;
	[sflag:s10] =	ssyncadd.s32 $0xFFFFC000  }
0x23e: {  	[spmem:s1] =	stream.indirect.scatter.add.f32 [tilespmem:s30], [sflag:$0x3], $0x80, s7, s7, $0xb8;
	[tilespmem:$0x1E600] =	vst v63  }
0x23f: {  	_ =	swait.ge @!p1 [sflag:s17], $0x4000  }
0x240: {  	[sflag:s17] =	ssyncset.done @!p1 $0x0  }
0x241: {  	s16 =	sshra.s32 @!p1 s16, $0x2;
	[sflag:s17] =	ssyncadd.s32 @!p1 $0xFFFFC000  }
0x242: {  	v0 =	vld @!p1 [tilespmem:s16+$0x8300];
	_ =	sdelay $0x4  }
0x243: {  	[tilespmem:$0x0] =	vst @!p1 v0  }
0x244: {  	v0 =	vld @!p1 [tilespmem:s16+$0x8310];
	_ =	sdelay $0x4  }
0x245: {  	[tilespmem:$0x10] =	vst @!p1 v0  }
0x246: {  	v0 =	vld @!p1 [tilespmem:s16+$0x8320];
	_ =	sdelay $0x4  }
0x247: {  	[tilespmem:$0x20] =	vst @!p1 v0  }
0x248: {  	v0 =	vld @!p1 [tilespmem:s16+$0x8330];
	_ =	sdelay $0x4  }
0x249: {  	[tilespmem:$0x30] =	vst @!p1 v0  }
0x24a: {  	v0 =	vld @!p1 [tilespmem:s16+$0x8340];
	_ =	sdelay $0x4  }
0x24b: {  	[tilespmem:$0x40] =	vst @!p1 v0  }
0x24c: {  	v0 =	vld @!p1 [tilespmem:s16+$0x8350];
	_ =	sdelay $0x4  }
0x24d: {  	[tilespmem:$0x50] =	vst @!p1 v0  }
0x24e: {  	v0 =	vld @!p1 [tilespmem:s16+$0x8360];
	_ =	sdelay $0x4  }
0x24f: {  	[tilespmem:$0x60] =	vst @!p1 v0  }
0x250: {  	v0 =	vld @!p1 [tilespmem:s16+$0x8370];
	_ =	sdelay $0x4  }
0x251: {  	[tilespmem:$0x70] =	vst @!p1 v0  }
0x252: {  	v0 =	vld @!p1 [tilespmem:s16+$0x9700];
	_ =	sdelay $0x4  }
0x253: {  	[tilespmem:$0x80] =	vst @!p1 v0  }
0x254: {  	v0 =	vld @!p1 [tilespmem:s16+$0x9710];
	_ =	sdelay $0x4  }
0x255: {  	[tilespmem:$0x90] =	vst @!p1 v0  }
0x256: {  	v0 =	vld @!p1 [tilespmem:s16+$0x9720];
	_ =	sdelay $0x4  }
0x257: {  	[tilespmem:$0xA0] =	vst @!p1 v0  }
0x258: {  	v0 =	vld @!p1 [tilespmem:s16+$0x9730];
	_ =	sdelay $0x4  }
0x259: {  	[tilespmem:$0xB0] =	vst @!p1 v0  }
0x25a: {  	v0 =	vld @!p1 [tilespmem:s16+$0x9740];
	_ =	sdelay $0x4  }
0x25b: {  	[tilespmem:$0xC0] =	vst @!p1 v0  }
0x25c: {  	v0 =	vld @!p1 [tilespmem:s16+$0x9750];
	_ =	sdelay $0x4  }
0x25d: {  	[tilespmem:$0xD0] =	vst @!p1 v0  }
0x25e: {  	v0 =	vld @!p1 [tilespmem:s16+$0x9760];
	_ =	sdelay $0x4  }
0x25f: {  	[tilespmem:$0xE0] =	vst @!p1 v0  }
0x260: {  	v0 =	vld @!p1 [tilespmem:s16+$0x9770];
	_ =	sdelay $0x4  }
0x261: {  	s18 =	simm.s32 @!p1 $0x200;
	s17 =	simm.s32 @!p1 $0x0;
	s16 =	simm.s32 @!p1 $0x80;
	[tilespmem:$0xF0] =	vst @!p1 v0  }
0x262: {  	[tilespmem:s18], [sflag:$0x1] =	stream.indirect.gather @!p1 [hbm4b:s4+s16], $0x80, s17, s16, $0xb8;
	[tilespmem:$0x1E600] =	vst v63  }
.Ltmp3:
0x263: {  	_ = 	snop;
	(pc) =	sbr.rel .LBB2_12-.Ltmp3, $4  }
0x264: {  	_ =	swait.ge [sflag:s11], $0x4000  }
0x265: {  	[sflag:s11] =	ssyncset.done $0x0  }
0x266: {  	[sflag:s11] =	ssyncadd.s32 $0xFFFFC000  }
0x267: {  	[spmem:s1] =	stream.indirect.scatter.add.f32 [tilespmem:s9], [sflag:$0x4], $0x80, s12, s7, $0xb8;
	[tilespmem:$0x1E600] =	vst v63  }
.LBB2_2:
0x268: {  	v0 =	vld [tilespmem:$0x8210]  }
0x269: {  	v1 =	vld [tilespmem:$0x8220]  }
0x26a: {  	v2 =	vld [tilespmem:$0x8230]  }
0x26b: {  	v3 =	vld [tilespmem:$0x8240]  }
0x26c: {  	v4 =	vld [tilespmem:$0x8250]  }
0x26d: {  	v53 =	vld [tilespmem:$0x8260];
	[tilespmem:$0x10] =	vst v0  }
0x26e: {  	v54 =	vld [tilespmem:$0x8270];
	[tilespmem:$0x20] =	vst v1  }
0x26f: {  	v55 =	vld [tilespmem:$0x9600];
	[tilespmem:$0x30] =	vst v2  }
0x270: {  	v56 =	vld [tilespmem:$0x9610];
	[tilespmem:$0x40] =	vst v3  }
0x271: {  	v57 =	vld [tilespmem:$0x9620];
	[tilespmem:$0x50] =	vst v4  }
0x272: {  	v58 =	vld [tilespmem:$0x9630];
	[tilespmem:$0x60] =	vst v53  }
0x273: {  	v59 =	vld [tilespmem:$0x9640];
	[tilespmem:$0x70] =	vst v54  }
0x274: {  	v60 =	vld [tilespmem:$0x9650];
	[tilespmem:$0x80] =	vst v55  }
0x275: {  	v61 =	vld [tilespmem:$0x9660];
	[tilespmem:$0x90] =	vst v56  }
0x276: {  	v62 =	vld [tilespmem:$0x9670];
	[tilespmem:$0xA0] =	vst v57  }
0x277: {  	[tilespmem:$0xB0] =	vst v58  }
0x278: {  	[tilespmem:$0xC0] =	vst v59  }
0x279: {  	[tilespmem:$0xD0] =	vst v60  }
0x27a: {  	[tilespmem:$0xE0] =	vst v61  }
0x27b: {  	s16 =	simm.s32 $0x0;
	p1 =	por $0x1, $0x1;
	[tilespmem:$0xF0] =	vst v62  }
0x27c: {  	[tilespmem:s30], [sflag:$0x1] =	stream.indirect.gather [hbm4b:s3+s7], $0x80, s16, s7, $0xb8;
	[tilespmem:$0x1E600] =	vst v63  }
0x27d: {  	s16 =	simm.s32 @!p1 $0x4  }
0x27e: {  	_ =	swait.ge @!p1 [sflag:s16], $0x4000  }
0x27f: {  	[sflag:s16] =	ssyncset.done @!p1 $0x0  }
0x280: {  	s17 =	simm.s32 $0x0;
	[sflag:s16] =	ssyncadd.s32 @!p1 $0xFFFFC000  }
0x281: {  	v63 =	vld [tilespmem:s17+$0x8280];
	_ =	sdelay $0x4  }
0x282: {  	[tilespmem:$0x100] =	vst v63  }
0x283: {  	v0 =	vld [tilespmem:s17+$0x8290];
	_ =	sdelay $0x4  }
0x284: {  	[tilespmem:$0x110] =	vst v0  }
0x285: {  	v0 =	vld [tilespmem:s17+$0x82A0];
	_ =	sdelay $0x4  }
0x286: {  	[tilespmem:$0x120] =	vst v0  }
0x287: {  	v0 =	vld [tilespmem:s17+$0x82B0];
	_ =	sdelay $0x4  }
0x288: {  	[tilespmem:$0x130] =	vst v0  }
0x289: {  	v0 =	vld [tilespmem:s17+$0x82C0];
	_ =	sdelay $0x4  }
0x28a: {  	[tilespmem:$0x140] =	vst v0  }
0x28b: {  	v0 =	vld [tilespmem:s17+$0x82D0];
	_ =	sdelay $0x4  }
0x28c: {  	[tilespmem:$0x150] =	vst v0  }
0x28d: {  	v0 =	vld [tilespmem:s17+$0x82E0];
	_ =	sdelay $0x4  }
0x28e: {  	[tilespmem:$0x160] =	vst v0  }
0x28f: {  	v0 =	vld [tilespmem:s17+$0x82F0];
	_ =	sdelay $0x4  }
0x290: {  	[tilespmem:$0x170] =	vst v0  }
0x291: {  	v0 =	vld [tilespmem:s17+$0x9680];
	_ =	sdelay $0x4  }
0x292: {  	[tilespmem:$0x180] =	vst v0  }
0x293: {  	v0 =	vld [tilespmem:s17+$0x9690];
	_ =	sdelay $0x4  }
0x294: {  	[tilespmem:$0x190] =	vst v0  }
0x295: {  	v0 =	vld [tilespmem:s17+$0x96A0];
	_ =	sdelay $0x4  }
0x296: {  	[tilespmem:$0x1A0] =	vst v0  }
0x297: {  	v0 =	vld [tilespmem:s17+$0x96B0];
	_ =	sdelay $0x4  }
0x298: {  	[tilespmem:$0x1B0] =	vst v0  }
0x299: {  	v0 =	vld [tilespmem:s17+$0x96C0];
	_ =	sdelay $0x4  }
0x29a: {  	[tilespmem:$0x1C0] =	vst v0  }
0x29b: {  	v0 =	vld [tilespmem:s17+$0x96D0];
	_ =	sdelay $0x4  }
0x29c: {  	[tilespmem:$0x1D0] =	vst v0  }
0x29d: {  	v0 =	vld [tilespmem:s17+$0x96E0];
	_ =	sdelay $0x4  }
0x29e: {  	[tilespmem:$0x1E0] =	vst v0  }
0x29f: {  	v0 =	vld [tilespmem:s17+$0x96F0];
	_ =	sdelay $0x4  }
0x2a0: {  	[tilespmem:$0x1F0] =	vst v0  }
0x2a1: {  	[tilespmem:s9], [sflag:$0x2] =	stream.indirect.gather [hbm4b:s3+s7], $0x80, s0, s7, $0xb8;
	[tilespmem:$0x1E600] =	vst v63  }
0x2a2: {  	_ =	swait.ge [sflag:s10], $0x4000  }
0x2a3: {  	p1 =	por $0x0, $0x0;
	[sflag:s10] =	ssyncset.done $0x0  }
0x2a4: {  	s16 =	simm.s32 @!p1 $0x3;
	[sflag:s10] =	ssyncadd.s32 $0xFFFFC000  }
0x2a5: {  	[spmem:s1] =	stream.indirect.scatter.add.f32 [tilespmem:s30], [sflag:$0x3], $0x80, s7, s7, $0xb8;
	[tilespmem:$0x1E600] =	vst v63  }
0x2a6: {  	_ =	swait.ge @!p1 [sflag:s16], $0x4000  }
0x2a7: {  	[sflag:s16] =	ssyncset.done @!p1 $0x0  }
0x2a8: {  	s17 =	simm.s32 @!p1 $0x0;
	[sflag:s16] =	ssyncadd.s32 @!p1 $0xFFFFC000  }
0x2a9: {  	v0 =	vld @!p1 [tilespmem:s17+$0x8300];
	_ =	sdelay $0x4  }
0x2aa: {  	[tilespmem:$0x0] =	vst @!p1 v0  }
0x2ab: {  	v0 =	vld @!p1 [tilespmem:s17+$0x8310];
	_ =	sdelay $0x4  }
0x2ac: {  	[tilespmem:$0x10] =	vst @!p1 v0  }
0x2ad: {  	v0 =	vld @!p1 [tilespmem:s17+$0x8320];
	_ =	sdelay $0x4  }
0x2ae: {  	[tilespmem:$0x20] =	vst @!p1 v0  }
0x2af: {  	v0 =	vld @!p1 [tilespmem:s17+$0x8330];
	_ =	sdelay $0x4  }
0x2b0: {  	[tilespmem:$0x30] =	vst @!p1 v0  }
0x2b1: {  	v0 =	vld @!p1 [tilespmem:s17+$0x8340];
	_ =	sdelay $0x4  }
0x2b2: {  	[tilespmem:$0x40] =	vst @!p1 v0  }
0x2b3: {  	v0 =	vld @!p1 [tilespmem:s17+$0x8350];
	_ =	sdelay $0x4  }
0x2b4: {  	[tilespmem:$0x50] =	vst @!p1 v0  }
0x2b5: {  	v0 =	vld @!p1 [tilespmem:s17+$0x8360];
	_ =	sdelay $0x4  }
0x2b6: {  	[tilespmem:$0x60] =	vst @!p1 v0  }
0x2b7: {  	v0 =	vld @!p1 [tilespmem:s17+$0x8370];
	_ =	sdelay $0x4  }
0x2b8: {  	[tilespmem:$0x70] =	vst @!p1 v0  }
0x2b9: {  	v0 =	vld @!p1 [tilespmem:s17+$0x9700];
	_ =	sdelay $0x4  }
0x2ba: {  	[tilespmem:$0x80] =	vst @!p1 v0  }
0x2bb: {  	v0 =	vld @!p1 [tilespmem:s17+$0x9710];
	_ =	sdelay $0x4  }
0x2bc: {  	[tilespmem:$0x90] =	vst @!p1 v0  }
0x2bd: {  	v0 =	vld @!p1 [tilespmem:s17+$0x9720];
	_ =	sdelay $0x4  }
0x2be: {  	[tilespmem:$0xA0] =	vst @!p1 v0  }
0x2bf: {  	v0 =	vld @!p1 [tilespmem:s17+$0x9730];
	_ =	sdelay $0x4  }
0x2c0: {  	[tilespmem:$0xB0] =	vst @!p1 v0  }
0x2c1: {  	v0 =	vld @!p1 [tilespmem:s17+$0x9740];
	_ =	sdelay $0x4  }
0x2c2: {  	[tilespmem:$0xC0] =	vst @!p1 v0  }
0x2c3: {  	v0 =	vld @!p1 [tilespmem:s17+$0x9750];
	_ =	sdelay $0x4  }
0x2c4: {  	[tilespmem:$0xD0] =	vst @!p1 v0  }
0x2c5: {  	v0 =	vld @!p1 [tilespmem:s17+$0x9760];
	_ =	sdelay $0x4  }
0x2c6: {  	[tilespmem:$0xE0] =	vst @!p1 v0  }
0x2c7: {  	v0 =	vld @!p1 [tilespmem:s17+$0x9770];
	_ =	sdelay $0x3  }
0x2c8: {  	p2 =	por $0x0, $0x0  }
0x2c9: {  	s18 =	simm.s32 @!p1 $0x200;
	s16 =	simm.s32 @!p1 $0x80;
	s17 =	simm.s32 @!p1 $0x0;
	[tilespmem:$0xF0] =	vst @!p1 v0  }
0x2ca: {  	[tilespmem:s18], [sflag:$0x1] =	stream.indirect.gather @!p1 [hbm4b:s3+s16], $0x80, s17, s16, $0xb8;
	[tilespmem:$0x1E600] =	vst v63  }
0x2cb: {  	s16 =	simm.s32 $0x400;
	s17 =	simm.s32 $0x800;
	_ =	swait.ge [sflag:s11], $0x4000  }
.LBB2_3:
0x2cc: {  	s20 =	simm.s32 @!p2 $0x4  }
0x2cd: {  	[sflag:s11] =	ssyncset.done $0x0;
	s18 =	smov.u32 s17;
	s17 =	sadd.s32 $0x400, s17  }
0x2ce: {  	p1 =	sne.s32 s17, $0x5000;
	[sflag:s11] =	ssyncadd.s32 $0xFFFFC000  }
0x2cf: {  	[spmem:s1] =	stream.indirect.scatter.add.f32 [tilespmem:s9], [sflag:$0x4], $0x80, s12, s7, $0xb8;
	[tilespmem:$0x1E600] =	vst v63  }
0x2d0: {  	_ =	swait.ge @!p2 [sflag:s20], $0x4000  }
0x2d1: {  	s19 =	sshra.s32 s16, $0x2;
	[sflag:s20] =	ssyncset.done @!p2 $0x0  }
0x2d2: {  	[sflag:s20] =	ssyncadd.s32 @!p2 $0xFFFFC000  }
0x2d3: {  	v0 =	vld [tilespmem:s19+$0x8280];
	_ =	sdelay $0x4  }
0x2d4: {  	[tilespmem:$0x100] =	vst v0  }
0x2d5: {  	v0 =	vld [tilespmem:s19+$0x8290];
	_ =	sdelay $0x4  }
0x2d6: {  	[tilespmem:$0x110] =	vst v0  }
0x2d7: {  	v0 =	vld [tilespmem:s19+$0x82A0];
	_ =	sdelay $0x4  }
0x2d8: {  	[tilespmem:$0x120] =	vst v0  }
0x2d9: {  	v0 =	vld [tilespmem:s19+$0x82B0];
	_ =	sdelay $0x4  }
0x2da: {  	[tilespmem:$0x130] =	vst v0  }
0x2db: {  	v0 =	vld [tilespmem:s19+$0x82C0];
	_ =	sdelay $0x4  }
0x2dc: {  	[tilespmem:$0x140] =	vst v0  }
0x2dd: {  	v0 =	vld [tilespmem:s19+$0x82D0];
	_ =	sdelay $0x4  }
0x2de: {  	[tilespmem:$0x150] =	vst v0  }
0x2df: {  	v0 =	vld [tilespmem:s19+$0x82E0];
	_ =	sdelay $0x4  }
0x2e0: {  	[tilespmem:$0x160] =	vst v0  }
0x2e1: {  	v0 =	vld [tilespmem:s19+$0x82F0];
	_ =	sdelay $0x4  }
0x2e2: {  	[tilespmem:$0x170] =	vst v0  }
0x2e3: {  	v0 =	vld [tilespmem:s19+$0x9680];
	_ =	sdelay $0x4  }
0x2e4: {  	[tilespmem:$0x180] =	vst v0  }
0x2e5: {  	v0 =	vld [tilespmem:s19+$0x9690];
	_ =	sdelay $0x4  }
0x2e6: {  	[tilespmem:$0x190] =	vst v0  }
0x2e7: {  	v0 =	vld [tilespmem:s19+$0x96A0];
	_ =	sdelay $0x4  }
0x2e8: {  	[tilespmem:$0x1A0] =	vst v0  }
0x2e9: {  	v0 =	vld [tilespmem:s19+$0x96B0];
	_ =	sdelay $0x4  }
0x2ea: {  	[tilespmem:$0x1B0] =	vst v0  }
0x2eb: {  	v0 =	vld [tilespmem:s19+$0x96C0];
	_ =	sdelay $0x4  }
0x2ec: {  	[tilespmem:$0x1C0] =	vst v0  }
0x2ed: {  	v0 =	vld [tilespmem:s19+$0x96D0];
	_ =	sdelay $0x4  }
0x2ee: {  	[tilespmem:$0x1D0] =	vst v0  }
0x2ef: {  	v0 =	vld [tilespmem:s19+$0x96E0];
	_ =	sdelay $0x4  }
0x2f0: {  	[tilespmem:$0x1E0] =	vst v0  }
0x2f1: {  	v0 =	vld [tilespmem:s19+$0x96F0];
	_ =	sdelay $0x4  }
0x2f2: {  	[tilespmem:$0x1F0] =	vst v0  }
0x2f3: {  	[tilespmem:s9], [sflag:$0x2] =	stream.indirect.gather [hbm4b:s3+s7], $0x80, s0, s7, $0xb8;
	[tilespmem:$0x1E600] =	vst v63  }
0x2f4: {  	_ =	swait.ge [sflag:s10], $0x4000  }
0x2f5: {  	p2 =	seq.s32 s16, $0x4C00;
	[sflag:s10] =	ssyncset.done $0x0  }
0x2f6: {  	s20 =	simm.s32 @!p2 $0x3;
	[sflag:s10] =	ssyncadd.s32 $0xFFFFC000  }
0x2f7: {  	[spmem:s1] =	stream.indirect.scatter.add.f32 [tilespmem:s30], [sflag:$0x3], $0x80, s7, s7, $0xb8;
	[tilespmem:$0x1E600] =	vst v63  }
0x2f8: {  	_ =	swait.ge @!p2 [sflag:s20], $0x4000  }
0x2f9: {  	s19 =	sshra.s32 @!p2 s16, $0x2;
	s16 =	smov.u32 s18;
	[sflag:s20] =	ssyncset.done @!p2 $0x0  }
0x2fa: {  	[sflag:s20] =	ssyncadd.s32 @!p2 $0xFFFFC000  }
0x2fb: {  	v0 =	vld @!p2 [tilespmem:s19+$0x8300];
	_ =	sdelay $0x4  }
0x2fc: {  	[tilespmem:$0x0] =	vst @!p2 v0  }
0x2fd: {  	v0 =	vld @!p2 [tilespmem:s19+$0x8310];
	_ =	sdelay $0x4  }
0x2fe: {  	[tilespmem:$0x10] =	vst @!p2 v0  }
0x2ff: {  	v0 =	vld @!p2 [tilespmem:s19+$0x8320];
	_ =	sdelay $0x4  }
0x300: {  	[tilespmem:$0x20] =	vst @!p2 v0  }
0x301: {  	v0 =	vld @!p2 [tilespmem:s19+$0x8330];
	_ =	sdelay $0x4  }
0x302: {  	[tilespmem:$0x30] =	vst @!p2 v0  }
0x303: {  	v0 =	vld @!p2 [tilespmem:s19+$0x8340];
	_ =	sdelay $0x4  }
0x304: {  	[tilespmem:$0x40] =	vst @!p2 v0  }
0x305: {  	v0 =	vld @!p2 [tilespmem:s19+$0x8350];
	_ =	sdelay $0x4  }
0x306: {  	[tilespmem:$0x50] =	vst @!p2 v0  }
0x307: {  	v0 =	vld @!p2 [tilespmem:s19+$0x8360];
	_ =	sdelay $0x4  }
0x308: {  	[tilespmem:$0x60] =	vst @!p2 v0  }
0x309: {  	v0 =	vld @!p2 [tilespmem:s19+$0x8370];
	_ =	sdelay $0x4  }
0x30a: {  	[tilespmem:$0x70] =	vst @!p2 v0  }
0x30b: {  	v0 =	vld @!p2 [tilespmem:s19+$0x9700];
	_ =	sdelay $0x4  }
0x30c: {  	[tilespmem:$0x80] =	vst @!p2 v0  }
0x30d: {  	v0 =	vld @!p2 [tilespmem:s19+$0x9710];
	_ =	sdelay $0x4  }
0x30e: {  	[tilespmem:$0x90] =	vst @!p2 v0  }
0x30f: {  	v0 =	vld @!p2 [tilespmem:s19+$0x9720];
	_ =	sdelay $0x4  }
0x310: {  	[tilespmem:$0xA0] =	vst @!p2 v0  }
0x311: {  	v0 =	vld @!p2 [tilespmem:s19+$0x9730];
	_ =	sdelay $0x4  }
0x312: {  	[tilespmem:$0xB0] =	vst @!p2 v0  }
0x313: {  	v0 =	vld @!p2 [tilespmem:s19+$0x9740];
	_ =	sdelay $0x4  }
0x314: {  	[tilespmem:$0xC0] =	vst @!p2 v0  }
0x315: {  	v0 =	vld @!p2 [tilespmem:s19+$0x9750];
	_ =	sdelay $0x4  }
0x316: {  	[tilespmem:$0xD0] =	vst @!p2 v0  }
0x317: {  	v0 =	vld @!p2 [tilespmem:s19+$0x9760];
	_ =	sdelay $0x4  }
0x318: {  	[tilespmem:$0xE0] =	vst @!p2 v0  }
0x319: {  	v0 =	vld @!p2 [tilespmem:s19+$0x9770];
	_ =	sdelay $0x2  }
.Ltmp4:
0x31a: {  	(pc) =	sbr.rel @p1 .LBB2_3-.Ltmp4, $4  }
0x31b: {  	s18 =	simm.s32 @!p2 $0x80;
	s20 =	simm.s32 @!p2 $0x200;
	s19 =	simm.s32 @!p2 $0x0  }
0x31c: {  	[tilespmem:$0xF0] =	vst @!p2 v0  }
0x31d: {  	[tilespmem:s20], [sflag:$0x1] =	stream.indirect.gather @!p2 [hbm4b:s3+s18], $0x80, s19, s18, $0xb8;
	[tilespmem:$0x1E600] =	vst v63  }
0x31e: {  	p2 =	seq.s32 s16, $0x0;
	_ =	swait.ge [sflag:s11], $0x4000  }
0x31f: {  	[sflag:s11] =	ssyncset.done $0x0  }
0x320: {  	s17 =	simm.s32 @!p2 $0x4;
	[sflag:s11] =	ssyncadd.s32 $0xFFFFC000  }
0x321: {  	[spmem:s1] =	stream.indirect.scatter.add.f32 [tilespmem:s9], [sflag:$0x4], $0x80, s12, s7, $0xb8;
	[tilespmem:$0x1E600] =	vst v63  }
0x322: {  	_ =	swait.ge @!p2 [sflag:s17], $0x4000  }
0x323: {  	[sflag:s17] =	ssyncset.done @!p2 $0x0  }
0x324: {  	s18 =	sshra.s32 s16, $0x2;
	[sflag:s17] =	ssyncadd.s32 @!p2 $0xFFFFC000  }
0x325: {  	v0 =	vld [tilespmem:s18+$0x8280];
	_ =	sdelay $0x4  }
0x326: {  	[tilespmem:$0x100] =	vst v0  }
0x327: {  	v0 =	vld [tilespmem:s18+$0x8290];
	_ =	sdelay $0x4  }
0x328: {  	[tilespmem:$0x110] =	vst v0  }
0x329: {  	v0 =	vld [tilespmem:s18+$0x82A0];
	_ =	sdelay $0x4  }
0x32a: {  	[tilespmem:$0x120] =	vst v0  }
0x32b: {  	v0 =	vld [tilespmem:s18+$0x82B0];
	_ =	sdelay $0x4  }
0x32c: {  	[tilespmem:$0x130] =	vst v0  }
0x32d: {  	v0 =	vld [tilespmem:s18+$0x82C0];
	_ =	sdelay $0x4  }
0x32e: {  	[tilespmem:$0x140] =	vst v0  }
0x32f: {  	v0 =	vld [tilespmem:s18+$0x82D0];
	_ =	sdelay $0x4  }
0x330: {  	[tilespmem:$0x150] =	vst v0  }
0x331: {  	v0 =	vld [tilespmem:s18+$0x82E0];
	_ =	sdelay $0x4  }
0x332: {  	[tilespmem:$0x160] =	vst v0  }
0x333: {  	v0 =	vld [tilespmem:s18+$0x82F0];
	_ =	sdelay $0x4  }
0x334: {  	[tilespmem:$0x170] =	vst v0  }
0x335: {  	v0 =	vld [tilespmem:s18+$0x9680];
	_ =	sdelay $0x4  }
0x336: {  	[tilespmem:$0x180] =	vst v0  }
0x337: {  	v0 =	vld [tilespmem:s18+$0x9690];
	_ =	sdelay $0x4  }
0x338: {  	[tilespmem:$0x190] =	vst v0  }
0x339: {  	v0 =	vld [tilespmem:s18+$0x96A0];
	_ =	sdelay $0x4  }
0x33a: {  	[tilespmem:$0x1A0] =	vst v0  }
0x33b: {  	v0 =	vld [tilespmem:s18+$0x96B0];
	_ =	sdelay $0x4  }
0x33c: {  	[tilespmem:$0x1B0] =	vst v0  }
0x33d: {  	v0 =	vld [tilespmem:s18+$0x96C0];
	_ =	sdelay $0x4  }
0x33e: {  	[tilespmem:$0x1C0] =	vst v0  }
0x33f: {  	v0 =	vld [tilespmem:s18+$0x96D0];
	_ =	sdelay $0x4  }
0x340: {  	[tilespmem:$0x1D0] =	vst v0  }
0x341: {  	v0 =	vld [tilespmem:s18+$0x96E0];
	_ =	sdelay $0x4  }
0x342: {  	[tilespmem:$0x1E0] =	vst v0  }
0x343: {  	v0 =	vld [tilespmem:s18+$0x96F0];
	_ =	sdelay $0x4  }
0x344: {  	[tilespmem:$0x1F0] =	vst v0  }
0x345: {  	[tilespmem:s9], [sflag:$0x2] =	stream.indirect.gather [hbm4b:s3+s7], $0x80, s0, s7, $0xb8;
	[tilespmem:$0x1E600] =	vst v63  }
0x346: {  	_ =	swait.ge [sflag:s10], $0x4000  }
0x347: {  	p1 =	seq.s32 s16, $0x4C00;
	[sflag:s10] =	ssyncset.done $0x0  }
0x348: {  	s17 =	simm.s32 @!p1 $0x3;
	[sflag:s10] =	ssyncadd.s32 $0xFFFFC000  }
0x349: {  	[spmem:s1] =	stream.indirect.scatter.add.f32 [tilespmem:s30], [sflag:$0x3], $0x80, s7, s7, $0xb8;
	[tilespmem:$0x1E600] =	vst v63  }
0x34a: {  	_ =	swait.ge @!p1 [sflag:s17], $0x4000  }
0x34b: {  	[sflag:s17] =	ssyncset.done @!p1 $0x0  }
0x34c: {  	s16 =	sshra.s32 @!p1 s16, $0x2;
	[sflag:s17] =	ssyncadd.s32 @!p1 $0xFFFFC000  }
0x34d: {  	v0 =	vld @!p1 [tilespmem:s16+$0x8300];
	_ =	sdelay $0x4  }
0x34e: {  	[tilespmem:$0x0] =	vst @!p1 v0  }
0x34f: {  	v0 =	vld @!p1 [tilespmem:s16+$0x8310];
	_ =	sdelay $0x4  }
0x350: {  	[tilespmem:$0x10] =	vst @!p1 v0  }
0x351: {  	v0 =	vld @!p1 [tilespmem:s16+$0x8320];
	_ =	sdelay $0x4  }
0x352: {  	[tilespmem:$0x20] =	vst @!p1 v0  }
0x353: {  	v0 =	vld @!p1 [tilespmem:s16+$0x8330];
	_ =	sdelay $0x4  }
0x354: {  	[tilespmem:$0x30] =	vst @!p1 v0  }
0x355: {  	v0 =	vld @!p1 [tilespmem:s16+$0x8340];
	_ =	sdelay $0x4  }
0x356: {  	[tilespmem:$0x40] =	vst @!p1 v0  }
0x357: {  	v0 =	vld @!p1 [tilespmem:s16+$0x8350];
	_ =	sdelay $0x4  }
0x358: {  	[tilespmem:$0x50] =	vst @!p1 v0  }
0x359: {  	v0 =	vld @!p1 [tilespmem:s16+$0x8360];
	_ =	sdelay $0x4  }
0x35a: {  	[tilespmem:$0x60] =	vst @!p1 v0  }
0x35b: {  	v0 =	vld @!p1 [tilespmem:s16+$0x8370];
	_ =	sdelay $0x4  }
0x35c: {  	[tilespmem:$0x70] =	vst @!p1 v0  }
0x35d: {  	v0 =	vld @!p1 [tilespmem:s16+$0x9700];
	_ =	sdelay $0x4  }
0x35e: {  	[tilespmem:$0x80] =	vst @!p1 v0  }
0x35f: {  	v0 =	vld @!p1 [tilespmem:s16+$0x9710];
	_ =	sdelay $0x4  }
0x360: {  	[tilespmem:$0x90] =	vst @!p1 v0  }
0x361: {  	v0 =	vld @!p1 [tilespmem:s16+$0x9720];
	_ =	sdelay $0x4  }
0x362: {  	[tilespmem:$0xA0] =	vst @!p1 v0  }
0x363: {  	v0 =	vld @!p1 [tilespmem:s16+$0x9730];
	_ =	sdelay $0x4  }
0x364: {  	[tilespmem:$0xB0] =	vst @!p1 v0  }
0x365: {  	v0 =	vld @!p1 [tilespmem:s16+$0x9740];
	_ =	sdelay $0x4  }
0x366: {  	[tilespmem:$0xC0] =	vst @!p1 v0  }
0x367: {  	v0 =	vld @!p1 [tilespmem:s16+$0x9750];
	_ =	sdelay $0x4  }
0x368: {  	[tilespmem:$0xD0] =	vst @!p1 v0  }
0x369: {  	v0 =	vld @!p1 [tilespmem:s16+$0x9760];
	_ =	sdelay $0x4  }
0x36a: {  	[tilespmem:$0xE0] =	vst @!p1 v0  }
0x36b: {  	v0 =	vld @!p1 [tilespmem:s16+$0x9770];
	_ =	sdelay $0x4  }
0x36c: {  	s18 =	simm.s32 @!p1 $0x200;
	s17 =	simm.s32 @!p1 $0x0;
	s16 =	simm.s32 @!p1 $0x80;
	[tilespmem:$0xF0] =	vst @!p1 v0  }
0x36d: {  	[tilespmem:s18], [sflag:$0x1] =	stream.indirect.gather @!p1 [hbm4b:s3+s16], $0x80, s17, s16, $0xb8;
	[tilespmem:$0x1E600] =	vst v63  }
0x36e: {  	_ =	swait.ge [sflag:s11], $0x4000  }
0x36f: {  	[sflag:s11] =	ssyncset.done $0x0  }
0x370: {  	[sflag:s11] =	ssyncadd.s32 $0xFFFFC000  }
0x371: {  	[spmem:s1] =	stream.indirect.scatter.add.f32 [tilespmem:s9], [sflag:$0x4], $0x80, s12, s7, $0xb8;
	[tilespmem:$0x1E600] =	vst v63  }
0x372: {  	_ =	swait.ge [sflag:s13], $0x4000  }
0x373: {  	[sflag:s13] =	ssyncset.done $0x0  }
0x374: {  	[sflag:s13] =	ssyncadd.s32 $0xFFFFC000  }
0x375: {  	_ =	swait.ge [sflag:s14], $0x4000  }
0x376: {  	s20 =	simm.s32 $0x8200;
	[sflag:s14] =	ssyncset.done $0x0  }
0x377: {  	s16 =	simm.s32 $0x0;
	s19 =	rddreg [dreg:$0x7];
	[sflag:s14] =	ssyncadd.s32 $0xFFFFC000  }
0x378: {  	[tilespmem:s20], [sflag:$0x5] =	stream.linear.gather [hbm4b:s19+s16], $0x1400, $0x38;
	[tilespmem:$0x1E600] =	vst v63  }
0x379: {  	_ =	swait.ge [sflag:s31], $0x1400  }
0x37a: {  	[sflag:s31] =	ssyncset.done $0x0  }
0x37b: {  	s19 =	rddreg [dreg:$0x8];
	[sflag:s31] =	ssyncadd.s32 $0xFFFFEC00  }
0x37c: {  	[tilespmem:s5], [sflag:$0x5] =	stream.linear.gather [hbm4b:s19+s16], $0x1400, $0x38;
	[tilespmem:$0x1E600] =	vst v63  }
0x37d: {  	_ =	swait.ge [sflag:s31], $0x1400  }
0x37e: {  	[sflag:s31] =	ssyncset.done $0x0  }
0x37f: {  	[sflag:s31] =	ssyncadd.s32 $0xFFFFEC00  }
0x380: {  	v51 =	vld [tilespmem:$0x8200]  }
0x381: {  	v1 =	vld [tilespmem:$0x8210]  }
0x382: {  	v2 =	vld [tilespmem:$0x8220]  }
0x383: {  	v3 =	vld [tilespmem:$0x8230]  }
0x384: {  	v4 =	vld [tilespmem:$0x8240]  }
0x385: {  	v52 =	vld [tilespmem:$0x8250];
	[tilespmem:$0x0] =	vst v51  }
0x386: {  	v53 =	vld [tilespmem:$0x8260];
	[tilespmem:$0x10] =	vst v1  }
0x387: {  	v54 =	vld [tilespmem:$0x8270];
	[tilespmem:$0x20] =	vst v2  }
0x388: {  	v55 =	vld [tilespmem:$0x9600];
	[tilespmem:$0x30] =	vst v3  }
0x389: {  	v56 =	vld [tilespmem:$0x9610];
	[tilespmem:$0x40] =	vst v4  }
0x38a: {  	v57 =	vld [tilespmem:$0x9620];
	[tilespmem:$0x50] =	vst v52  }
0x38b: {  	v58 =	vld [tilespmem:$0x9630];
	[tilespmem:$0x60] =	vst v53  }
0x38c: {  	v59 =	vld [tilespmem:$0x9640];
	[tilespmem:$0x70] =	vst v54  }
0x38d: {  	v60 =	vld [tilespmem:$0x9650];
	[tilespmem:$0x80] =	vst v55  }
0x38e: {  	v61 =	vld [tilespmem:$0x9660];
	[tilespmem:$0x90] =	vst v56  }
0x38f: {  	v62 =	vld [tilespmem:$0x9670];
	[tilespmem:$0xA0] =	vst v57  }
0x390: {  	[tilespmem:$0xB0] =	vst v58  }
0x391: {  	[tilespmem:$0xC0] =	vst v59  }
0x392: {  	[tilespmem:$0xD0] =	vst v60  }
0x393: {  	[tilespmem:$0xE0] =	vst v61  }
0x394: {  	p1 =	por $0x1, $0x1;
	[tilespmem:$0xF0] =	vst v62  }
0x395: {  	[tilespmem:s30], [sflag:$0x1] =	stream.indirect.gather [hbm4b:s3+s7], $0x80, s16, s7, $0xb8;
	[tilespmem:$0x1E600] =	vst v63  }
0x396: {  	s16 =	simm.s32 @!p1 $0x4  }
0x397: {  	_ =	swait.ge @!p1 [sflag:s16], $0x4000  }
0x398: {  	[sflag:s16] =	ssyncset.done @!p1 $0x0  }
0x399: {  	s20 =	simm.s32 $0x0;
	[sflag:s16] =	ssyncadd.s32 @!p1 $0xFFFFC000  }
0x39a: {  	v63 =	vld [tilespmem:s20+$0x8280];
	_ =	sdelay $0x4  }
0x39b: {  	[tilespmem:$0x100] =	vst v63  }
0x39c: {  	v0 =	vld [tilespmem:s20+$0x8290];
	_ =	sdelay $0x4  }
0x39d: {  	[tilespmem:$0x110] =	vst v0  }
0x39e: {  	v0 =	vld [tilespmem:s20+$0x82A0];
	_ =	sdelay $0x4  }
0x39f: {  	[tilespmem:$0x120] =	vst v0  }
0x3a0: {  	v0 =	vld [tilespmem:s20+$0x82B0];
	_ =	sdelay $0x4  }
0x3a1: {  	[tilespmem:$0x130] =	vst v0  }
0x3a2: {  	v0 =	vld [tilespmem:s20+$0x82C0];
	_ =	sdelay $0x4  }
0x3a3: {  	[tilespmem:$0x140] =	vst v0  }
0x3a4: {  	v0 =	vld [tilespmem:s20+$0x82D0];
	_ =	sdelay $0x4  }
0x3a5: {  	[tilespmem:$0x150] =	vst v0  }
0x3a6: {  	v0 =	vld [tilespmem:s20+$0x82E0];
	_ =	sdelay $0x4  }
0x3a7: {  	[tilespmem:$0x160] =	vst v0  }
0x3a8: {  	v0 =	vld [tilespmem:s20+$0x82F0];
	_ =	sdelay $0x4  }
0x3a9: {  	[tilespmem:$0x170] =	vst v0  }
0x3aa: {  	v0 =	vld [tilespmem:s20+$0x9680];
	_ =	sdelay $0x4  }
0x3ab: {  	[tilespmem:$0x180] =	vst v0  }
0x3ac: {  	v0 =	vld [tilespmem:s20+$0x9690];
	_ =	sdelay $0x4  }
0x3ad: {  	[tilespmem:$0x190] =	vst v0  }
0x3ae: {  	v0 =	vld [tilespmem:s20+$0x96A0];
	_ =	sdelay $0x4  }
0x3af: {  	[tilespmem:$0x1A0] =	vst v0  }
0x3b0: {  	v0 =	vld [tilespmem:s20+$0x96B0];
	_ =	sdelay $0x4  }
0x3b1: {  	[tilespmem:$0x1B0] =	vst v0  }
0x3b2: {  	v0 =	vld [tilespmem:s20+$0x96C0];
	_ =	sdelay $0x4  }
0x3b3: {  	[tilespmem:$0x1C0] =	vst v0  }
0x3b4: {  	v0 =	vld [tilespmem:s20+$0x96D0];
	_ =	sdelay $0x4  }
0x3b5: {  	[tilespmem:$0x1D0] =	vst v0  }
0x3b6: {  	v0 =	vld [tilespmem:s20+$0x96E0];
	_ =	sdelay $0x4  }
0x3b7: {  	[tilespmem:$0x1E0] =	vst v0  }
0x3b8: {  	v0 =	vld [tilespmem:s20+$0x96F0];
	_ =	sdelay $0x4  }
0x3b9: {  	[tilespmem:$0x1F0] =	vst v0  }
0x3ba: {  	[tilespmem:s9], [sflag:$0x2] =	stream.indirect.gather [hbm4b:s3+s7], $0x80, s0, s7, $0xb8;
	[tilespmem:$0x1E600] =	vst v63  }
0x3bb: {  	_ =	swait.ge [sflag:s10], $0x4000  }
0x3bc: {  	p1 =	por $0x0, $0x0;
	[sflag:s10] =	ssyncset.done $0x0  }
0x3bd: {  	s16 =	simm.s32 @!p1 $0x3;
	[sflag:s10] =	ssyncadd.s32 $0xFFFFC000  }
0x3be: {  	[spmem:s1] =	stream.indirect.scatter.add.f32 [tilespmem:s30], [sflag:$0x3], $0x80, s7, s7, $0xb8;
	[tilespmem:$0x1E600] =	vst v63  }
0x3bf: {  	_ =	swait.ge @!p1 [sflag:s16], $0x4000  }
0x3c0: {  	[sflag:s16] =	ssyncset.done @!p1 $0x0  }
0x3c1: {  	s17 =	simm.s32 @!p1 $0x0;
	[sflag:s16] =	ssyncadd.s32 @!p1 $0xFFFFC000  }
0x3c2: {  	v0 =	vld @!p1 [tilespmem:s17+$0x8300];
	_ =	sdelay $0x4  }
0x3c3: {  	[tilespmem:$0x0] =	vst @!p1 v0  }
0x3c4: {  	v0 =	vld @!p1 [tilespmem:s17+$0x8310];
	_ =	sdelay $0x4  }
0x3c5: {  	[tilespmem:$0x10] =	vst @!p1 v0  }
0x3c6: {  	v0 =	vld @!p1 [tilespmem:s17+$0x8320];
	_ =	sdelay $0x4  }
0x3c7: {  	[tilespmem:$0x20] =	vst @!p1 v0  }
0x3c8: {  	v0 =	vld @!p1 [tilespmem:s17+$0x8330];
	_ =	sdelay $0x4  }
0x3c9: {  	[tilespmem:$0x30] =	vst @!p1 v0  }
0x3ca: {  	v0 =	vld @!p1 [tilespmem:s17+$0x8340];
	_ =	sdelay $0x4  }
0x3cb: {  	[tilespmem:$0x40] =	vst @!p1 v0  }
0x3cc: {  	v0 =	vld @!p1 [tilespmem:s17+$0x8350];
	_ =	sdelay $0x4  }
0x3cd: {  	[tilespmem:$0x50] =	vst @!p1 v0  }
0x3ce: {  	v0 =	vld @!p1 [tilespmem:s17+$0x8360];
	_ =	sdelay $0x4  }
0x3cf: {  	[tilespmem:$0x60] =	vst @!p1 v0  }
0x3d0: {  	v0 =	vld @!p1 [tilespmem:s17+$0x8370];
	_ =	sdelay $0x4  }
0x3d1: {  	[tilespmem:$0x70] =	vst @!p1 v0  }
0x3d2: {  	v0 =	vld @!p1 [tilespmem:s17+$0x9700];
	_ =	sdelay $0x4  }
0x3d3: {  	[tilespmem:$0x80] =	vst @!p1 v0  }
0x3d4: {  	v0 =	vld @!p1 [tilespmem:s17+$0x9710];
	_ =	sdelay $0x4  }
0x3d5: {  	[tilespmem:$0x90] =	vst @!p1 v0  }
0x3d6: {  	v0 =	vld @!p1 [tilespmem:s17+$0x9720];
	_ =	sdelay $0x4  }
0x3d7: {  	[tilespmem:$0xA0] =	vst @!p1 v0  }
0x3d8: {  	v0 =	vld @!p1 [tilespmem:s17+$0x9730];
	_ =	sdelay $0x4  }
0x3d9: {  	[tilespmem:$0xB0] =	vst @!p1 v0  }
0x3da: {  	v0 =	vld @!p1 [tilespmem:s17+$0x9740];
	_ =	sdelay $0x4  }
0x3db: {  	[tilespmem:$0xC0] =	vst @!p1 v0  }
0x3dc: {  	v0 =	vld @!p1 [tilespmem:s17+$0x9750];
	_ =	sdelay $0x4  }
0x3dd: {  	[tilespmem:$0xD0] =	vst @!p1 v0  }
0x3de: {  	v0 =	vld @!p1 [tilespmem:s17+$0x9760];
	_ =	sdelay $0x4  }
0x3df: {  	[tilespmem:$0xE0] =	vst @!p1 v0  }
0x3e0: {  	v0 =	vld @!p1 [tilespmem:s17+$0x9770];
	_ =	sdelay $0x3  }
0x3e1: {  	p2 =	por $0x0, $0x0  }
0x3e2: {  	s18 =	simm.s32 @!p1 $0x200;
	s16 =	simm.s32 @!p1 $0x80;
	s17 =	simm.s32 @!p1 $0x0;
	[tilespmem:$0xF0] =	vst @!p1 v0  }
0x3e3: {  	[tilespmem:s18], [sflag:$0x1] =	stream.indirect.gather @!p1 [hbm4b:s3+s16], $0x80, s17, s16, $0xb8;
	[tilespmem:$0x1E600] =	vst v63  }
0x3e4: {  	s16 =	simm.s32 $0x400;
	s17 =	simm.s32 $0x800;
	_ =	swait.ge [sflag:s11], $0x4000  }
.LBB2_5:
0x3e5: {  	s20 =	simm.s32 @!p2 $0x4  }
0x3e6: {  	[sflag:s11] =	ssyncset.done $0x0;
	s18 =	smov.u32 s17;
	s17 =	sadd.s32 $0x400, s17  }
0x3e7: {  	p1 =	seq.s32 s17, $0x5000;
	[sflag:s11] =	ssyncadd.s32 $0xFFFFC000  }
0x3e8: {  	[spmem:s1] =	stream.indirect.scatter.add.f32 [tilespmem:s9], [sflag:$0x4], $0x80, s12, s7, $0xb8;
	[tilespmem:$0x1E600] =	vst v63  }
0x3e9: {  	_ =	swait.ge @!p2 [sflag:s20], $0x4000  }
0x3ea: {  	s19 =	sshra.s32 s16, $0x2;
	[sflag:s20] =	ssyncset.done @!p2 $0x0  }
0x3eb: {  	[sflag:s20] =	ssyncadd.s32 @!p2 $0xFFFFC000  }
0x3ec: {  	v0 =	vld [tilespmem:s19+$0x8280];
	_ =	sdelay $0x4  }
0x3ed: {  	[tilespmem:$0x100] =	vst v0  }
0x3ee: {  	v0 =	vld [tilespmem:s19+$0x8290];
	_ =	sdelay $0x4  }
0x3ef: {  	[tilespmem:$0x110] =	vst v0  }
0x3f0: {  	v0 =	vld [tilespmem:s19+$0x82A0];
	_ =	sdelay $0x4  }
0x3f1: {  	[tilespmem:$0x120] =	vst v0  }
0x3f2: {  	v0 =	vld [tilespmem:s19+$0x82B0];
	_ =	sdelay $0x4  }
0x3f3: {  	[tilespmem:$0x130] =	vst v0  }
0x3f4: {  	v0 =	vld [tilespmem:s19+$0x82C0];
	_ =	sdelay $0x4  }
0x3f5: {  	[tilespmem:$0x140] =	vst v0  }
0x3f6: {  	v0 =	vld [tilespmem:s19+$0x82D0];
	_ =	sdelay $0x4  }
0x3f7: {  	[tilespmem:$0x150] =	vst v0  }
0x3f8: {  	v0 =	vld [tilespmem:s19+$0x82E0];
	_ =	sdelay $0x4  }
0x3f9: {  	[tilespmem:$0x160] =	vst v0  }
0x3fa: {  	v0 =	vld [tilespmem:s19+$0x82F0];
	_ =	sdelay $0x4  }
0x3fb: {  	[tilespmem:$0x170] =	vst v0  }
0x3fc: {  	v0 =	vld [tilespmem:s19+$0x9680];
	_ =	sdelay $0x4  }
0x3fd: {  	[tilespmem:$0x180] =	vst v0  }
0x3fe: {  	v0 =	vld [tilespmem:s19+$0x9690];
	_ =	sdelay $0x4  }
0x3ff: {  	[tilespmem:$0x190] =	vst v0  }
0x400: {  	v0 =	vld [tilespmem:s19+$0x96A0];
	_ =	sdelay $0x4  }
0x401: {  	[tilespmem:$0x1A0] =	vst v0  }
0x402: {  	v0 =	vld [tilespmem:s19+$0x96B0];
	_ =	sdelay $0x4  }
0x403: {  	[tilespmem:$0x1B0] =	vst v0  }
0x404: {  	v0 =	vld [tilespmem:s19+$0x96C0];
	_ =	sdelay $0x4  }
0x405: {  	[tilespmem:$0x1C0] =	vst v0  }
0x406: {  	v0 =	vld [tilespmem:s19+$0x96D0];
	_ =	sdelay $0x4  }
0x407: {  	[tilespmem:$0x1D0] =	vst v0  }
0x408: {  	v0 =	vld [tilespmem:s19+$0x96E0];
	_ =	sdelay $0x4  }
0x409: {  	[tilespmem:$0x1E0] =	vst v0  }
0x40a: {  	v0 =	vld [tilespmem:s19+$0x96F0];
	_ =	sdelay $0x4  }
0x40b: {  	[tilespmem:$0x1F0] =	vst v0  }
0x40c: {  	[tilespmem:s9], [sflag:$0x2] =	stream.indirect.gather [hbm4b:s3+s7], $0x80, s0, s7, $0xb8;
	[tilespmem:$0x1E600] =	vst v63  }
0x40d: {  	_ =	swait.ge [sflag:s10], $0x4000  }
0x40e: {  	p2 =	seq.s32 s16, $0x4C00;
	[sflag:s10] =	ssyncset.done $0x0  }
0x40f: {  	s20 =	simm.s32 @!p2 $0x3;
	[sflag:s10] =	ssyncadd.s32 $0xFFFFC000  }
0x410: {  	[spmem:s1] =	stream.indirect.scatter.add.f32 [tilespmem:s30], [sflag:$0x3], $0x80, s7, s7, $0xb8;
	[tilespmem:$0x1E600] =	vst v63  }
0x411: {  	_ =	swait.ge @!p2 [sflag:s20], $0x4000  }
0x412: {  	s19 =	sshra.s32 @!p2 s16, $0x2;
	s16 =	smov.u32 s18;
	[sflag:s20] =	ssyncset.done @!p2 $0x0  }
0x413: {  	[sflag:s20] =	ssyncadd.s32 @!p2 $0xFFFFC000  }
0x414: {  	v0 =	vld @!p2 [tilespmem:s19+$0x8300];
	_ =	sdelay $0x4  }
0x415: {  	[tilespmem:$0x0] =	vst @!p2 v0  }
0x416: {  	v0 =	vld @!p2 [tilespmem:s19+$0x8310];
	_ =	sdelay $0x4  }
0x417: {  	[tilespmem:$0x10] =	vst @!p2 v0  }
0x418: {  	v0 =	vld @!p2 [tilespmem:s19+$0x8320];
	_ =	sdelay $0x4  }
0x419: {  	[tilespmem:$0x20] =	vst @!p2 v0  }
0x41a: {  	v0 =	vld @!p2 [tilespmem:s19+$0x8330];
	_ =	sdelay $0x4  }
0x41b: {  	[tilespmem:$0x30] =	vst @!p2 v0  }
0x41c: {  	v0 =	vld @!p2 [tilespmem:s19+$0x8340];
	_ =	sdelay $0x4  }
0x41d: {  	[tilespmem:$0x40] =	vst @!p2 v0  }
0x41e: {  	v0 =	vld @!p2 [tilespmem:s19+$0x8350];
	_ =	sdelay $0x4  }
0x41f: {  	[tilespmem:$0x50] =	vst @!p2 v0  }
0x420: {  	v0 =	vld @!p2 [tilespmem:s19+$0x8360];
	_ =	sdelay $0x4  }
0x421: {  	[tilespmem:$0x60] =	vst @!p2 v0  }
0x422: {  	v0 =	vld @!p2 [tilespmem:s19+$0x8370];
	_ =	sdelay $0x4  }
0x423: {  	[tilespmem:$0x70] =	vst @!p2 v0  }
0x424: {  	v0 =	vld @!p2 [tilespmem:s19+$0x9700];
	_ =	sdelay $0x4  }
0x425: {  	[tilespmem:$0x80] =	vst @!p2 v0  }
0x426: {  	v0 =	vld @!p2 [tilespmem:s19+$0x9710];
	_ =	sdelay $0x4  }
0x427: {  	[tilespmem:$0x90] =	vst @!p2 v0  }
0x428: {  	v0 =	vld @!p2 [tilespmem:s19+$0x9720];
	_ =	sdelay $0x4  }
0x429: {  	[tilespmem:$0xA0] =	vst @!p2 v0  }
0x42a: {  	v0 =	vld @!p2 [tilespmem:s19+$0x9730];
	_ =	sdelay $0x4  }
0x42b: {  	[tilespmem:$0xB0] =	vst @!p2 v0  }
0x42c: {  	v0 =	vld @!p2 [tilespmem:s19+$0x9740];
	_ =	sdelay $0x4  }
0x42d: {  	[tilespmem:$0xC0] =	vst @!p2 v0  }
0x42e: {  	v0 =	vld @!p2 [tilespmem:s19+$0x9750];
	_ =	sdelay $0x4  }
0x42f: {  	[tilespmem:$0xD0] =	vst @!p2 v0  }
0x430: {  	v0 =	vld @!p2 [tilespmem:s19+$0x9760];
	_ =	sdelay $0x4  }
0x431: {  	[tilespmem:$0xE0] =	vst @!p2 v0  }
0x432: {  	v0 =	vld @!p2 [tilespmem:s19+$0x9770];
	_ =	sdelay $0x2  }
.Ltmp5:
0x433: {  	(pc) =	sbr.rel @!p1 .LBB2_5-.Ltmp5, $4  }
0x434: {  	s18 =	simm.s32 @!p2 $0x80;
	s20 =	simm.s32 @!p2 $0x200;
	s19 =	simm.s32 @!p2 $0x0  }
0x435: {  	[tilespmem:$0xF0] =	vst @!p2 v0  }
0x436: {  	[tilespmem:s20], [sflag:$0x1] =	stream.indirect.gather @!p2 [hbm4b:s3+s18], $0x80, s19, s18, $0xb8;
	[tilespmem:$0x1E600] =	vst v63  }
0x437: {  	p2 =	seq.s32 s16, $0x0;
	_ =	swait.ge [sflag:s11], $0x4000  }
0x438: {  	[sflag:s11] =	ssyncset.done $0x0  }
0x439: {  	s17 =	simm.s32 @!p2 $0x4;
	[sflag:s11] =	ssyncadd.s32 $0xFFFFC000  }
0x43a: {  	[spmem:s1] =	stream.indirect.scatter.add.f32 [tilespmem:s9], [sflag:$0x4], $0x80, s12, s7, $0xb8;
	[tilespmem:$0x1E600] =	vst v63  }
0x43b: {  	_ =	swait.ge @!p2 [sflag:s17], $0x4000  }
0x43c: {  	[sflag:s17] =	ssyncset.done @!p2 $0x0  }
0x43d: {  	s18 =	sshra.s32 s16, $0x2;
	[sflag:s17] =	ssyncadd.s32 @!p2 $0xFFFFC000  }
0x43e: {  	v0 =	vld [tilespmem:s18+$0x8280];
	_ =	sdelay $0x4  }
0x43f: {  	[tilespmem:$0x100] =	vst v0  }
0x440: {  	v0 =	vld [tilespmem:s18+$0x8290];
	_ =	sdelay $0x4  }
0x441: {  	[tilespmem:$0x110] =	vst v0  }
0x442: {  	v0 =	vld [tilespmem:s18+$0x82A0];
	_ =	sdelay $0x4  }
0x443: {  	[tilespmem:$0x120] =	vst v0  }
0x444: {  	v0 =	vld [tilespmem:s18+$0x82B0];
	_ =	sdelay $0x4  }
0x445: {  	[tilespmem:$0x130] =	vst v0  }
0x446: {  	v0 =	vld [tilespmem:s18+$0x82C0];
	_ =	sdelay $0x4  }
0x447: {  	[tilespmem:$0x140] =	vst v0  }
0x448: {  	v0 =	vld [tilespmem:s18+$0x82D0];
	_ =	sdelay $0x4  }
0x449: {  	[tilespmem:$0x150] =	vst v0  }
0x44a: {  	v0 =	vld [tilespmem:s18+$0x82E0];
	_ =	sdelay $0x4  }
0x44b: {  	[tilespmem:$0x160] =	vst v0  }
0x44c: {  	v0 =	vld [tilespmem:s18+$0x82F0];
	_ =	sdelay $0x4  }
0x44d: {  	[tilespmem:$0x170] =	vst v0  }
0x44e: {  	v0 =	vld [tilespmem:s18+$0x9680];
	_ =	sdelay $0x4  }
0x44f: {  	[tilespmem:$0x180] =	vst v0  }
0x450: {  	v0 =	vld [tilespmem:s18+$0x9690];
	_ =	sdelay $0x4  }
0x451: {  	[tilespmem:$0x190] =	vst v0  }
0x452: {  	v0 =	vld [tilespmem:s18+$0x96A0];
	_ =	sdelay $0x4  }
0x453: {  	[tilespmem:$0x1A0] =	vst v0  }
0x454: {  	v0 =	vld [tilespmem:s18+$0x96B0];
	_ =	sdelay $0x4  }
0x455: {  	[tilespmem:$0x1B0] =	vst v0  }
0x456: {  	v0 =	vld [tilespmem:s18+$0x96C0];
	_ =	sdelay $0x4  }
0x457: {  	[tilespmem:$0x1C0] =	vst v0  }
0x458: {  	v0 =	vld [tilespmem:s18+$0x96D0];
	_ =	sdelay $0x4  }
0x459: {  	[tilespmem:$0x1D0] =	vst v0  }
0x45a: {  	v0 =	vld [tilespmem:s18+$0x96E0];
	_ =	sdelay $0x4  }
0x45b: {  	[tilespmem:$0x1E0] =	vst v0  }
0x45c: {  	v0 =	vld [tilespmem:s18+$0x96F0];
	_ =	sdelay $0x4  }
0x45d: {  	[tilespmem:$0x1F0] =	vst v0  }
0x45e: {  	[tilespmem:s9], [sflag:$0x2] =	stream.indirect.gather [hbm4b:s3+s7], $0x80, s0, s7, $0xb8;
	[tilespmem:$0x1E600] =	vst v63  }
0x45f: {  	_ =	swait.ge [sflag:s10], $0x4000  }
0x460: {  	p1 =	seq.s32 s16, $0x4C00;
	[sflag:s10] =	ssyncset.done $0x0  }
0x461: {  	s17 =	simm.s32 @!p1 $0x3;
	[sflag:s10] =	ssyncadd.s32 $0xFFFFC000  }
0x462: {  	[spmem:s1] =	stream.indirect.scatter.add.f32 [tilespmem:s30], [sflag:$0x3], $0x80, s7, s7, $0xb8;
	[tilespmem:$0x1E600] =	vst v63  }
0x463: {  	_ =	swait.ge @!p1 [sflag:s17], $0x4000  }
0x464: {  	[sflag:s17] =	ssyncset.done @!p1 $0x0  }
0x465: {  	s16 =	sshra.s32 @!p1 s16, $0x2;
	[sflag:s17] =	ssyncadd.s32 @!p1 $0xFFFFC000  }
0x466: {  	v0 =	vld @!p1 [tilespmem:s16+$0x8300];
	_ =	sdelay $0x4  }
0x467: {  	[tilespmem:$0x0] =	vst @!p1 v0  }
0x468: {  	v0 =	vld @!p1 [tilespmem:s16+$0x8310];
	_ =	sdelay $0x4  }
0x469: {  	[tilespmem:$0x10] =	vst @!p1 v0  }
0x46a: {  	v0 =	vld @!p1 [tilespmem:s16+$0x8320];
	_ =	sdelay $0x4  }
0x46b: {  	[tilespmem:$0x20] =	vst @!p1 v0  }
0x46c: {  	v0 =	vld @!p1 [tilespmem:s16+$0x8330];
	_ =	sdelay $0x4  }
0x46d: {  	[tilespmem:$0x30] =	vst @!p1 v0  }
0x46e: {  	v0 =	vld @!p1 [tilespmem:s16+$0x8340];
	_ =	sdelay $0x4  }
0x46f: {  	[tilespmem:$0x40] =	vst @!p1 v0  }
0x470: {  	v0 =	vld @!p1 [tilespmem:s16+$0x8350];
	_ =	sdelay $0x4  }
0x471: {  	[tilespmem:$0x50] =	vst @!p1 v0  }
0x472: {  	v0 =	vld @!p1 [tilespmem:s16+$0x8360];
	_ =	sdelay $0x4  }
0x473: {  	[tilespmem:$0x60] =	vst @!p1 v0  }
0x474: {  	v0 =	vld @!p1 [tilespmem:s16+$0x8370];
	_ =	sdelay $0x4  }
0x475: {  	[tilespmem:$0x70] =	vst @!p1 v0  }
0x476: {  	v0 =	vld @!p1 [tilespmem:s16+$0x9700];
	_ =	sdelay $0x4  }
0x477: {  	[tilespmem:$0x80] =	vst @!p1 v0  }
0x478: {  	v0 =	vld @!p1 [tilespmem:s16+$0x9710];
	_ =	sdelay $0x4  }
0x479: {  	[tilespmem:$0x90] =	vst @!p1 v0  }
0x47a: {  	v0 =	vld @!p1 [tilespmem:s16+$0x9720];
	_ =	sdelay $0x4  }
0x47b: {  	[tilespmem:$0xA0] =	vst @!p1 v0  }
0x47c: {  	v0 =	vld @!p1 [tilespmem:s16+$0x9730];
	_ =	sdelay $0x4  }
0x47d: {  	[tilespmem:$0xB0] =	vst @!p1 v0  }
0x47e: {  	v0 =	vld @!p1 [tilespmem:s16+$0x9740];
	_ =	sdelay $0x4  }
0x47f: {  	[tilespmem:$0xC0] =	vst @!p1 v0  }
0x480: {  	v0 =	vld @!p1 [tilespmem:s16+$0x9750];
	_ =	sdelay $0x4  }
0x481: {  	[tilespmem:$0xD0] =	vst @!p1 v0  }
0x482: {  	v0 =	vld @!p1 [tilespmem:s16+$0x9760];
	_ =	sdelay $0x4  }
0x483: {  	[tilespmem:$0xE0] =	vst @!p1 v0  }
0x484: {  	v0 =	vld @!p1 [tilespmem:s16+$0x9770];
	_ =	sdelay $0x4  }
0x485: {  	s18 =	simm.s32 @!p1 $0x200;
	s17 =	simm.s32 @!p1 $0x0;
	s16 =	simm.s32 @!p1 $0x80;
	[tilespmem:$0xF0] =	vst @!p1 v0  }
0x486: {  	[tilespmem:s18], [sflag:$0x1] =	stream.indirect.gather @!p1 [hbm4b:s3+s16], $0x80, s17, s16, $0xb8;
	[tilespmem:$0x1E600] =	vst v63  }
0x487: {  	_ =	swait.ge [sflag:s11], $0x4000  }
0x488: {  	[sflag:s11] =	ssyncset.done $0x0  }
0x489: {  	[sflag:s11] =	ssyncadd.s32 $0xFFFFC000  }
0x48a: {  	[spmem:s1] =	stream.indirect.scatter.add.f32 [tilespmem:s9], [sflag:$0x4], $0x80, s12, s7, $0xb8;
	[tilespmem:$0x1E600] =	vst v63  }
.LBB2_12:
0x48b: {  	_ =	swait.ge [sflag:s13], $0x4000  }
0x48c: {  	[sflag:s13] =	ssyncset.done $0x0  }
0x48d: {  	[sflag:s13] =	ssyncadd.s32 $0xFFFFC000  }
0x48e: {  	_ =	swait.ge [sflag:s14], $0x4000  }
0x48f: {  	[sflag:s14] =	ssyncset.done $0x0  }
0x490: {  	[sflag:s14] =	ssyncadd.s32 $0xFFFFC000  }
0x491: {  	[bflag:$0x0] =	sbarrier.arrive $0xFFFF  }
0x492: {  	[tilespmem:s30], [sflag:$0x5] =	stream.linear.gather [spmem:s8], $0x4000, $0x38;
	[tilespmem:$0x1E600] =	vst v63  }
0x493: {  	_ =	swait.ge [sflag:s31], $0x4000  }
0x494: {  	[sflag:s31] =	ssyncset.done $0x0  }
0x495: {  	s16 =	simm.s32 $0x0;
	s17 =	rddreg [dreg:$0xc];
	[sflag:s31] =	ssyncadd.s32 $0xFFFFC000  }
0x496: {  	[hbm4b:s17+s16] =	stream.linear.scatter [tilespmem:s30], [sflag:$0x5], $0x4000, $0x38;
	[tilespmem:$0x1E600] =	vst v63  }
0x497: {  	_ =	swait.ge [sflag:s31], $0x4000  }
0x498: {  	[sflag:s31] =	ssyncset.done $0x0  }
0x499: {  	[sflag:s31] =	ssyncadd.s32 $0xFFFFC000  }
0x49a: {  	[tilespmem:s30], [sflag:$0x5] =	stream.linear.gather [spmem:s26], $0x4000, $0x38;
	[tilespmem:$0x1E600] =	vst v63  }
0x49b: {  	_ =	swait.ge [sflag:s31], $0x4000  }
0x49c: {  	[sflag:s31] =	ssyncset.done $0x0  }
0x49d: {  	s20 =	rddreg [dreg:$0xd];
	[sflag:s31] =	ssyncadd.s32 $0xFFFFC000  }
0x49e: {  	[hbm4b:s20+s16] =	stream.linear.scatter [tilespmem:s30], [sflag:$0x5], $0x4000, $0x38;
	[tilespmem:$0x1E600] =	vst v63  }
0x49f: {  	_ =	swait.ge [sflag:s31], $0x4000  }
0x4a0: {  	[sflag:s31] =	ssyncset.done $0x0  }
0x4a1: {  	[sflag:s31] =	ssyncadd.s32 $0xFFFFC000  }
0x4a2: {  	[tilespmem:s30], [sflag:$0x5] =	stream.linear.gather [spmem:s28], $0x4000, $0x38;
	[tilespmem:$0x1E600] =	vst v63  }
0x4a3: {  	_ =	swait.ge [sflag:s31], $0x4000  }
0x4a4: {  	[sflag:s31] =	ssyncset.done $0x0  }
0x4a5: {  	s18 =	rddreg [dreg:$0xe];
	[sflag:s31] =	ssyncadd.s32 $0xFFFFC000  }
0x4a6: {  	[hbm4b:s18+s16] =	stream.linear.scatter [tilespmem:s30], [sflag:$0x5], $0x4000, $0x38;
	[tilespmem:$0x1E600] =	vst v63  }
0x4a7: {  	_ =	swait.ge [sflag:s31], $0x4000  }
0x4a8: {  	[sflag:s31] =	ssyncset.done $0x0  }
0x4a9: {  	[sflag:s31] =	ssyncadd.s32 $0xFFFFC000  }
0x4aa: {  	[tilespmem:s30], [sflag:$0x5] =	stream.linear.gather [spmem:s29], $0x4000, $0x38;
	[tilespmem:$0x1E600] =	vst v63  }
0x4ab: {  	_ =	swait.ge [sflag:s31], $0x4000  }
0x4ac: {  	[sflag:s31] =	ssyncset.done $0x0  }
0x4ad: {  	s19 =	rddreg [dreg:$0xf];
	[sflag:s31] =	ssyncadd.s32 $0xFFFFC000  }
0x4ae: {  	[hbm4b:s19+s16] =	stream.linear.scatter [tilespmem:s30], [sflag:$0x5], $0x4000, $0x38;
	[tilespmem:$0x1E600] =	vst v63  }
0x4af: {  	_ =	swait.ge [sflag:s31], $0x4000  }
0x4b0: {  	[sflag:s31] =	ssyncset.done $0x0  }
0x4b1: {  	[sflag:s31] =	ssyncadd.s32 $0xFFFFC000  }
0x4b2: {  	[tilespmem:s30], [sflag:$0x5] =	stream.linear.gather [spmem:s24], $0x3C00, $0x38;
	[tilespmem:$0x1E600] =	vst v63  }
0x4b3: {  	_ =	swait.ge [sflag:s31], $0x3C00  }
0x4b4: {  	[sflag:s31] =	ssyncset.done $0x0  }
0x4b5: {  	s20 =	rddreg [dreg:$0x9];
	[sflag:s31] =	ssyncadd.s32 $0xFFFFC400  }
0x4b6: {  	[hbm4b:s20+s16] =	stream.linear.scatter [tilespmem:s30], [sflag:$0x5], $0x3C00, $0x38;
	[tilespmem:$0x1E600] =	vst v63  }
0x4b7: {  	_ =	swait.ge [sflag:s31], $0x3C00  }
0x4b8: {  	[sflag:s31] =	ssyncset.done $0x0  }
0x4b9: {  	[sflag:s31] =	ssyncadd.s32 $0xFFFFC400  }
0x4ba: {  	[bflag:$0x0] =	sbarrier.arrive $0xFFFF  }
0x4bb: {  	[tilespmem:s30], [sflag:$0x5] =	stream.linear.gather [hbm4b:s6+s16], $0x4000, $0x38;
	[tilespmem:$0x1E600] =	vst v63  }
0x4bc: {  	_ =	swait.ge [sflag:s31], $0x4000  }
0x4bd: {  	[sflag:s31] =	ssyncset.done $0x0  }
0x4be: {  	[sflag:s31] =	ssyncadd.s32 $0xFFFFC000  }
0x4bf: {  	[spmem:s8] =	stream.linear.scatter [tilespmem:s30], [sflag:$0x5], $0x4000, $0x38;
	[tilespmem:$0x1E600] =	vst v63  }
0x4c0: {  	_ =	swait.ge [sflag:s31], $0x4000  }
0x4c1: {  	[sflag:s31] =	ssyncset.done $0x0  }
0x4c2: {  	[sflag:s31] =	ssyncadd.s32 $0xFFFFC000  }
0x4c3: {  	[spmem:s26] =	stream.linear.scatter [tilespmem:s30], [sflag:$0x5], $0x4000, $0x38;
	[tilespmem:$0x1E600] =	vst v63  }
0x4c4: {  	_ =	swait.ge [sflag:s31], $0x4000  }
0x4c5: {  	[sflag:s31] =	ssyncset.done $0x0  }
0x4c6: {  	[sflag:s31] =	ssyncadd.s32 $0xFFFFC000  }
0x4c7: {  	[spmem:s28] =	stream.linear.scatter [tilespmem:s30], [sflag:$0x5], $0x4000, $0x38;
	[tilespmem:$0x1E600] =	vst v63  }
0x4c8: {  	_ =	swait.ge [sflag:s31], $0x4000  }
0x4c9: {  	[sflag:s31] =	ssyncset.done $0x0  }
0x4ca: {  	[sflag:s31] =	ssyncadd.s32 $0xFFFFC000  }
0x4cb: {  	[spmem:s29] =	stream.linear.scatter [tilespmem:s30], [sflag:$0x5], $0x4000, $0x38;
	[tilespmem:$0x1E600] =	vst v63  }
0x4cc: {  	_ =	swait.ge [sflag:s31], $0x4000  }
0x4cd: {  	[sflag:s31] =	ssyncset.done $0x0  }
0x4ce: {  	[sflag:s31] =	ssyncadd.s32 $0xFFFFC000  }
0x4cf: {  	[spmem:s24] =	stream.linear.scatter [tilespmem:s30], [sflag:$0x5], $0x3C00, $0x38;
	[tilespmem:$0x1E600] =	vst v63  }
0x4d0: {  	_ =	swait.ge [sflag:s31], $0x3C00  }
0x4d1: {  	[sflag:s31] =	ssyncset.done $0x0  }
0x4d2: {  	[sflag:s31] =	ssyncadd.s32 $0xFFFFC400  }
0x4d3: {  	[bflag:$0x0] =	sbarrier.arrive $0xFFFF  }
0x4d4: {  	s18 =	rddreg [dreg:$0xa]  }
0x4d5: {  	[tilespmem:s5], [sflag:$0x5] =	stream.linear.gather [hbm4b:s18+s16], $0x1400, $0x38;
	[tilespmem:$0x1E600] =	vst v63  }
0x4d6: {  	_ =	swait.ge [sflag:s31], $0x1400  }
0x4d7: {  	[sflag:s31] =	ssyncset.done $0x0  }
0x4d8: {  	s19 =	rddreg [dreg:$0x4];
	[sflag:s31] =	ssyncadd.s32 $0xFFFFEC00  }
0x4d9: {  	[tilespmem:s30], [sflag:$0x5] =	stream.linear.gather [hbm4b:s19+s16], $0x4000, $0x38;
	[tilespmem:$0x1E600] =	vst v63  }
0x4da: {  	_ =	swait.ge [sflag:s31], $0x4000  }
0x4db: {  	[sflag:s31] =	ssyncset.done $0x0  }
0x4dc: {  	[sflag:s31] =	ssyncadd.s32 $0xFFFFC000  }
0x4dd: {  	v0 =	vld [tilespmem:$0x9600]  }
0x4de: {  	v1 =	vld [tilespmem:$0x9610]  }
0x4df: {  	v2 =	vld [tilespmem:$0x9620]  }
0x4e0: {  	v3 =	vld [tilespmem:$0x9630]  }
0x4e1: {  	v4 =	vld [tilespmem:$0x9640]  }
0x4e2: {  	v51 =	vld [tilespmem:$0x9650];
	[tilespmem:$0x80] =	vst v0  }
0x4e3: {  	v52 =	vld [tilespmem:$0x9660];
	[tilespmem:$0x90] =	vst v1  }
0x4e4: {  	v53 =	vld [tilespmem:$0x9670];
	[tilespmem:$0xA0] =	vst v2  }
0x4e5: {  	[tilespmem:$0xB0] =	vst v3  }
0x4e6: {  	[tilespmem:$0xC0] =	vst v4  }
0x4e7: {  	[tilespmem:$0xD0] =	vst v51  }
0x4e8: {  	[tilespmem:$0xE0] =	vst v52  }
0x4e9: {  	[tilespmem:$0xF0] =	vst v53  }
0x4ea: {  	[spmem:s1] =	stream.indirect.scatter.add.f32 [tilespmem:s30], [sflag:$0x3], $0x80, s7, s7, $0xb8;
	[tilespmem:$0x1E600] =	vst v63  }
0x4eb: {  	v54 =	vld [tilespmem:$0x9680]  }
0x4ec: {  	v55 =	vld [tilespmem:$0x9690]  }
0x4ed: {  	v56 =	vld [tilespmem:$0x96A0]  }
0x4ee: {  	v57 =	vld [tilespmem:$0x96B0]  }
0x4ef: {  	v58 =	vld [tilespmem:$0x96C0]  }
0x4f0: {  	v59 =	vld [tilespmem:$0x96D0];
	[tilespmem:$0x180] =	vst v54  }
0x4f1: {  	v60 =	vld [tilespmem:$0x96E0];
	[tilespmem:$0x190] =	vst v55  }
0x4f2: {  	v61 =	vld [tilespmem:$0x96F0];
	[tilespmem:$0x1A0] =	vst v56  }
0x4f3: {  	[tilespmem:$0x1B0] =	vst v57  }
0x4f4: {  	[tilespmem:$0x1C0] =	vst v58  }
0x4f5: {  	[tilespmem:$0x1D0] =	vst v59  }
0x4f6: {  	[tilespmem:$0x1E0] =	vst v60  }
0x4f7: {  	[tilespmem:$0x1F0] =	vst v61  }
0x4f8: {  	[spmem:s1] =	stream.indirect.scatter.add.f32 [tilespmem:s30], [sflag:$0x4], $0x80, s12, s7, $0xb8;
	[tilespmem:$0x1E600] =	vst v63  }
0x4f9: {  	_ =	swait.ge [sflag:s13], $0x4000  }
0x4fa: {  	[sflag:s13] =	ssyncset.done $0x0  }
0x4fb: {  	s20 =	simm.s32 $0x0;
	[sflag:s13] =	ssyncadd.s32 $0xFFFFC000  }
0x4fc: {  	v62 =	vld [tilespmem:s20+$0x9700];
	_ =	sdelay $0x4  }
0x4fd: {  	[tilespmem:$0x80] =	vst v62  }
0x4fe: {  	v0 =	vld [tilespmem:s20+$0x9710];
	_ =	sdelay $0x4  }
0x4ff: {  	[tilespmem:$0x90] =	vst v0  }
0x500: {  	v0 =	vld [tilespmem:s20+$0x9720];
	_ =	sdelay $0x4  }
0x501: {  	[tilespmem:$0xA0] =	vst v0  }
0x502: {  	v0 =	vld [tilespmem:s20+$0x9730];
	_ =	sdelay $0x4  }
0x503: {  	[tilespmem:$0xB0] =	vst v0  }
0x504: {  	v0 =	vld [tilespmem:s20+$0x9740];
	_ =	sdelay $0x4  }
0x505: {  	[tilespmem:$0xC0] =	vst v0  }
0x506: {  	v0 =	vld [tilespmem:s20+$0x9750];
	_ =	sdelay $0x4  }
0x507: {  	[tilespmem:$0xD0] =	vst v0  }
0x508: {  	v0 =	vld [tilespmem:s20+$0x9760];
	_ =	sdelay $0x4  }
0x509: {  	[tilespmem:$0xE0] =	vst v0  }
0x50a: {  	v0 =	vld [tilespmem:s20+$0x9770];
	_ =	sdelay $0x4  }
0x50b: {  	[tilespmem:$0xF0] =	vst v0  }
0x50c: {  	[spmem:s1] =	stream.indirect.scatter.add.f32 [tilespmem:s30], [sflag:$0x3], $0x80, s7, s7, $0xb8;
	[tilespmem:$0x1E600] =	vst v63  }
0x50d: {  	_ =	swait.ge [sflag:s14], $0x4000  }
0x50e: {  	[sflag:s14] =	ssyncset.done $0x0  }
0x50f: {  	[sflag:s14] =	ssyncadd.s32 $0xFFFFC000  }
0x510: {  	v63 =	vld [tilespmem:s20+$0x9780];
	_ =	sdelay $0x4  }
0x511: {  	[tilespmem:$0x180] =	vst v63  }
0x512: {  	v0 =	vld [tilespmem:s20+$0x9790];
	_ =	sdelay $0x4  }
0x513: {  	[tilespmem:$0x190] =	vst v0  }
0x514: {  	v0 =	vld [tilespmem:s20+$0x97A0];
	_ =	sdelay $0x4  }
0x515: {  	[tilespmem:$0x1A0] =	vst v0  }
0x516: {  	v0 =	vld [tilespmem:s20+$0x97B0];
	_ =	sdelay $0x4  }
0x517: {  	[tilespmem:$0x1B0] =	vst v0  }
0x518: {  	v0 =	vld [tilespmem:s20+$0x97C0];
	_ =	sdelay $0x4  }
0x519: {  	[tilespmem:$0x1C0] =	vst v0  }
0x51a: {  	v0 =	vld [tilespmem:s20+$0x97D0];
	_ =	sdelay $0x4  }
0x51b: {  	[tilespmem:$0x1D0] =	vst v0  }
0x51c: {  	v0 =	vld [tilespmem:s20+$0x97E0];
	_ =	sdelay $0x4  }
0x51d: {  	[tilespmem:$0x1E0] =	vst v0  }
0x51e: {  	v0 =	vld [tilespmem:s20+$0x97F0];
	_ =	sdelay $0x4  }
0x51f: {  	s16 =	simm.s32 $0x400;
	[tilespmem:$0x1F0] =	vst v0  }
.LBB2_13:
0x520: {  	[spmem:s1] =	stream.indirect.scatter.add.f32 [tilespmem:s30], [sflag:$0x4], $0x80, s12, s7, $0xb8;
	[tilespmem:$0x1E600] =	vst v63  }
0x521: {  	s17 =	smov.u32 s16  }
0x522: {  	p1 =	sne.s32 s16, $0x4800;
	s16 =	sadd.s32 $0x400, s16;
	_ =	swait.ge [sflag:s13], $0x4000  }
0x523: {  	[sflag:s13] =	ssyncset.done $0x0  }
0x524: {  	s17 =	sshra.s32 s17, $0x2;
	[sflag:s13] =	ssyncadd.s32 $0xFFFFC000  }
0x525: {  	v0 =	vld [tilespmem:s17+$0x9700];
	_ =	sdelay $0x4  }
0x526: {  	[tilespmem:$0x80] =	vst v0  }
0x527: {  	v0 =	vld [tilespmem:s17+$0x9710];
	_ =	sdelay $0x4  }
0x528: {  	[tilespmem:$0x90] =	vst v0  }
0x529: {  	v0 =	vld [tilespmem:s17+$0x9720];
	_ =	sdelay $0x4  }
0x52a: {  	[tilespmem:$0xA0] =	vst v0  }
0x52b: {  	v0 =	vld [tilespmem:s17+$0x9730];
	_ =	sdelay $0x4  }
0x52c: {  	[tilespmem:$0xB0] =	vst v0  }
0x52d: {  	v0 =	vld [tilespmem:s17+$0x9740];
	_ =	sdelay $0x4  }
0x52e: {  	[tilespmem:$0xC0] =	vst v0  }
0x52f: {  	v0 =	vld [tilespmem:s17+$0x9750];
	_ =	sdelay $0x4  }
0x530: {  	[tilespmem:$0xD0] =	vst v0  }
0x531: {  	v0 =	vld [tilespmem:s17+$0x9760];
	_ =	sdelay $0x4  }
0x532: {  	[tilespmem:$0xE0] =	vst v0  }
0x533: {  	v0 =	vld [tilespmem:s17+$0x9770];
	_ =	sdelay $0x4  }
0x534: {  	[tilespmem:$0xF0] =	vst v0  }
0x535: {  	[spmem:s1] =	stream.indirect.scatter.add.f32 [tilespmem:s30], [sflag:$0x3], $0x80, s7, s7, $0xb8;
	[tilespmem:$0x1E600] =	vst v63  }
0x536: {  	_ =	swait.ge [sflag:s14], $0x4000  }
0x537: {  	[sflag:s14] =	ssyncset.done $0x0  }
0x538: {  	[sflag:s14] =	ssyncadd.s32 $0xFFFFC000  }
0x539: {  	v0 =	vld [tilespmem:s17+$0x9780];
	_ =	sdelay $0x4  }
0x53a: {  	[tilespmem:$0x180] =	vst v0  }
0x53b: {  	v0 =	vld [tilespmem:s17+$0x9790];
	_ =	sdelay $0x4  }
0x53c: {  	[tilespmem:$0x190] =	vst v0  }
0x53d: {  	v0 =	vld [tilespmem:s17+$0x97A0];
	_ =	sdelay $0x4  }
0x53e: {  	[tilespmem:$0x1A0] =	vst v0  }
0x53f: {  	v0 =	vld [tilespmem:s17+$0x97B0];
	_ =	sdelay $0x4  }
0x540: {  	[tilespmem:$0x1B0] =	vst v0  }
0x541: {  	v0 =	vld [tilespmem:s17+$0x97C0];
	_ =	sdelay $0x4  }
0x542: {  	[tilespmem:$0x1C0] =	vst v0  }
0x543: {  	v0 =	vld [tilespmem:s17+$0x97D0];
	_ =	sdelay $0x4  }
0x544: {  	[tilespmem:$0x1D0] =	vst v0  }
0x545: {  	v0 =	vld [tilespmem:s17+$0x97E0];
	_ =	sdelay $0x4  }
0x546: {  	[tilespmem:$0x1E0] =	vst v0  }
0x547: {  	v0 =	vld [tilespmem:s17+$0x97F0]  }
.Ltmp6:
0x548: {  	(pc) =	sbr.rel @p1 .LBB2_13-.Ltmp6, $2  }
0x549: {  	_ =	sdelay $0x2  }
0x54a: {  	[tilespmem:$0x1F0] =	vst v0  }
0x54b: {  	[spmem:s1] =	stream.indirect.scatter.add.f32 [tilespmem:s30], [sflag:$0x4], $0x80, s12, s7, $0xb8;
	[tilespmem:$0x1E600] =	vst v63  }
0x54c: {  	_ =	swait.ge [sflag:s13], $0x4000  }
0x54d: {  	[sflag:s13] =	ssyncset.done $0x0  }
0x54e: {  	[sflag:s13] =	ssyncadd.s32 $0xFFFFC000  }
0x54f: {  	_ =	swait.ge [sflag:s14], $0x4000  }
0x550: {  	[sflag:s14] =	ssyncset.done $0x0  }
0x551: {  	[sflag:s14] =	ssyncadd.s32 $0xFFFFC000  }
0x552: {  	[bflag:$0x0] =	sbarrier.arrive $0xFFFF  }
0x553: {  	[tilespmem:s30], [sflag:$0x5] =	stream.linear.gather [spmem:s8], $0x4000, $0x38;
	[tilespmem:$0x1E600] =	vst v63  }
0x554: {  	_ =	swait.ge [sflag:s31], $0x4000  }
0x555: {  	[sflag:s31] =	ssyncset.done $0x0  }
0x556: {  	s16 =	rddreg [dreg:$0x10];
	[sflag:s31] =	ssyncadd.s32 $0xFFFFC000  }
0x557: {  	[hbm4b:s16+s2] =	stream.linear.scatter [tilespmem:s30], [sflag:$0x5], $0x4000, $0x38;
	[tilespmem:$0x1E600] =	vst v63  }
0x558: {  	_ =	swait.ge [sflag:s31], $0x4000  }
0x559: {  	[sflag:s31] =	ssyncset.done $0x0  }
0x55a: {  	[sflag:s31] =	ssyncadd.s32 $0xFFFFC000  }
0x55b: {  	[tilespmem:s30], [sflag:$0x5] =	stream.linear.gather [spmem:s26], $0x4000, $0x38;
	[tilespmem:$0x1E600] =	vst v63  }
0x55c: {  	_ =	swait.ge [sflag:s31], $0x4000  }
0x55d: {  	[sflag:s31] =	ssyncset.done $0x0  }
0x55e: {  	[sflag:s31] =	ssyncadd.s32 $0xFFFFC000  }
0x55f: {  	[hbm4b:s21+s2] =	stream.linear.scatter [tilespmem:s30], [sflag:$0x5], $0x4000, $0x38;
	[tilespmem:$0x1E600] =	vst v63  }
0x560: {  	_ =	swait.ge [sflag:s31], $0x4000  }
0x561: {  	[sflag:s31] =	ssyncset.done $0x0  }
0x562: {  	[sflag:s31] =	ssyncadd.s32 $0xFFFFC000  }
0x563: {  	[tilespmem:s30], [sflag:$0x5] =	stream.linear.gather [spmem:s28], $0x4000, $0x38;
	[tilespmem:$0x1E600] =	vst v63  }
0x564: {  	_ =	swait.ge [sflag:s31], $0x4000  }
0x565: {  	[sflag:s31] =	ssyncset.done $0x0  }
0x566: {  	[sflag:s31] =	ssyncadd.s32 $0xFFFFC000  }
0x567: {  	[hbm4b:s22+s2] =	stream.linear.scatter [tilespmem:s30], [sflag:$0x5], $0x4000, $0x38;
	[tilespmem:$0x1E600] =	vst v63  }
0x568: {  	_ =	swait.ge [sflag:s31], $0x4000  }
0x569: {  	[sflag:s31] =	ssyncset.done $0x0  }
0x56a: {  	[sflag:s31] =	ssyncadd.s32 $0xFFFFC000  }
0x56b: {  	[tilespmem:s30], [sflag:$0x5] =	stream.linear.gather [spmem:s29], $0x4000, $0x38;
	[tilespmem:$0x1E600] =	vst v63  }
0x56c: {  	_ =	swait.ge [sflag:s31], $0x4000  }
0x56d: {  	[sflag:s31] =	ssyncset.done $0x0  }
0x56e: {  	[sflag:s31] =	ssyncadd.s32 $0xFFFFC000  }
0x56f: {  	[hbm4b:s23+s2] =	stream.linear.scatter [tilespmem:s30], [sflag:$0x5], $0x4000, $0x38;
	[tilespmem:$0x1E600] =	vst v63  }
0x570: {  	_ =	swait.ge [sflag:s31], $0x4000  }
0x571: {  	[sflag:s31] =	ssyncset.done $0x0  }
0x572: {  	[sflag:s31] =	ssyncadd.s32 $0xFFFFC000  }
0x573: {  	[tilespmem:s30], [sflag:$0x5] =	stream.linear.gather [spmem:s24], $0x3C00, $0x38;
	[tilespmem:$0x1E600] =	vst v63  }
0x574: {  	s15 =	sadd.s32 $0x1, s15;
	_ =	swait.ge [sflag:s31], $0x3C00  }
0x575: {  	p1 =	sne.s32 s15, s25;
	[sflag:s31] =	ssyncset.done $0x0  }
.Ltmp7:
0x576: {  	s20 =	rddreg [dreg:$0xb];
	[sflag:s31] =	ssyncadd.s32 $0xFFFFC400;
	(pc) =	sbr.rel @p1 .LBB2_1-.Ltmp7, $4  }
0x577: {  	[hbm4b:s20+s2] =	stream.linear.scatter [tilespmem:s30], [sflag:$0x5], $0x3C00, $0x38;
	[tilespmem:$0x1E600] =	vst v63  }
0x578: {  	_ =	swait.ge [sflag:s31], $0x3C00  }
0x579: {  	[sflag:s31] =	ssyncset.done $0x0  }
0x57a: {  	[sflag:s31] =	ssyncadd.s32 $0xFFFFC400  }
0x57b: {  	_ =	sfence.sel $0x180000  }
0x57c: {  	[bflag:$0x0] =	sbarrier.arrive $0xFFFF  }
0x57d: {  	_ =	strace $0x90000047  }
0x57e: {  	s0 =	stileid.u32;
	[bflag:$0x2] =	sbarrier.arrive $0xFFFF  }
0x57f: {  	p0 =	sne.s32 s0, $0x0;
	s0 =	rddreg [dreg:$0x3]  }
0x580: {  	s0 =	sadd.s32 @!p0 $0x100000, s0  }
0x581: {  	[sflag:s0] =	ssyncadd.tile.s32 @!p0 $0x1;
	_ =	shalt  }
.Lfunc_end2:
_tile_overlayer_lowered:
.L_overlay_start_2:
0x582: {  	(tag) =	ssettag $0x2  }
0x583: {  	s0 =	rddreg [dreg:$0x0];
	s2 =	stileid.u32  }
0x584: {  	s1 =	rddreg [dreg:$0x1];
	p0 =	sne.s32 s2, $0x0  }
0x585: {  	s3 =	rddreg [dreg:$0x2];
	[bflag:$0x3] =	sbarrier.arrive $0xFFFF;
	s2 =	simm.s32 @!p0 $0x1C05  }
0x586: {  	[timem:s3], [sflag:s2] =	dma.local @!p0 [hbm:s0], s1  }
0x587: {  	s0 =	simm.s32 @!p0 $0x5  }
0x588: {  	_ =	swait.ge @!p0 [sflag:s0], s1  }
0x589: {  	s1 =	ssub.s32 @!p0 $0x0, s1;
	[sflag:s0] =	ssyncset.done @!p0 $0x0  }
0x58a: {  	[sflag:s0] =	ssyncadd.s32 @!p0 s1  }
0x58b: {  	[bflag:$0x3] =	sbarrier.arrive $0xFFFF  }
0x58c: {  	_ =	shalt  }

</sc_bundles>
